<compile_context>
chip_gen: v7x
topology: tpu7x:2x2x1
jax: 0.10.2.dev20260603
libtpu: 0.0.44.dev20260713+nightly
codegen_flags: <defaults>
</compile_context>

<pallas_src>
import functools

import jax
import jax.numpy as jnp
from jax import lax
from jax.experimental import pallas as pl
from jax.experimental.pallas import tpu as pltpu
from jax.experimental.pallas import tpu_sc as plsc

NC, NS = 2, 16
NW = NC * NS
NB = 4
PD = 128
PH = 64
L = 16


@functools.lru_cache(maxsize=None)
def _build(BATCH, HIST, D):
    b_per_w = BATCH // NW
    n_chunks = b_per_w // NB
    assert n_chunks % 2 == 0 and n_chunks >= 6

    mesh = plsc.VectorSubcoreMesh(
        core_axis_name="c", subcore_axis_name="s",
        num_cores=NC, num_subcores=NS)

    @functools.partial(
        pl.kernel,
        mesh=mesh,
        compiler_params=pltpu.CompilerParams(use_tc_tiling_on_sc=True),
        out_type=jax.ShapeDtypeStruct((BATCH, HIST, D), jnp.float32),
        scratch_types=[
            pltpu.VMEM((2 * NB, PH), jnp.int32),
            pltpu.VMEM((2 * NB, PH, PD), jnp.float32),
            pltpu.VMEM((2 * NB, HIST, D), jnp.float32),
            pltpu.SemaphoreType.DMA((2,)),
            pltpu.SemaphoreType.DMA((2,)),
        ],
    )
    def gather_kernel(idx_hbm, table_hbm, out_hbm, idx_v, rows_v, comp_v,
                      gsem, osem):
        wid = lax.axis_index("s") * NC + lax.axis_index("c")
        b_base = wid * b_per_w

        def fire(c, s):
            b0 = b_base + c * NB
            pltpu.sync_copy(idx_hbm.at[pl.ds(b0, NB)],
                            idx_v.at[pl.ds(s * NB, NB)])
            for i in range(NB):
                pltpu.async_copy(
                    table_hbm.at[idx_v.at[s * NB + i]],
                    rows_v.at[s * NB + i],
                    gsem.at[s])

        def wait_gathers(s):
            for i in range(NB):
                pltpu.make_async_copy(
                    table_hbm.at[pl.ds(0, PH)], rows_v.at[s * NB + i],
                    gsem.at[s]).wait()

        def compact(s):
            def comp_row(h, carry):
                for i in range(NB):
                    for j in range(D // L):
                        comp_v[s * NB + i, h, pl.ds(j * L, L)] = (
                            rows_v[s * NB + i, h, pl.ds(j * L, L)])
                return carry

            lax.fori_loop(0, HIST, comp_row, 0)

        def write(c, s):
            b0 = b_base + c * NB
            pltpu.async_copy(
                comp_v.at[pl.ds(s * NB, NB)], out_hbm.at[pl.ds(b0, NB)],
                osem.at[s])

        def drain_out(s):
            pltpu.make_async_copy(
                out_hbm.at[pl.ds(b_base, NB)], comp_v.at[pl.ds(s * NB, NB)],
                osem.at[s]).wait()

        def retire(c, s):
            wait_gathers(s)
            compact(s)
            write(c, s)

        fire(0, 0)
        fire(1, 1)
        retire(0, 0)
        drain_out(0)
        fire(2, 0)
        retire(1, 1)

        def body(g, carry):
            c0 = 2 * g
            drain_out(1)
            fire(c0 + 1, 1)
            retire(c0, 0)
            drain_out(0)
            fire(c0 + 2, 0)
            retire(c0 + 1, 1)
            return carry

        lax.fori_loop(1, n_chunks // 2 - 1, body, 0)

        c0 = n_chunks - 2
        drain_out(1)
        fire(c0 + 1, 1)
        retire(c0, 0)
        retire(c0 + 1, 1)
        drain_out(0)
        drain_out(1)

    return gather_kernel


def kernel(token_ids, w):
    BATCH, HIST = token_ids.shape
    V, D = w.shape
    idx2 = jnp.pad(token_ids.astype(jnp.int32), ((0, 0), (0, PH - HIST)))
    w_pad = jnp.pad(w, ((0, 0), (0, PD - D)))
    return _build(BATCH, HIST, D)(idx2, w_pad)

# --- scband reference (transcript-rebuilt; emitter-appended) ---
"""Pipeline reference for scband-embedding-39006892982888 (READ-ONLY COPY).

The authoritative reference and input builder live on the scoring server;
editing this copy changes nothing except your own understanding.
"""

import jax, jax.numpy as jnp
import numpy as np

VOCAB = 1000000
EMBED_DIM = 64
BATCH = 16384
HIST = 50

def setup_inputs(seed: int = 0) -> dict:
    key = jax.random.key(seed)
    k_idx, k_w = jax.random.split(key)
    token_ids = jax.random.randint(k_idx, (BATCH, HIST), 0, VOCAB, dtype=jnp.int64 if jax.config.jax_enable_x64 else jnp.int32)
    # truncated normal init to mimic nn.init.trunc_normal_ (mean 0, std 1, trunc [-2, 2])
    w = jax.random.truncated_normal(k_w, -2.0, 2.0, (VOCAB, EMBED_DIM), dtype=jnp.float32)
    return {"token_ids": token_ids, "w": w}

def reference(token_ids, w):
    # faithful to: return self.w[token_ids]
    return jnp.take(w, token_ids, axis=0)

if __name__ == "__main__":
    import jax
    _d = setup_inputs()
    print(jax.jit(kernel)(*tuple(_d.values())))

</pallas_src>

<mosaic_0001>
#map = affine_map<(d0, d1) -> (0, 0)>
#map1 = affine_map<(d0, d1) -> (0, 0, 0)>
module attributes {stable_mosaic.version = 14 : i64} {
  func.func @gather_kernel(%arg0: i32, %arg1: i32, %arg2: memref<16384x64xi32, #tpu.memory_space<hbm>>, %arg3: memref<1000000x128xf32, #tpu.memory_space<hbm>>, %arg4: memref<16384x50x64xf32, #tpu.memory_space<hbm>>, %arg5: memref<8x64xi32, #tpu.memory_space<vmem>>, %arg6: memref<8x64x128xf32, #tpu.memory_space<vmem>>, %arg7: memref<8x50x64xf32, #tpu.memory_space<vmem>>, %arg8: memref<2x!tpu.dma_semaphore, #tpu.memory_space<semaphore_mem>>, %arg9: memref<2x!tpu.dma_semaphore, #tpu.memory_space<semaphore_mem>>) attributes {dimension_semantics = [#tpu.dimension_semantics<core_parallel>, #tpu.dimension_semantics<subcore_parallel>], iteration_bounds = array<i64: 2, 16>, scalar_prefetch = 0 : i64, scratch_operands = 5 : i64, tpu.core_type = #tpu.core_type<sc_vector_subcore>, window_params = [{transform_indices = #map}, {transform_indices = #map}, {transform_indices = #map1}]} {
    %mul3A = arith.constant 2 : i32
    %mul3A_0 = arith.muli %arg1, %mul3A : i32
    %add3A = arith.addi %mul3A_0, %arg0 : i32
    %mul3A_1 = arith.constant 512 : i32
    %mul3A_2 = arith.muli %add3A, %mul3A_1 : i32
    %add3A_3 = arith.constant 0 : i32
    %add3A_4 = arith.addi %mul3A_2, %add3A_3 : i32
    "tpu.region"() ({
      %run_scoped3A = tpu.sem_alloc : memref<!tpu.dma_semaphore, #tpu.memory_space<semaphore_mem>>
      %dma_start3A_710 = arith.constant 0 : i32
      %dma_start3A_711 = arith.constant 0 : i32
      %dma_start3A_712 = tpu.memref_slice %arg5[%dma_start3A_710, %dma_start3A_711] : memref<8x64xi32, #tpu.memory_space<vmem>> -> memref<4x64xi32, #tpu.memory_space<vmem>>
      %dma_start3A_713 = arith.constant 0 : i32
      %dma_start3A_714 = tpu.memref_slice %arg2[%add3A_4, %dma_start3A_713] : memref<16384x64xi32, #tpu.memory_space<hbm>> -> memref<4x64xi32, #tpu.memory_space<hbm>>
      %dma_start3A_715 = arith.constant 0 : i32
      %dma_start3A_716 = arith.constant 0 : i32
      %dma_start3A_717 = tpu.memref_slice %arg5[%dma_start3A_715, %dma_start3A_716] : memref<8x64xi32, #tpu.memory_space<vmem>> -> memref<4x64xi32, #tpu.memory_space<vmem>>
      %dma_start3A_718 = arith.constant 0 : i32
      %dma_start3A_719 = tpu.memref_slice %arg2[%add3A_4, %dma_start3A_718] : memref<16384x64xi32, #tpu.memory_space<hbm>> -> memref<4x64xi32, #tpu.memory_space<hbm>>
      tpu.enqueue_dma source(%dma_start3A_719 : memref<4x64xi32, #tpu.memory_space<hbm>>) target(%dma_start3A_717 : memref<4x64xi32, #tpu.memory_space<vmem>>) target_semaphore(%run_scoped3A : memref<!tpu.dma_semaphore, #tpu.memory_space<semaphore_mem>>)
      %dma_wait3A_720 = arith.constant 0 : i32
      %dma_wait3A_721 = arith.constant 0 : i32
      %dma_wait3A_722 = tpu.memref_slice %arg5[%dma_wait3A_720, %dma_wait3A_721] : memref<8x64xi32, #tpu.memory_space<vmem>> -> memref<4x64xi32, #tpu.memory_space<vmem>>
      %dma_wait3A_723 = arith.constant 0 : i32
      %dma_wait3A_724 = tpu.memref_slice %arg2[%add3A_4, %dma_wait3A_723] : memref<16384x64xi32, #tpu.memory_space<hbm>> -> memref<4x64xi32, #tpu.memory_space<hbm>>
      %dma_wait3A_725 = arith.constant 0 : i32
      %dma_wait3A_726 = arith.constant 0 : i32
      %dma_wait3A_727 = tpu.memref_slice %arg5[%dma_wait3A_725, %dma_wait3A_726] : memref<8x64xi32, #tpu.memory_space<vmem>> -> memref<4x64xi32, #tpu.memory_space<vmem>>
      %dma_wait3A_728 = arith.constant 0 : i32
      %dma_wait3A_729 = tpu.memref_slice %arg2[%add3A_4, %dma_wait3A_728] : memref<16384x64xi32, #tpu.memory_space<hbm>> -> memref<4x64xi32, #tpu.memory_space<hbm>>
      tpu.wait_dma2 semaphore(%run_scoped3A : memref<!tpu.dma_semaphore, #tpu.memory_space<semaphore_mem>>) src(%dma_wait3A_729 : memref<4x64xi32, #tpu.memory_space<hbm>>) dst(%dma_wait3A_727 : memref<4x64xi32, #tpu.memory_space<vmem>>)
      tpu.yield
    }) : () -> ()
    %dma_start3A = arith.constant 0 : i32
    %dma_start3A_5 = arith.constant 0 : i32
    %dma_start3A_6 = arith.constant 0 : i32
    %dma_start3A_7 = arith.constant 0 : i32
    %dma_start3A_8 = arith.constant 0 : i32
    %dma_start3A_9 = tpu.memref_slice %arg6[%dma_start3A_5, %dma_start3A_7, %dma_start3A_8] : memref<8x64x128xf32, #tpu.memory_space<vmem>> -> memref<1x64x128xf32, #tpu.memory_space<vmem>>
    %dma_start3A_10 = tpu.memref_squeeze %dma_start3A_9 : memref<1x64x128xf32, #tpu.memory_space<vmem>> -> memref<64x128xf32, #tpu.memory_space<vmem>>
    %dma_start3A_11 = arith.constant 0 : i32
    %dma_start3A_12 = tpu.memref_slice %arg5[%dma_start3A, %dma_start3A_11] : memref<8x64xi32, #tpu.memory_space<vmem>> -> memref<1x64xi32, #tpu.memory_space<vmem>>
    %dma_start3A_13 = tpu.memref_squeeze %dma_start3A_12 : memref<1x64xi32, #tpu.memory_space<vmem>> -> memref<64xi32, #tpu.memory_space<vmem>>
    %dma_start3A_14 = arith.constant 0 : i32
    %dma_start3A_15 = arith.constant 0 : i32
    %dma_start3A_16 = tpu.memref_slice %arg3[%dma_start3A_14, %dma_start3A_15] : memref<1000000x128xf32, #tpu.memory_space<hbm>> -> memref<1000000x128xf32, #tpu.memory_space<hbm>>
    %dma_start3A_17 = tpu.memref_slice %arg8[%dma_start3A_6] : memref<2x!tpu.dma_semaphore, #tpu.memory_space<semaphore_mem>> -> memref<1x!tpu.dma_semaphore, #tpu.memory_space<semaphore_mem>>
    %dma_start3A_18 = tpu.memref_squeeze %dma_start3A_17 : memref<1x!tpu.dma_semaphore, #tpu.memory_space<semaphore_mem>> -> memref<!tpu.dma_semaphore, #tpu.memory_space<semaphore_mem>>
    tpu.enqueue_indirect_dma source(%dma_start3A_16 : memref<1000000x128xf32, #tpu.memory_space<hbm>>) target(%dma_start3A_10 : memref<64x128xf32, #tpu.memory_space<vmem>>) offsets(%dma_start3A_13 : memref<64xi32, #tpu.memory_space<vmem>>) semaphore(%dma_start3A_18 : memref<!tpu.dma_semaphore, #tpu.memory_space<semaphore_mem>>)
    %dma_start3A_19 = arith.constant 1 : i32
    %dma_start3A_20 = arith.constant 1 : i32
    %dma_start3A_21 = arith.constant 0 : i32
    %dma_start3A_22 = arith.constant 0 : i32
    %dma_start3A_23 = arith.constant 0 : i32
    %dma_start3A_24 = tpu.memref_slice %arg6[%dma_start3A_20, %dma_start3A_22, %dma_start3A_23] : memref<8x64x128xf32, #tpu.memory_space<vmem>> -> memref<1x64x128xf32, #tpu.memory_space<vmem>>
    %dma_start3A_25 = tpu.memref_squeeze %dma_start3A_24 : memref<1x64x128xf32, #tpu.memory_space<vmem>> -> memref<64x128xf32, #tpu.memory_space<vmem>>
    %dma_start3A_26 = arith.constant 0 : i32
    %dma_start3A_27 = tpu.memref_slice %arg5[%dma_start3A_19, %dma_start3A_26] : memref<8x64xi32, #tpu.memory_space<vmem>> -> memref<1x64xi32, #tpu.memory_space<vmem>>
    %dma_start3A_28 = tpu.memref_squeeze %dma_start3A_27 : memref<1x64xi32, #tpu.memory_space<vmem>> -> memref<64xi32, #tpu.memory_space<vmem>>
    %dma_start3A_29 = arith.constant 0 : i32
    %dma_start3A_30 = arith.constant 0 : i32
    %dma_start3A_31 = tpu.memref_slice %arg3[%dma_start3A_29, %dma_start3A_30] : memref<1000000x128xf32, #tpu.memory_space<hbm>> -> memref<1000000x128xf32, #tpu.memory_space<hbm>>
    %dma_start3A_32 = tpu.memref_slice %arg8[%dma_start3A_21] : memref<2x!tpu.dma_semaphore, #tpu.memory_space<semaphore_mem>> -> memref<1x!tpu.dma_semaphore, #tpu.memory_space<semaphore_mem>>
    %dma_start3A_33 = tpu.memref_squeeze %dma_start3A_32 : memref<1x!tpu.dma_semaphore, #tpu.memory_space<semaphore_mem>> -> memref<!tpu.dma_semaphore, #tpu.memory_space<semaphore_mem>>
    tpu.enqueue_indirect_dma source(%dma_start3A_31 : memref<1000000x128xf32, #tpu.memory_space<hbm>>) target(%dma_start3A_25 : memref<64x128xf32, #tpu.memory_space<vmem>>) offsets(%dma_start3A_28 : memref<64xi32, #tpu.memory_space<vmem>>) semaphore(%dma_start3A_33 : memref<!tpu.dma_semaphore, #tpu.memory_space<semaphore_mem>>)
    %dma_start3A_34 = arith.constant 2 : i32
    %dma_start3A_35 = arith.constant 2 : i32
    %dma_start3A_36 = arith.constant 0 : i32
    %dma_start3A_37 = arith.constant 0 : i32
    %dma_start3A_38 = arith.constant 0 : i32
    %dma_start3A_39 = tpu.memref_slice %arg6[%dma_start3A_35, %dma_start3A_37, %dma_start3A_38] : memref<8x64x128xf32, #tpu.memory_space<vmem>> -> memref<1x64x128xf32, #tpu.memory_space<vmem>>
    %dma_start3A_40 = tpu.memref_squeeze %dma_start3A_39 : memref<1x64x128xf32, #tpu.memory_space<vmem>> -> memref<64x128xf32, #tpu.memory_space<vmem>>
    %dma_start3A_41 = arith.constant 0 : i32
    %dma_start3A_42 = tpu.memref_slice %arg5[%dma_start3A_34, %dma_start3A_41] : memref<8x64xi32, #tpu.memory_space<vmem>> -> memref<1x64xi32, #tpu.memory_space<vmem>>
    %dma_start3A_43 = tpu.memref_squeeze %dma_start3A_42 : memref<1x64xi32, #tpu.memory_space<vmem>> -> memref<64xi32, #tpu.memory_space<vmem>>
    %dma_start3A_44 = arith.constant 0 : i32
    %dma_start3A_45 = arith.constant 0 : i32
    %dma_start3A_46 = tpu.memref_slice %arg3[%dma_start3A_44, %dma_start3A_45] : memref<1000000x128xf32, #tpu.memory_space<hbm>> -> memref<1000000x128xf32, #tpu.memory_space<hbm>>
    %dma_start3A_47 = tpu.memref_slice %arg8[%dma_start3A_36] : memref<2x!tpu.dma_semaphore, #tpu.memory_space<semaphore_mem>> -> memref<1x!tpu.dma_semaphore, #tpu.memory_space<semaphore_mem>>
    %dma_start3A_48 = tpu.memref_squeeze %dma_start3A_47 : memref<1x!tpu.dma_semaphore, #tpu.memory_space<semaphore_mem>> -> memref<!tpu.dma_semaphore, #tpu.memory_space<semaphore_mem>>
    tpu.enqueue_indirect_dma source(%dma_start3A_46 : memref<1000000x128xf32, #tpu.memory_space<hbm>>) target(%dma_start3A_40 : memref<64x128xf32, #tpu.memory_space<vmem>>) offsets(%dma_start3A_43 : memref<64xi32, #tpu.memory_space<vmem>>) semaphore(%dma_start3A_48 : memref<!tpu.dma_semaphore, #tpu.memory_space<semaphore_mem>>)
    %dma_start3A_49 = arith.constant 3 : i32
    %dma_start3A_50 = arith.constant 3 : i32
    %dma_start3A_51 = arith.constant 0 : i32
    %dma_start3A_52 = arith.constant 0 : i32
    %dma_start3A_53 = arith.constant 0 : i32
    %dma_start3A_54 = tpu.memref_slice %arg6[%dma_start3A_50, %dma_start3A_52, %dma_start3A_53] : memref<8x64x128xf32, #tpu.memory_space<vmem>> -> memref<1x64x128xf32, #tpu.memory_space<vmem>>
    %dma_start3A_55 = tpu.memref_squeeze %dma_start3A_54 : memref<1x64x128xf32, #tpu.memory_space<vmem>> -> memref<64x128xf32, #tpu.memory_space<vmem>>
    %dma_start3A_56 = arith.constant 0 : i32
    %dma_start3A_57 = tpu.memref_slice %arg5[%dma_start3A_49, %dma_start3A_56] : memref<8x64xi32, #tpu.memory_space<vmem>> -> memref<1x64xi32, #tpu.memory_space<vmem>>
    %dma_start3A_58 = tpu.memref_squeeze %dma_start3A_57 : memref<1x64xi32, #tpu.memory_space<vmem>> -> memref<64xi32, #tpu.memory_space<vmem>>
    %dma_start3A_59 = arith.constant 0 : i32
    %dma_start3A_60 = arith.constant 0 : i32
    %dma_start3A_61 = tpu.memref_slice %arg3[%dma_start3A_59, %dma_start3A_60] : memref<1000000x128xf32, #tpu.memory_space<hbm>> -> memref<1000000x128xf32, #tpu.memory_space<hbm>>
    %dma_start3A_62 = tpu.memref_slice %arg8[%dma_start3A_51] : memref<2x!tpu.dma_semaphore, #tpu.memory_space<semaphore_mem>> -> memref<1x!tpu.dma_semaphore, #tpu.memory_space<semaphore_mem>>
    %dma_start3A_63 = tpu.memref_squeeze %dma_start3A_62 : memref<1x!tpu.dma_semaphore, #tpu.memory_space<semaphore_mem>> -> memref<!tpu.dma_semaphore, #tpu.memory_space<semaphore_mem>>
    tpu.enqueue_indirect_dma source(%dma_start3A_61 : memref<1000000x128xf32, #tpu.memory_space<hbm>>) target(%dma_start3A_55 : memref<64x128xf32, #tpu.memory_space<vmem>>) offsets(%dma_start3A_58 : memref<64xi32, #tpu.memory_space<vmem>>) semaphore(%dma_start3A_63 : memref<!tpu.dma_semaphore, #tpu.memory_space<semaphore_mem>>)
    %add3A_64 = arith.constant 4 : i32
    %add3A_65 = arith.addi %mul3A_2, %add3A_64 : i32
    "tpu.region"() ({
      %run_scoped3A = tpu.sem_alloc : memref<!tpu.dma_semaphore, #tpu.memory_space<semaphore_mem>>
      %dma_start3A_710 = arith.constant 4 : i32
      %dma_start3A_711 = arith.constant 0 : i32
      %dma_start3A_712 = tpu.memref_slice %arg5[%dma_start3A_710, %dma_start3A_711] : memref<8x64xi32, #tpu.memory_space<vmem>> -> memref<4x64xi32, #tpu.memory_space<vmem>>
      %dma_start3A_713 = arith.constant 0 : i32
      %dma_start3A_714 = tpu.memref_slice %arg2[%add3A_65, %dma_start3A_713] : memref<16384x64xi32, #tpu.memory_space<hbm>> -> memref<4x64xi32, #tpu.memory_space<hbm>>
      %dma_start3A_715 = arith.constant 4 : i32
      %dma_start3A_716 = arith.constant 0 : i32
      %dma_start3A_717 = tpu.memref_slice %arg5[%dma_start3A_715, %dma_start3A_716] : memref<8x64xi32, #tpu.memory_space<vmem>> -> memref<4x64xi32, #tpu.memory_space<vmem>>
      %dma_start3A_718 = arith.constant 0 : i32
      %dma_start3A_719 = tpu.memref_slice %arg2[%add3A_65, %dma_start3A_718] : memref<16384x64xi32, #tpu.memory_space<hbm>> -> memref<4x64xi32, #tpu.memory_space<hbm>>
      tpu.enqueue_dma source(%dma_start3A_719 : memref<4x64xi32, #tpu.memory_space<hbm>>) target(%dma_start3A_717 : memref<4x64xi32, #tpu.memory_space<vmem>>) target_semaphore(%run_scoped3A : memref<!tpu.dma_semaphore, #tpu.memory_space<semaphore_mem>>)
      %dma_wait3A_720 = arith.constant 4 : i32
      %dma_wait3A_721 = arith.constant 0 : i32
      %dma_wait3A_722 = tpu.memref_slice %arg5[%dma_wait3A_720, %dma_wait3A_721] : memref<8x64xi32, #tpu.memory_space<vmem>> -> memref<4x64xi32, #tpu.memory_space<vmem>>
      %dma_wait3A_723 = arith.constant 0 : i32
      %dma_wait3A_724 = tpu.memref_slice %arg2[%add3A_65, %dma_wait3A_723] : memref<16384x64xi32, #tpu.memory_space<hbm>> -> memref<4x64xi32, #tpu.memory_space<hbm>>
      %dma_wait3A_725 = arith.constant 4 : i32
      %dma_wait3A_726 = arith.constant 0 : i32
      %dma_wait3A_727 = tpu.memref_slice %arg5[%dma_wait3A_725, %dma_wait3A_726] : memref<8x64xi32, #tpu.memory_space<vmem>> -> memref<4x64xi32, #tpu.memory_space<vmem>>
      %dma_wait3A_728 = arith.constant 0 : i32
      %dma_wait3A_729 = tpu.memref_slice %arg2[%add3A_65, %dma_wait3A_728] : memref<16384x64xi32, #tpu.memory_space<hbm>> -> memref<4x64xi32, #tpu.memory_space<hbm>>
      tpu.wait_dma2 semaphore(%run_scoped3A : memref<!tpu.dma_semaphore, #tpu.memory_space<semaphore_mem>>) src(%dma_wait3A_729 : memref<4x64xi32, #tpu.memory_space<hbm>>) dst(%dma_wait3A_727 : memref<4x64xi32, #tpu.memory_space<vmem>>)
      tpu.yield
    }) : () -> ()
    %dma_start3A_66 = arith.constant 4 : i32
    %dma_start3A_67 = arith.constant 4 : i32
    %dma_start3A_68 = arith.constant 1 : i32
    %dma_start3A_69 = arith.constant 0 : i32
    %dma_start3A_70 = arith.constant 0 : i32
    %dma_start3A_71 = tpu.memref_slice %arg6[%dma_start3A_67, %dma_start3A_69, %dma_start3A_70] : memref<8x64x128xf32, #tpu.memory_space<vmem>> -> memref<1x64x128xf32, #tpu.memory_space<vmem>>
    %dma_start3A_72 = tpu.memref_squeeze %dma_start3A_71 : memref<1x64x128xf32, #tpu.memory_space<vmem>> -> memref<64x128xf32, #tpu.memory_space<vmem>>
    %dma_start3A_73 = arith.constant 0 : i32
    %dma_start3A_74 = tpu.memref_slice %arg5[%dma_start3A_66, %dma_start3A_73] : memref<8x64xi32, #tpu.memory_space<vmem>> -> memref<1x64xi32, #tpu.memory_space<vmem>>
    %dma_start3A_75 = tpu.memref_squeeze %dma_start3A_74 : memref<1x64xi32, #tpu.memory_space<vmem>> -> memref<64xi32, #tpu.memory_space<vmem>>
    %dma_start3A_76 = arith.constant 0 : i32
    %dma_start3A_77 = arith.constant 0 : i32
    %dma_start3A_78 = tpu.memref_slice %arg3[%dma_start3A_76, %dma_start3A_77] : memref<1000000x128xf32, #tpu.memory_space<hbm>> -> memref<1000000x128xf32, #tpu.memory_space<hbm>>
    %dma_start3A_79 = tpu.memref_slice %arg8[%dma_start3A_68] : memref<2x!tpu.dma_semaphore, #tpu.memory_space<semaphore_mem>> -> memref<1x!tpu.dma_semaphore, #tpu.memory_space<semaphore_mem>>
    %dma_start3A_80 = tpu.memref_squeeze %dma_start3A_79 : memref<1x!tpu.dma_semaphore, #tpu.memory_space<semaphore_mem>> -> memref<!tpu.dma_semaphore, #tpu.memory_space<semaphore_mem>>
    tpu.enqueue_indirect_dma source(%dma_start3A_78 : memref<1000000x128xf32, #tpu.memory_space<hbm>>) target(%dma_start3A_72 : memref<64x128xf32, #tpu.memory_space<vmem>>) offsets(%dma_start3A_75 : memref<64xi32, #tpu.memory_space<vmem>>) semaphore(%dma_start3A_80 : memref<!tpu.dma_semaphore, #tpu.memory_space<semaphore_mem>>)
    %dma_start3A_81 = arith.constant 5 : i32
    %dma_start3A_82 = arith.constant 5 : i32
    %dma_start3A_83 = arith.constant 1 : i32
    %dma_start3A_84 = arith.constant 0 : i32
    %dma_start3A_85 = arith.constant 0 : i32
    %dma_start3A_86 = tpu.memref_slice %arg6[%dma_start3A_82, %dma_start3A_84, %dma_start3A_85] : memref<8x64x128xf32, #tpu.memory_space<vmem>> -> memref<1x64x128xf32, #tpu.memory_space<vmem>>
    %dma_start3A_87 = tpu.memref_squeeze %dma_start3A_86 : memref<1x64x128xf32, #tpu.memory_space<vmem>> -> memref<64x128xf32, #tpu.memory_space<vmem>>
    %dma_start3A_88 = arith.constant 0 : i32
    %dma_start3A_89 = tpu.memref_slice %arg5[%dma_start3A_81, %dma_start3A_88] : memref<8x64xi32, #tpu.memory_space<vmem>> -> memref<1x64xi32, #tpu.memory_space<vmem>>
    %dma_start3A_90 = tpu.memref_squeeze %dma_start3A_89 : memref<1x64xi32, #tpu.memory_space<vmem>> -> memref<64xi32, #tpu.memory_space<vmem>>
    %dma_start3A_91 = arith.constant 0 : i32
    %dma_start3A_92 = arith.constant 0 : i32
    %dma_start3A_93 = tpu.memref_slice %arg3[%dma_start3A_91, %dma_start3A_92] : memref<1000000x128xf32, #tpu.memory_space<hbm>> -> memref<1000000x128xf32, #tpu.memory_space<hbm>>
    %dma_start3A_94 = tpu.memref_slice %arg8[%dma_start3A_83] : memref<2x!tpu.dma_semaphore, #tpu.memory_space<semaphore_mem>> -> memref<1x!tpu.dma_semaphore, #tpu.memory_space<semaphore_mem>>
    %dma_start3A_95 = tpu.memref_squeeze %dma_start3A_94 : memref<1x!tpu.dma_semaphore, #tpu.memory_space<semaphore_mem>> -> memref<!tpu.dma_semaphore, #tpu.memory_space<semaphore_mem>>
    tpu.enqueue_indirect_dma source(%dma_start3A_93 : memref<1000000x128xf32, #tpu.memory_space<hbm>>) target(%dma_start3A_87 : memref<64x128xf32, #tpu.memory_space<vmem>>) offsets(%dma_start3A_90 : memref<64xi32, #tpu.memory_space<vmem>>) semaphore(%dma_start3A_95 : memref<!tpu.dma_semaphore, #tpu.memory_space<semaphore_mem>>)
    %dma_start3A_96 = arith.constant 6 : i32
    %dma_start3A_97 = arith.constant 6 : i32
    %dma_start3A_98 = arith.constant 1 : i32
    %dma_start3A_99 = arith.constant 0 : i32
    %dma_start3A_100 = arith.constant 0 : i32
    %dma_start3A_101 = tpu.memref_slice %arg6[%dma_start3A_97, %dma_start3A_99, %dma_start3A_100] : memref<8x64x128xf32, #tpu.memory_space<vmem>> -> memref<1x64x128xf32, #tpu.memory_space<vmem>>
    %dma_start3A_102 = tpu.memref_squeeze %dma_start3A_101 : memref<1x64x128xf32, #tpu.memory_space<vmem>> -> memref<64x128xf32, #tpu.memory_space<vmem>>
    %dma_start3A_103 = arith.constant 0 : i32
    %dma_start3A_104 = tpu.memref_slice %arg5[%dma_start3A_96, %dma_start3A_103] : memref<8x64xi32, #tpu.memory_space<vmem>> -> memref<1x64xi32, #tpu.memory_space<vmem>>
    %dma_start3A_105 = tpu.memref_squeeze %dma_start3A_104 : memref<1x64xi32, #tpu.memory_space<vmem>> -> memref<64xi32, #tpu.memory_space<vmem>>
    %dma_start3A_106 = arith.constant 0 : i32
    %dma_start3A_107 = arith.constant 0 : i32
    %dma_start3A_108 = tpu.memref_slice %arg3[%dma_start3A_106, %dma_start3A_107] : memref<1000000x128xf32, #tpu.memory_space<hbm>> -> memref<1000000x128xf32, #tpu.memory_space<hbm>>
    %dma_start3A_109 = tpu.memref_slice %arg8[%dma_start3A_98] : memref<2x!tpu.dma_semaphore, #tpu.memory_space<semaphore_mem>> -> memref<1x!tpu.dma_semaphore, #tpu.memory_space<semaphore_mem>>
    %dma_start3A_110 = tpu.memref_squeeze %dma_start3A_109 : memref<1x!tpu.dma_semaphore, #tpu.memory_space<semaphore_mem>> -> memref<!tpu.dma_semaphore, #tpu.memory_space<semaphore_mem>>
    tpu.enqueue_indirect_dma source(%dma_start3A_108 : memref<1000000x128xf32, #tpu.memory_space<hbm>>) target(%dma_start3A_102 : memref<64x128xf32, #tpu.memory_space<vmem>>) offsets(%dma_start3A_105 : memref<64xi32, #tpu.memory_space<vmem>>) semaphore(%dma_start3A_110 : memref<!tpu.dma_semaphore, #tpu.memory_space<semaphore_mem>>)
    %dma_start3A_111 = arith.constant 7 : i32
    %dma_start3A_112 = arith.constant 7 : i32
    %dma_start3A_113 = arith.constant 1 : i32
    %dma_start3A_114 = arith.constant 0 : i32
    %dma_start3A_115 = arith.constant 0 : i32
    %dma_start3A_116 = tpu.memref_slice %arg6[%dma_start3A_112, %dma_start3A_114, %dma_start3A_115] : memref<8x64x128xf32, #tpu.memory_space<vmem>> -> memref<1x64x128xf32, #tpu.memory_space<vmem>>
    %dma_start3A_117 = tpu.memref_squeeze %dma_start3A_116 : memref<1x64x128xf32, #tpu.memory_space<vmem>> -> memref<64x128xf32, #tpu.memory_space<vmem>>
    %dma_start3A_118 = arith.constant 0 : i32
    %dma_start3A_119 = tpu.memref_slice %arg5[%dma_start3A_111, %dma_start3A_118] : memref<8x64xi32, #tpu.memory_space<vmem>> -> memref<1x64xi32, #tpu.memory_space<vmem>>
    %dma_start3A_120 = tpu.memref_squeeze %dma_start3A_119 : memref<1x64xi32, #tpu.memory_space<vmem>> -> memref<64xi32, #tpu.memory_space<vmem>>
    %dma_start3A_121 = arith.constant 0 : i32
    %dma_start3A_122 = arith.constant 0 : i32
    %dma_start3A_123 = tpu.memref_slice %arg3[%dma_start3A_121, %dma_start3A_122] : memref<1000000x128xf32, #tpu.memory_space<hbm>> -> memref<1000000x128xf32, #tpu.memory_space<hbm>>
    %dma_start3A_124 = tpu.memref_slice %arg8[%dma_start3A_113] : memref<2x!tpu.dma_semaphore, #tpu.memory_space<semaphore_mem>> -> memref<1x!tpu.dma_semaphore, #tpu.memory_space<semaphore_mem>>
    %dma_start3A_125 = tpu.memref_squeeze %dma_start3A_124 : memref<1x!tpu.dma_semaphore, #tpu.memory_space<semaphore_mem>> -> memref<!tpu.dma_semaphore, #tpu.memory_space<semaphore_mem>>
    tpu.enqueue_indirect_dma source(%dma_start3A_123 : memref<1000000x128xf32, #tpu.memory_space<hbm>>) target(%dma_start3A_117 : memref<64x128xf32, #tpu.memory_space<vmem>>) offsets(%dma_start3A_120 : memref<64xi32, #tpu.memory_space<vmem>>) semaphore(%dma_start3A_125 : memref<!tpu.dma_semaphore, #tpu.memory_space<semaphore_mem>>)
    %dma_wait3A = arith.constant 0 : i32
    %dma_wait3A_126 = arith.constant 0 : i32
    %dma_wait3A_127 = arith.constant 0 : i32
    %dma_wait3A_128 = arith.constant 0 : i32
    %dma_wait3A_129 = tpu.memref_slice %arg6[%dma_wait3A, %dma_wait3A_127, %dma_wait3A_128] : memref<8x64x128xf32, #tpu.memory_space<vmem>> -> memref<1x64x128xf32, #tpu.memory_space<vmem>>
    %dma_wait3A_130 = tpu.memref_squeeze %dma_wait3A_129 : memref<1x64x128xf32, #tpu.memory_space<vmem>> -> memref<64x128xf32, #tpu.memory_space<vmem>>
    %dma_wait3A_131 = arith.constant 0 : i32
    %dma_wait3A_132 = arith.constant 0 : i32
    %dma_wait3A_133 = tpu.memref_slice %arg3[%dma_wait3A_131, %dma_wait3A_132] : memref<1000000x128xf32, #tpu.memory_space<hbm>> -> memref<64x128xf32, #tpu.memory_space<hbm>>
    %dma_wait3A_134 = tpu.memref_slice %arg8[%dma_wait3A_126] : memref<2x!tpu.dma_semaphore, #tpu.memory_space<semaphore_mem>> -> memref<1x!tpu.dma_semaphore, #tpu.memory_space<semaphore_mem>>
    %dma_wait3A_135 = tpu.memref_squeeze %dma_wait3A_134 : memref<1x!tpu.dma_semaphore, #tpu.memory_space<semaphore_mem>> -> memref<!tpu.dma_semaphore, #tpu.memory_space<semaphore_mem>>
    %dma_wait3A_136 = arith.constant 0 : i32
    %dma_wait3A_137 = arith.constant 0 : i32
    %dma_wait3A_138 = tpu.memref_slice %arg6[%dma_wait3A, %dma_wait3A_136, %dma_wait3A_137] : memref<8x64x128xf32, #tpu.memory_space<vmem>> -> memref<1x64x128xf32, #tpu.memory_space<vmem>>
    %dma_wait3A_139 = tpu.memref_squeeze %dma_wait3A_138 : memref<1x64x128xf32, #tpu.memory_space<vmem>> -> memref<64x128xf32, #tpu.memory_space<vmem>>
    %dma_wait3A_140 = arith.constant 0 : i32
    %dma_wait3A_141 = arith.constant 0 : i32
    %dma_wait3A_142 = tpu.memref_slice %arg3[%dma_wait3A_140, %dma_wait3A_141] : memref<1000000x128xf32, #tpu.memory_space<hbm>> -> memref<64x128xf32, #tpu.memory_space<hbm>>
    tpu.wait_dma2 semaphore(%dma_wait3A_135 : memref<!tpu.dma_semaphore, #tpu.memory_space<semaphore_mem>>) src(%dma_wait3A_142 : memref<64x128xf32, #tpu.memory_space<hbm>>) dst(%dma_wait3A_139 : memref<64x128xf32, #tpu.memory_space<vmem>>)
    %dma_wait3A_143 = arith.constant 1 : i32
    %dma_wait3A_144 = arith.constant 0 : i32
    %dma_wait3A_145 = arith.constant 0 : i32
    %dma_wait3A_146 = arith.constant 0 : i32
    %dma_wait3A_147 = tpu.memref_slice %arg6[%dma_wait3A_143, %dma_wait3A_145, %dma_wait3A_146] : memref<8x64x128xf32, #tpu.memory_space<vmem>> -> memref<1x64x128xf32, #tpu.memory_space<vmem>>
    %dma_wait3A_148 = tpu.memref_squeeze %dma_wait3A_147 : memref<1x64x128xf32, #tpu.memory_space<vmem>> -> memref<64x128xf32, #tpu.memory_space<vmem>>
    %dma_wait3A_149 = arith.constant 0 : i32
    %dma_wait3A_150 = arith.constant 0 : i32
    %dma_wait3A_151 = tpu.memref_slice %arg3[%dma_wait3A_149, %dma_wait3A_150] : memref<1000000x128xf32, #tpu.memory_space<hbm>> -> memref<64x128xf32, #tpu.memory_space<hbm>>
    %dma_wait3A_152 = tpu.memref_slice %arg8[%dma_wait3A_144] : memref<2x!tpu.dma_semaphore, #tpu.memory_space<semaphore_mem>> -> memref<1x!tpu.dma_semaphore, #tpu.memory_space<semaphore_mem>>
    %dma_wait3A_153 = tpu.memref_squeeze %dma_wait3A_152 : memref<1x!tpu.dma_semaphore, #tpu.memory_space<semaphore_mem>> -> memref<!tpu.dma_semaphore, #tpu.memory_space<semaphore_mem>>
    %dma_wait3A_154 = arith.constant 0 : i32
    %dma_wait3A_155 = arith.constant 0 : i32
    %dma_wait3A_156 = tpu.memref_slice %arg6[%dma_wait3A_143, %dma_wait3A_154, %dma_wait3A_155] : memref<8x64x128xf32, #tpu.memory_space<vmem>> -> memref<1x64x128xf32, #tpu.memory_space<vmem>>
    %dma_wait3A_157 = tpu.memref_squeeze %dma_wait3A_156 : memref<1x64x128xf32, #tpu.memory_space<vmem>> -> memref<64x128xf32, #tpu.memory_space<vmem>>
    %dma_wait3A_158 = arith.constant 0 : i32
    %dma_wait3A_159 = arith.constant 0 : i32
    %dma_wait3A_160 = tpu.memref_slice %arg3[%dma_wait3A_158, %dma_wait3A_159] : memref<1000000x128xf32, #tpu.memory_space<hbm>> -> memref<64x128xf32, #tpu.memory_space<hbm>>
    tpu.wait_dma2 semaphore(%dma_wait3A_153 : memref<!tpu.dma_semaphore, #tpu.memory_space<semaphore_mem>>) src(%dma_wait3A_160 : memref<64x128xf32, #tpu.memory_space<hbm>>) dst(%dma_wait3A_157 : memref<64x128xf32, #tpu.memory_space<vmem>>)
    %dma_wait3A_161 = arith.constant 2 : i32
    %dma_wait3A_162 = arith.constant 0 : i32
    %dma_wait3A_163 = arith.constant 0 : i32
    %dma_wait3A_164 = arith.constant 0 : i32
    %dma_wait3A_165 = tpu.memref_slice %arg6[%dma_wait3A_161, %dma_wait3A_163, %dma_wait3A_164] : memref<8x64x128xf32, #tpu.memory_space<vmem>> -> memref<1x64x128xf32, #tpu.memory_space<vmem>>
    %dma_wait3A_166 = tpu.memref_squeeze %dma_wait3A_165 : memref<1x64x128xf32, #tpu.memory_space<vmem>> -> memref<64x128xf32, #tpu.memory_space<vmem>>
    %dma_wait3A_167 = arith.constant 0 : i32
    %dma_wait3A_168 = arith.constant 0 : i32
    %dma_wait3A_169 = tpu.memref_slice %arg3[%dma_wait3A_167, %dma_wait3A_168] : memref<1000000x128xf32, #tpu.memory_space<hbm>> -> memref<64x128xf32, #tpu.memory_space<hbm>>
    %dma_wait3A_170 = tpu.memref_slice %arg8[%dma_wait3A_162] : memref<2x!tpu.dma_semaphore, #tpu.memory_space<semaphore_mem>> -> memref<1x!tpu.dma_semaphore, #tpu.memory_space<semaphore_mem>>
    %dma_wait3A_171 = tpu.memref_squeeze %dma_wait3A_170 : memref<1x!tpu.dma_semaphore, #tpu.memory_space<semaphore_mem>> -> memref<!tpu.dma_semaphore, #tpu.memory_space<semaphore_mem>>
    %dma_wait3A_172 = arith.constant 0 : i32
    %dma_wait3A_173 = arith.constant 0 : i32
    %dma_wait3A_174 = tpu.memref_slice %arg6[%dma_wait3A_161, %dma_wait3A_172, %dma_wait3A_173] : memref<8x64x128xf32, #tpu.memory_space<vmem>> -> memref<1x64x128xf32, #tpu.memory_space<vmem>>
    %dma_wait3A_175 = tpu.memref_squeeze %dma_wait3A_174 : memref<1x64x128xf32, #tpu.memory_space<vmem>> -> memref<64x128xf32, #tpu.memory_space<vmem>>
    %dma_wait3A_176 = arith.constant 0 : i32
    %dma_wait3A_177 = arith.constant 0 : i32
    %dma_wait3A_178 = tpu.memref_slice %arg3[%dma_wait3A_176, %dma_wait3A_177] : memref<1000000x128xf32, #tpu.memory_space<hbm>> -> memref<64x128xf32, #tpu.memory_space<hbm>>
    tpu.wait_dma2 semaphore(%dma_wait3A_171 : memref<!tpu.dma_semaphore, #tpu.memory_space<semaphore_mem>>) src(%dma_wait3A_178 : memref<64x128xf32, #tpu.memory_space<hbm>>) dst(%dma_wait3A_175 : memref<64x128xf32, #tpu.memory_space<vmem>>)
    %dma_wait3A_179 = arith.constant 3 : i32
    %dma_wait3A_180 = arith.constant 0 : i32
    %dma_wait3A_181 = arith.constant 0 : i32
    %dma_wait3A_182 = arith.constant 0 : i32
    %dma_wait3A_183 = tpu.memref_slice %arg6[%dma_wait3A_179, %dma_wait3A_181, %dma_wait3A_182] : memref<8x64x128xf32, #tpu.memory_space<vmem>> -> memref<1x64x128xf32, #tpu.memory_space<vmem>>
    %dma_wait3A_184 = tpu.memref_squeeze %dma_wait3A_183 : memref<1x64x128xf32, #tpu.memory_space<vmem>> -> memref<64x128xf32, #tpu.memory_space<vmem>>
    %dma_wait3A_185 = arith.constant 0 : i32
    %dma_wait3A_186 = arith.constant 0 : i32
    %dma_wait3A_187 = tpu.memref_slice %arg3[%dma_wait3A_185, %dma_wait3A_186] : memref<1000000x128xf32, #tpu.memory_space<hbm>> -> memref<64x128xf32, #tpu.memory_space<hbm>>
    %dma_wait3A_188 = tpu.memref_slice %arg8[%dma_wait3A_180] : memref<2x!tpu.dma_semaphore, #tpu.memory_space<semaphore_mem>> -> memref<1x!tpu.dma_semaphore, #tpu.memory_space<semaphore_mem>>
    %dma_wait3A_189 = tpu.memref_squeeze %dma_wait3A_188 : memref<1x!tpu.dma_semaphore, #tpu.memory_space<semaphore_mem>> -> memref<!tpu.dma_semaphore, #tpu.memory_space<semaphore_mem>>
    %dma_wait3A_190 = arith.constant 0 : i32
    %dma_wait3A_191 = arith.constant 0 : i32
    %dma_wait3A_192 = tpu.memref_slice %arg6[%dma_wait3A_179, %dma_wait3A_190, %dma_wait3A_191] : memref<8x64x128xf32, #tpu.memory_space<vmem>> -> memref<1x64x128xf32, #tpu.memory_space<vmem>>
    %dma_wait3A_193 = tpu.memref_squeeze %dma_wait3A_192 : memref<1x64x128xf32, #tpu.memory_space<vmem>> -> memref<64x128xf32, #tpu.memory_space<vmem>>
    %dma_wait3A_194 = arith.constant 0 : i32
    %dma_wait3A_195 = arith.constant 0 : i32
    %dma_wait3A_196 = tpu.memref_slice %arg3[%dma_wait3A_194, %dma_wait3A_195] : memref<1000000x128xf32, #tpu.memory_space<hbm>> -> memref<64x128xf32, #tpu.memory_space<hbm>>
    tpu.wait_dma2 semaphore(%dma_wait3A_189 : memref<!tpu.dma_semaphore, #tpu.memory_space<semaphore_mem>>) src(%dma_wait3A_196 : memref<64x128xf32, #tpu.memory_space<hbm>>) dst(%dma_wait3A_193 : memref<64x128xf32, #tpu.memory_space<vmem>>)
    %scan3A = arith.constant 0 : i32
    %scan3A_197 = arith.constant 0 : i32
    %scan3A_198 = arith.constant 50 : i32
    %scan3A_199 = arith.addi %scan3A_197, %scan3A_198 : i32
    %scan3A_200 = arith.constant 1 : i32
    scf.for %scan3A_710 = %scan3A_197 to %scan3A_199 step %scan3A_200  : i32 {
      %get3A = arith.constant 0 : i32
      %get3A_711 = arith.index_cast %get3A : i32 to index
      %get3A_712 = arith.index_cast %scan3A_710 : i32 to index
      %get3A_713 = arith.constant 0 : index
      %get3A_714 = tpu.vector_load %arg6[%get3A_711, %get3A_712, %get3A_713] {strides = array<i32>} : memref<8x64x128xf32, #tpu.memory_space<vmem>>, vector<1x1x16xf32>,
      %get3A_715 = vector.shape_cast %get3A_714 : vector<1x1x16xf32> to vector<16xf32>
      %swap3A = arith.constant 0 : i32
      %swap3A_716 = arith.index_cast %swap3A : i32 to index
      %swap3A_717 = arith.index_cast %scan3A_710 : i32 to index
      %swap3A_718 = arith.constant 0 : index
      %swap3A_719 = tpu.vector_load %arg7[%swap3A_716, %swap3A_717, %swap3A_718] {strides = array<i32>} : memref<8x50x64xf32, #tpu.memory_space<vmem>>, vector<1x1x16xf32>,
      %swap3A_720 = vector.shape_cast %swap3A_719 : vector<1x1x16xf32> to vector<16xf32>
      %swap3A_721 = vector.shape_cast %get3A_715 : vector<16xf32> to vector<1x1x16xf32>
      tpu.vector_store %arg7[%swap3A_716, %swap3A_717, %swap3A_718], %swap3A_721 {strides = array<i32>} : memref<8x50x64xf32, #tpu.memory_space<vmem>>, vector<1x1x16xf32>,
      %get3A_722 = arith.constant 0 : i32
      %get3A_723 = arith.index_cast %get3A_722 : i32 to index
      %get3A_724 = arith.index_cast %scan3A_710 : i32 to index
      %get3A_725 = arith.constant 16 : index
      %get3A_726 = tpu.vector_load %arg6[%get3A_723, %get3A_724, %get3A_725] {strides = array<i32>} : memref<8x64x128xf32, #tpu.memory_space<vmem>>, vector<1x1x16xf32>,
      %get3A_727 = vector.shape_cast %get3A_726 : vector<1x1x16xf32> to vector<16xf32>
      %swap3A_728 = arith.constant 0 : i32
      %swap3A_729 = arith.index_cast %swap3A_728 : i32 to index
      %swap3A_730 = arith.index_cast %scan3A_710 : i32 to index
      %swap3A_731 = arith.constant 16 : index
      %swap3A_732 = tpu.vector_load %arg7[%swap3A_729, %swap3A_730, %swap3A_731] {strides = array<i32>} : memref<8x50x64xf32, #tpu.memory_space<vmem>>, vector<1x1x16xf32>,
      %swap3A_733 = vector.shape_cast %swap3A_732 : vector<1x1x16xf32> to vector<16xf32>
      %swap3A_734 = vector.shape_cast %get3A_727 : vector<16xf32> to vector<1x1x16xf32>
      tpu.vector_store %arg7[%swap3A_729, %swap3A_730, %swap3A_731], %swap3A_734 {strides = array<i32>} : memref<8x50x64xf32, #tpu.memory_space<vmem>>, vector<1x1x16xf32>,
      %get3A_735 = arith.constant 0 : i32
      %get3A_736 = arith.index_cast %get3A_735 : i32 to index
      %get3A_737 = arith.index_cast %scan3A_710 : i32 to index
      %get3A_738 = arith.constant 32 : index
      %get3A_739 = tpu.vector_load %arg6[%get3A_736, %get3A_737, %get3A_738] {strides = array<i32>} : memref<8x64x128xf32, #tpu.memory_space<vmem>>, vector<1x1x16xf32>,
      %get3A_740 = vector.shape_cast %get3A_739 : vector<1x1x16xf32> to vector<16xf32>
      %swap3A_741 = arith.constant 0 : i32
      %swap3A_742 = arith.index_cast %swap3A_741 : i32 to index
      %swap3A_743 = arith.index_cast %scan3A_710 : i32 to index
      %swap3A_744 = arith.constant 32 : index
      %swap3A_745 = tpu.vector_load %arg7[%swap3A_742, %swap3A_743, %swap3A_744] {strides = array<i32>} : memref<8x50x64xf32, #tpu.memory_space<vmem>>, vector<1x1x16xf32>,
      %swap3A_746 = vector.shape_cast %swap3A_745 : vector<1x1x16xf32> to vector<16xf32>
      %swap3A_747 = vector.shape_cast %get3A_740 : vector<16xf32> to vector<1x1x16xf32>
      tpu.vector_store %arg7[%swap3A_742, %swap3A_743, %swap3A_744], %swap3A_747 {strides = array<i32>} : memref<8x50x64xf32, #tpu.memory_space<vmem>>, vector<1x1x16xf32>,
      %get3A_748 = arith.constant 0 : i32
      %get3A_749 = arith.index_cast %get3A_748 : i32 to index
      %get3A_750 = arith.index_cast %scan3A_710 : i32 to index
      %get3A_751 = arith.constant 48 : index
      %get3A_752 = tpu.vector_load %arg6[%get3A_749, %get3A_750, %get3A_751] {strides = array<i32>} : memref<8x64x128xf32, #tpu.memory_space<vmem>>, vector<1x1x16xf32>,
      %get3A_753 = vector.shape_cast %get3A_752 : vector<1x1x16xf32> to vector<16xf32>
      %swap3A_754 = arith.constant 0 : i32
      %swap3A_755 = arith.index_cast %swap3A_754 : i32 to index
      %swap3A_756 = arith.index_cast %scan3A_710 : i32 to index
      %swap3A_757 = arith.constant 48 : index
      %swap3A_758 = tpu.vector_load %arg7[%swap3A_755, %swap3A_756, %swap3A_757] {strides = array<i32>} : memref<8x50x64xf32, #tpu.memory_space<vmem>>, vector<1x1x16xf32>,
      %swap3A_759 = vector.shape_cast %swap3A_758 : vector<1x1x16xf32> to vector<16xf32>
      %swap3A_760 = vector.shape_cast %get3A_753 : vector<16xf32> to vector<1x1x16xf32>
      tpu.vector_store %arg7[%swap3A_755, %swap3A_756, %swap3A_757], %swap3A_760 {strides = array<i32>} : memref<8x50x64xf32, #tpu.memory_space<vmem>>, vector<1x1x16xf32>,
      %get3A_761 = arith.constant 1 : i32
      %get3A_762 = arith.index_cast %get3A_761 : i32 to index
      %get3A_763 = arith.index_cast %scan3A_710 : i32 to index
      %get3A_764 = arith.constant 0 : index
      %get3A_765 = tpu.vector_load %arg6[%get3A_762, %get3A_763, %get3A_764] {strides = array<i32>} : memref<8x64x128xf32, #tpu.memory_space<vmem>>, vector<1x1x16xf32>,
      %get3A_766 = vector.shape_cast %get3A_765 : vector<1x1x16xf32> to vector<16xf32>
      %swap3A_767 = arith.constant 1 : i32
      %swap3A_768 = arith.index_cast %swap3A_767 : i32 to index
      %swap3A_769 = arith.index_cast %scan3A_710 : i32 to index
      %swap3A_770 = arith.constant 0 : index
      %swap3A_771 = tpu.vector_load %arg7[%swap3A_768, %swap3A_769, %swap3A_770] {strides = array<i32>} : memref<8x50x64xf32, #tpu.memory_space<vmem>>, vector<1x1x16xf32>,
      %swap3A_772 = vector.shape_cast %swap3A_771 : vector<1x1x16xf32> to vector<16xf32>
      %swap3A_773 = vector.shape_cast %get3A_766 : vector<16xf32> to vector<1x1x16xf32>
      tpu.vector_store %arg7[%swap3A_768, %swap3A_769, %swap3A_770], %swap3A_773 {strides = array<i32>} : memref<8x50x64xf32, #tpu.memory_space<vmem>>, vector<1x1x16xf32>,
      %get3A_774 = arith.constant 1 : i32
      %get3A_775 = arith.index_cast %get3A_774 : i32 to index
      %get3A_776 = arith.index_cast %scan3A_710 : i32 to index
      %get3A_777 = arith.constant 16 : index
      %get3A_778 = tpu.vector_load %arg6[%get3A_775, %get3A_776, %get3A_777] {strides = array<i32>} : memref<8x64x128xf32, #tpu.memory_space<vmem>>, vector<1x1x16xf32>,
      %get3A_779 = vector.shape_cast %get3A_778 : vector<1x1x16xf32> to vector<16xf32>
      %swap3A_780 = arith.constant 1 : i32
      %swap3A_781 = arith.index_cast %swap3A_780 : i32 to index
      %swap3A_782 = arith.index_cast %scan3A_710 : i32 to index
      %swap3A_783 = arith.constant 16 : index
      %swap3A_784 = tpu.vector_load %arg7[%swap3A_781, %swap3A_782, %swap3A_783] {strides = array<i32>} : memref<8x50x64xf32, #tpu.memory_space<vmem>>, vector<1x1x16xf32>,
      %swap3A_785 = vector.shape_cast %swap3A_784 : vector<1x1x16xf32> to vector<16xf32>
      %swap3A_786 = vector.shape_cast %get3A_779 : vector<16xf32> to vector<1x1x16xf32>
      tpu.vector_store %arg7[%swap3A_781, %swap3A_782, %swap3A_783], %swap3A_786 {strides = array<i32>} : memref<8x50x64xf32, #tpu.memory_space<vmem>>, vector<1x1x16xf32>,
      %get3A_787 = arith.constant 1 : i32
      %get3A_788 = arith.index_cast %get3A_787 : i32 to index
      %get3A_789 = arith.index_cast %scan3A_710 : i32 to index
      %get3A_790 = arith.constant 32 : index
      %get3A_791 = tpu.vector_load %arg6[%get3A_788, %get3A_789, %get3A_790] {strides = array<i32>} : memref<8x64x128xf32, #tpu.memory_space<vmem>>, vector<1x1x16xf32>,
      %get3A_792 = vector.shape_cast %get3A_791 : vector<1x1x16xf32> to vector<16xf32>
      %swap3A_793 = arith.constant 1 : i32
      %swap3A_794 = arith.index_cast %swap3A_793 : i32 to index
      %swap3A_795 = arith.index_cast %scan3A_710 : i32 to index
      %swap3A_796 = arith.constant 32 : index
      %swap3A_797 = tpu.vector_load %arg7[%swap3A_794, %swap3A_795, %swap3A_796] {strides = array<i32>} : memref<8x50x64xf32, #tpu.memory_space<vmem>>, vector<1x1x16xf32>,
      %swap3A_798 = vector.shape_cast %swap3A_797 : vector<1x1x16xf32> to vector<16xf32>
      %swap3A_799 = vector.shape_cast %get3A_792 : vector<16xf32> to vector<1x1x16xf32>
      tpu.vector_store %arg7[%swap3A_794, %swap3A_795, %swap3A_796], %swap3A_799 {strides = array<i32>} : memref<8x50x64xf32, #tpu.memory_space<vmem>>, vector<1x1x16xf32>,
      %get3A_800 = arith.constant 1 : i32
      %get3A_801 = arith.index_cast %get3A_800 : i32 to index
      %get3A_802 = arith.index_cast %scan3A_710 : i32 to index
      %get3A_803 = arith.constant 48 : index
      %get3A_804 = tpu.vector_load %arg6[%get3A_801, %get3A_802, %get3A_803] {strides = array<i32>} : memref<8x64x128xf32, #tpu.memory_space<vmem>>, vector<1x1x16xf32>,
      %get3A_805 = vector.shape_cast %get3A_804 : vector<1x1x16xf32> to vector<16xf32>
      %swap3A_806 = arith.constant 1 : i32
      %swap3A_807 = arith.index_cast %swap3A_806 : i32 to index
      %swap3A_808 = arith.index_cast %scan3A_710 : i32 to index
      %swap3A_809 = arith.constant 48 : index
      %swap3A_810 = tpu.vector_load %arg7[%swap3A_807, %swap3A_808, %swap3A_809] {strides = array<i32>} : memref<8x50x64xf32, #tpu.memory_space<vmem>>, vector<1x1x16xf32>,
      %swap3A_811 = vector.shape_cast %swap3A_810 : vector<1x1x16xf32> to vector<16xf32>
      %swap3A_812 = vector.shape_cast %get3A_805 : vector<16xf32> to vector<1x1x16xf32>
      tpu.vector_store %arg7[%swap3A_807, %swap3A_808, %swap3A_809], %swap3A_812 {strides = array<i32>} : memref<8x50x64xf32, #tpu.memory_space<vmem>>, vector<1x1x16xf32>,
      %get3A_813 = arith.constant 2 : i32
      %get3A_814 = arith.index_cast %get3A_813 : i32 to index
      %get3A_815 = arith.index_cast %scan3A_710 : i32 to index
      %get3A_816 = arith.constant 0 : index
      %get3A_817 = tpu.vector_load %arg6[%get3A_814, %get3A_815, %get3A_816] {strides = array<i32>} : memref<8x64x128xf32, #tpu.memory_space<vmem>>, vector<1x1x16xf32>,
      %get3A_818 = vector.shape_cast %get3A_817 : vector<1x1x16xf32> to vector<16xf32>
      %swap3A_819 = arith.constant 2 : i32
      %swap3A_820 = arith.index_cast %swap3A_819 : i32 to index
      %swap3A_821 = arith.index_cast %scan3A_710 : i32 to index
      %swap3A_822 = arith.constant 0 : index
      %swap3A_823 = tpu.vector_load %arg7[%swap3A_820, %swap3A_821, %swap3A_822] {strides = array<i32>} : memref<8x50x64xf32, #tpu.memory_space<vmem>>, vector<1x1x16xf32>,
      %swap3A_824 = vector.shape_cast %swap3A_823 : vector<1x1x16xf32> to vector<16xf32>
      %swap3A_825 = vector.shape_cast %get3A_818 : vector<16xf32> to vector<1x1x16xf32>
      tpu.vector_store %arg7[%swap3A_820, %swap3A_821, %swap3A_822], %swap3A_825 {strides = array<i32>} : memref<8x50x64xf32, #tpu.memory_space<vmem>>, vector<1x1x16xf32>,
      %get3A_826 = arith.constant 2 : i32
      %get3A_827 = arith.index_cast %get3A_826 : i32 to index
      %get3A_828 = arith.index_cast %scan3A_710 : i32 to index
      %get3A_829 = arith.constant 16 : index
      %get3A_830 = tpu.vector_load %arg6[%get3A_827, %get3A_828, %get3A_829] {strides = array<i32>} : memref<8x64x128xf32, #tpu.memory_space<vmem>>, vector<1x1x16xf32>,
      %get3A_831 = vector.shape_cast %get3A_830 : vector<1x1x16xf32> to vector<16xf32>
      %swap3A_832 = arith.constant 2 : i32
      %swap3A_833 = arith.index_cast %swap3A_832 : i32 to index
      %swap3A_834 = arith.index_cast %scan3A_710 : i32 to index
      %swap3A_835 = arith.constant 16 : index
      %swap3A_836 = tpu.vector_load %arg7[%swap3A_833, %swap3A_834, %swap3A_835] {strides = array<i32>} : memref<8x50x64xf32, #tpu.memory_space<vmem>>, vector<1x1x16xf32>,
      %swap3A_837 = vector.shape_cast %swap3A_836 : vector<1x1x16xf32> to vector<16xf32>
      %swap3A_838 = vector.shape_cast %get3A_831 : vector<16xf32> to vector<1x1x16xf32>
      tpu.vector_store %arg7[%swap3A_833, %swap3A_834, %swap3A_835], %swap3A_838 {strides = array<i32>} : memref<8x50x64xf32, #tpu.memory_space<vmem>>, vector<1x1x16xf32>,
      %get3A_839 = arith.constant 2 : i32
      %get3A_840 = arith.index_cast %get3A_839 : i32 to index
      %get3A_841 = arith.index_cast %scan3A_710 : i32 to index
      %get3A_842 = arith.constant 32 : index
      %get3A_843 = tpu.vector_load %arg6[%get3A_840, %get3A_841, %get3A_842] {strides = array<i32>} : memref<8x64x128xf32, #tpu.memory_space<vmem>>, vector<1x1x16xf32>,
      %get3A_844 = vector.shape_cast %get3A_843 : vector<1x1x16xf32> to vector<16xf32>
      %swap3A_845 = arith.constant 2 : i32
      %swap3A_846 = arith.index_cast %swap3A_845 : i32 to index
      %swap3A_847 = arith.index_cast %scan3A_710 : i32 to index
      %swap3A_848 = arith.constant 32 : index
      %swap3A_849 = tpu.vector_load %arg7[%swap3A_846, %swap3A_847, %swap3A_848] {strides = array<i32>} : memref<8x50x64xf32, #tpu.memory_space<vmem>>, vector<1x1x16xf32>,
      %swap3A_850 = vector.shape_cast %swap3A_849 : vector<1x1x16xf32> to vector<16xf32>
      %swap3A_851 = vector.shape_cast %get3A_844 : vector<16xf32> to vector<1x1x16xf32>
      tpu.vector_store %arg7[%swap3A_846, %swap3A_847, %swap3A_848], %swap3A_851 {strides = array<i32>} : memref<8x50x64xf32, #tpu.memory_space<vmem>>, vector<1x1x16xf32>,
      %get3A_852 = arith.constant 2 : i32
      %get3A_853 = arith.index_cast %get3A_852 : i32 to index
      %get3A_854 = arith.index_cast %scan3A_710 : i32 to index
      %get3A_855 = arith.constant 48 : index
      %get3A_856 = tpu.vector_load %arg6[%get3A_853, %get3A_854, %get3A_855] {strides = array<i32>} : memref<8x64x128xf32, #tpu.memory_space<vmem>>, vector<1x1x16xf32>,
      %get3A_857 = vector.shape_cast %get3A_856 : vector<1x1x16xf32> to vector<16xf32>
      %swap3A_858 = arith.constant 2 : i32
      %swap3A_859 = arith.index_cast %swap3A_858 : i32 to index
      %swap3A_860 = arith.index_cast %scan3A_710 : i32 to index
      %swap3A_861 = arith.constant 48 : index
      %swap3A_862 = tpu.vector_load %arg7[%swap3A_859, %swap3A_860, %swap3A_861] {strides = array<i32>} : memref<8x50x64xf32, #tpu.memory_space<vmem>>, vector<1x1x16xf32>,
      %swap3A_863 = vector.shape_cast %swap3A_862 : vector<1x1x16xf32> to vector<16xf32>
      %swap3A_864 = vector.shape_cast %get3A_857 : vector<16xf32> to vector<1x1x16xf32>
      tpu.vector_store %arg7[%swap3A_859, %swap3A_860, %swap3A_861], %swap3A_864 {strides = array<i32>} : memref<8x50x64xf32, #tpu.memory_space<vmem>>, vector<1x1x16xf32>,
      %get3A_865 = arith.constant 3 : i32
      %get3A_866 = arith.index_cast %get3A_865 : i32 to index
      %get3A_867 = arith.index_cast %scan3A_710 : i32 to index
      %get3A_868 = arith.constant 0 : index
      %get3A_869 = tpu.vector_load %arg6[%get3A_866, %get3A_867, %get3A_868] {strides = array<i32>} : memref<8x64x128xf32, #tpu.memory_space<vmem>>, vector<1x1x16xf32>,
      %get3A_870 = vector.shape_cast %get3A_869 : vector<1x1x16xf32> to vector<16xf32>
      %swap3A_871 = arith.constant 3 : i32
      %swap3A_872 = arith.index_cast %swap3A_871 : i32 to index
      %swap3A_873 = arith.index_cast %scan3A_710 : i32 to index
      %swap3A_874 = arith.constant 0 : index
      %swap3A_875 = tpu.vector_load %arg7[%swap3A_872, %swap3A_873, %swap3A_874] {strides = array<i32>} : memref<8x50x64xf32, #tpu.memory_space<vmem>>, vector<1x1x16xf32>,
      %swap3A_876 = vector.shape_cast %swap3A_875 : vector<1x1x16xf32> to vector<16xf32>
      %swap3A_877 = vector.shape_cast %get3A_870 : vector<16xf32> to vector<1x1x16xf32>
      tpu.vector_store %arg7[%swap3A_872, %swap3A_873, %swap3A_874], %swap3A_877 {strides = array<i32>} : memref<8x50x64xf32, #tpu.memory_space<vmem>>, vector<1x1x16xf32>,
      %get3A_878 = arith.constant 3 : i32
      %get3A_879 = arith.index_cast %get3A_878 : i32 to index
      %get3A_880 = arith.index_cast %scan3A_710 : i32 to index
      %get3A_881 = arith.constant 16 : index
      %get3A_882 = tpu.vector_load %arg6[%get3A_879, %get3A_880, %get3A_881] {strides = array<i32>} : memref<8x64x128xf32, #tpu.memory_space<vmem>>, vector<1x1x16xf32>,
      %get3A_883 = vector.shape_cast %get3A_882 : vector<1x1x16xf32> to vector<16xf32>
      %swap3A_884 = arith.constant 3 : i32
      %swap3A_885 = arith.index_cast %swap3A_884 : i32 to index
      %swap3A_886 = arith.index_cast %scan3A_710 : i32 to index
      %swap3A_887 = arith.constant 16 : index
      %swap3A_888 = tpu.vector_load %arg7[%swap3A_885, %swap3A_886, %swap3A_887] {strides = array<i32>} : memref<8x50x64xf32, #tpu.memory_space<vmem>>, vector<1x1x16xf32>,
      %swap3A_889 = vector.shape_cast %swap3A_888 : vector<1x1x16xf32> to vector<16xf32>
      %swap3A_890 = vector.shape_cast %get3A_883 : vector<16xf32> to vector<1x1x16xf32>
      tpu.vector_store %arg7[%swap3A_885, %swap3A_886, %swap3A_887], %swap3A_890 {strides = array<i32>} : memref<8x50x64xf32, #tpu.memory_space<vmem>>, vector<1x1x16xf32>,
      %get3A_891 = arith.constant 3 : i32
      %get3A_892 = arith.index_cast %get3A_891 : i32 to index
      %get3A_893 = arith.index_cast %scan3A_710 : i32 to index
      %get3A_894 = arith.constant 32 : index
      %get3A_895 = tpu.vector_load %arg6[%get3A_892, %get3A_893, %get3A_894] {strides = array<i32>} : memref<8x64x128xf32, #tpu.memory_space<vmem>>, vector<1x1x16xf32>,
      %get3A_896 = vector.shape_cast %get3A_895 : vector<1x1x16xf32> to vector<16xf32>
      %swap3A_897 = arith.constant 3 : i32
      %swap3A_898 = arith.index_cast %swap3A_897 : i32 to index
      %swap3A_899 = arith.index_cast %scan3A_710 : i32 to index
      %swap3A_900 = arith.constant 32 : index
      %swap3A_901 = tpu.vector_load %arg7[%swap3A_898, %swap3A_899, %swap3A_900] {strides = array<i32>} : memref<8x50x64xf32, #tpu.memory_space<vmem>>, vector<1x1x16xf32>,
      %swap3A_902 = vector.shape_cast %swap3A_901 : vector<1x1x16xf32> to vector<16xf32>
      %swap3A_903 = vector.shape_cast %get3A_896 : vector<16xf32> to vector<1x1x16xf32>
      tpu.vector_store %arg7[%swap3A_898, %swap3A_899, %swap3A_900], %swap3A_903 {strides = array<i32>} : memref<8x50x64xf32, #tpu.memory_space<vmem>>, vector<1x1x16xf32>,
      %get3A_904 = arith.constant 3 : i32
      %get3A_905 = arith.index_cast %get3A_904 : i32 to index
      %get3A_906 = arith.index_cast %scan3A_710 : i32 to index
      %get3A_907 = arith.constant 48 : index
      %get3A_908 = tpu.vector_load %arg6[%get3A_905, %get3A_906, %get3A_907] {strides = array<i32>} : memref<8x64x128xf32, #tpu.memory_space<vmem>>, vector<1x1x16xf32>,
      %get3A_909 = vector.shape_cast %get3A_908 : vector<1x1x16xf32> to vector<16xf32>
      %swap3A_910 = arith.constant 3 : i32
      %swap3A_911 = arith.index_cast %swap3A_910 : i32 to index
      %swap3A_912 = arith.index_cast %scan3A_710 : i32 to index
      %swap3A_913 = arith.constant 48 : index
      %swap3A_914 = tpu.vector_load %arg7[%swap3A_911, %swap3A_912, %swap3A_913] {strides = array<i32>} : memref<8x50x64xf32, #tpu.memory_space<vmem>>, vector<1x1x16xf32>,
      %swap3A_915 = vector.shape_cast %swap3A_914 : vector<1x1x16xf32> to vector<16xf32>
      %swap3A_916 = vector.shape_cast %get3A_909 : vector<16xf32> to vector<1x1x16xf32>
      tpu.vector_store %arg7[%swap3A_911, %swap3A_912, %swap3A_913], %swap3A_916 {strides = array<i32>} : memref<8x50x64xf32, #tpu.memory_space<vmem>>, vector<1x1x16xf32>,
    }
    %scan3A_201 = arith.constant 50 : i32
    %add3A_202 = arith.constant 0 : i32
    %add3A_203 = arith.addi %mul3A_2, %add3A_202 : i32
    %dma_start3A_204 = arith.constant 0 : i32
    %dma_start3A_205 = arith.constant 0 : i32
    %dma_start3A_206 = arith.constant 0 : i32
    %dma_start3A_207 = arith.constant 0 : i32
    %dma_start3A_208 = tpu.memref_slice %arg7[%dma_start3A_205, %dma_start3A_206, %dma_start3A_207] : memref<8x50x64xf32, #tpu.memory_space<vmem>> -> memref<4x50x64xf32, #tpu.memory_space<vmem>>
    %dma_start3A_209 = arith.constant 0 : i32
    %dma_start3A_210 = arith.constant 0 : i32
    %dma_start3A_211 = tpu.memref_slice %arg4[%add3A_203, %dma_start3A_209, %dma_start3A_210] : memref<16384x50x64xf32, #tpu.memory_space<hbm>> -> memref<4x50x64xf32, #tpu.memory_space<hbm>>
    %dma_start3A_212 = tpu.memref_slice %arg9[%dma_start3A_204] : memref<2x!tpu.dma_semaphore, #tpu.memory_space<semaphore_mem>> -> memref<1x!tpu.dma_semaphore, #tpu.memory_space<semaphore_mem>>
    %dma_start3A_213 = tpu.memref_squeeze %dma_start3A_212 : memref<1x!tpu.dma_semaphore, #tpu.memory_space<semaphore_mem>> -> memref<!tpu.dma_semaphore, #tpu.memory_space<semaphore_mem>>
    %dma_start3A_214 = arith.constant 0 : i32
    %dma_start3A_215 = arith.constant 0 : i32
    %dma_start3A_216 = tpu.memref_slice %arg4[%add3A_203, %dma_start3A_214, %dma_start3A_215] : memref<16384x50x64xf32, #tpu.memory_space<hbm>> -> memref<4x50x64xf32, #tpu.memory_space<hbm>>
    %dma_start3A_217 = arith.constant 0 : i32
    %dma_start3A_218 = arith.constant 0 : i32
    %dma_start3A_219 = arith.constant 0 : i32
    %dma_start3A_220 = tpu.memref_slice %arg7[%dma_start3A_217, %dma_start3A_218, %dma_start3A_219] : memref<8x50x64xf32, #tpu.memory_space<vmem>> -> memref<4x50x64xf32, #tpu.memory_space<vmem>>
    tpu.enqueue_dma source(%dma_start3A_220 : memref<4x50x64xf32, #tpu.memory_space<vmem>>) target(%dma_start3A_216 : memref<4x50x64xf32, #tpu.memory_space<hbm>>) target_semaphore(%dma_start3A_213 : memref<!tpu.dma_semaphore, #tpu.memory_space<semaphore_mem>>)
    %dma_wait3A_221 = arith.constant 0 : i32
    %dma_wait3A_222 = arith.constant 0 : i32
    %dma_wait3A_223 = arith.constant 0 : i32
    %dma_wait3A_224 = arith.constant 0 : i32
    %dma_wait3A_225 = tpu.memref_slice %arg7[%dma_wait3A_222, %dma_wait3A_223, %dma_wait3A_224] : memref<8x50x64xf32, #tpu.memory_space<vmem>> -> memref<4x50x64xf32, #tpu.memory_space<vmem>>
    %dma_wait3A_226 = arith.constant 0 : i32
    %dma_wait3A_227 = arith.constant 0 : i32
    %dma_wait3A_228 = tpu.memref_slice %arg4[%mul3A_2, %dma_wait3A_226, %dma_wait3A_227] : memref<16384x50x64xf32, #tpu.memory_space<hbm>> -> memref<4x50x64xf32, #tpu.memory_space<hbm>>
    %dma_wait3A_229 = tpu.memref_slice %arg9[%dma_wait3A_221] : memref<2x!tpu.dma_semaphore, #tpu.memory_space<semaphore_mem>> -> memref<1x!tpu.dma_semaphore, #tpu.memory_space<semaphore_mem>>
    %dma_wait3A_230 = tpu.memref_squeeze %dma_wait3A_229 : memref<1x!tpu.dma_semaphore, #tpu.memory_space<semaphore_mem>> -> memref<!tpu.dma_semaphore, #tpu.memory_space<semaphore_mem>>
    %dma_wait3A_231 = arith.constant 0 : i32
    %dma_wait3A_232 = arith.constant 0 : i32
    %dma_wait3A_233 = arith.constant 0 : i32
    %dma_wait3A_234 = tpu.memref_slice %arg7[%dma_wait3A_231, %dma_wait3A_232, %dma_wait3A_233] : memref<8x50x64xf32, #tpu.memory_space<vmem>> -> memref<4x50x64xf32, #tpu.memory_space<vmem>>
    %dma_wait3A_235 = arith.constant 0 : i32
    %dma_wait3A_236 = arith.constant 0 : i32
    %dma_wait3A_237 = tpu.memref_slice %arg4[%mul3A_2, %dma_wait3A_235, %dma_wait3A_236] : memref<16384x50x64xf32, #tpu.memory_space<hbm>> -> memref<4x50x64xf32, #tpu.memory_space<hbm>>
    tpu.wait_dma2 semaphore(%dma_wait3A_230 : memref<!tpu.dma_semaphore, #tpu.memory_space<semaphore_mem>>) src(%dma_wait3A_237 : memref<4x50x64xf32, #tpu.memory_space<hbm>>) dst(%dma_wait3A_234 : memref<4x50x64xf32, #tpu.memory_space<vmem>>)
    %add3A_238 = arith.constant 8 : i32
    %add3A_239 = arith.addi %mul3A_2, %add3A_238 : i32
    "tpu.region"() ({
      %run_scoped3A = tpu.sem_alloc : memref<!tpu.dma_semaphore, #tpu.memory_space<semaphore_mem>>
      %dma_start3A_710 = arith.constant 0 : i32
      %dma_start3A_711 = arith.constant 0 : i32
      %dma_start3A_712 = tpu.memref_slice %arg5[%dma_start3A_710, %dma_start3A_711] : memref<8x64xi32, #tpu.memory_space<vmem>> -> memref<4x64xi32, #tpu.memory_space<vmem>>
      %dma_start3A_713 = arith.constant 0 : i32
      %dma_start3A_714 = tpu.memref_slice %arg2[%add3A_239, %dma_start3A_713] : memref<16384x64xi32, #tpu.memory_space<hbm>> -> memref<4x64xi32, #tpu.memory_space<hbm>>
      %dma_start3A_715 = arith.constant 0 : i32
      %dma_start3A_716 = arith.constant 0 : i32
      %dma_start3A_717 = tpu.memref_slice %arg5[%dma_start3A_715, %dma_start3A_716] : memref<8x64xi32, #tpu.memory_space<vmem>> -> memref<4x64xi32, #tpu.memory_space<vmem>>
      %dma_start3A_718 = arith.constant 0 : i32
      %dma_start3A_719 = tpu.memref_slice %arg2[%add3A_239, %dma_start3A_718] : memref<16384x64xi32, #tpu.memory_space<hbm>> -> memref<4x64xi32, #tpu.memory_space<hbm>>
      tpu.enqueue_dma source(%dma_start3A_719 : memref<4x64xi32, #tpu.memory_space<hbm>>) target(%dma_start3A_717 : memref<4x64xi32, #tpu.memory_space<vmem>>) target_semaphore(%run_scoped3A : memref<!tpu.dma_semaphore, #tpu.memory_space<semaphore_mem>>)
      %dma_wait3A_720 = arith.constant 0 : i32
      %dma_wait3A_721 = arith.constant 0 : i32
      %dma_wait3A_722 = tpu.memref_slice %arg5[%dma_wait3A_720, %dma_wait3A_721] : memref<8x64xi32, #tpu.memory_space<vmem>> -> memref<4x64xi32, #tpu.memory_space<vmem>>
      %dma_wait3A_723 = arith.constant 0 : i32
      %dma_wait3A_724 = tpu.memref_slice %arg2[%add3A_239, %dma_wait3A_723] : memref<16384x64xi32, #tpu.memory_space<hbm>> -> memref<4x64xi32, #tpu.memory_space<hbm>>
      %dma_wait3A_725 = arith.constant 0 : i32
      %dma_wait3A_726 = arith.constant 0 : i32
      %dma_wait3A_727 = tpu.memref_slice %arg5[%dma_wait3A_725, %dma_wait3A_726] : memref<8x64xi32, #tpu.memory_space<vmem>> -> memref<4x64xi32, #tpu.memory_space<vmem>>
      %dma_wait3A_728 = arith.constant 0 : i32
      %dma_wait3A_729 = tpu.memref_slice %arg2[%add3A_239, %dma_wait3A_728] : memref<16384x64xi32, #tpu.memory_space<hbm>> -> memref<4x64xi32, #tpu.memory_space<hbm>>
      tpu.wait_dma2 semaphore(%run_scoped3A : memref<!tpu.dma_semaphore, #tpu.memory_space<semaphore_mem>>) src(%dma_wait3A_729 : memref<4x64xi32, #tpu.memory_space<hbm>>) dst(%dma_wait3A_727 : memref<4x64xi32, #tpu.memory_space<vmem>>)
      tpu.yield
    }) : () -> ()
    %dma_start3A_240 = arith.constant 0 : i32
    %dma_start3A_241 = arith.constant 0 : i32
    %dma_start3A_242 = arith.constant 0 : i32
    %dma_start3A_243 = arith.constant 0 : i32
    %dma_start3A_244 = arith.constant 0 : i32
    %dma_start3A_245 = tpu.memref_slice %arg6[%dma_start3A_241, %dma_start3A_243, %dma_start3A_244] : memref<8x64x128xf32, #tpu.memory_space<vmem>> -> memref<1x64x128xf32, #tpu.memory_space<vmem>>
    %dma_start3A_246 = tpu.memref_squeeze %dma_start3A_245 : memref<1x64x128xf32, #tpu.memory_space<vmem>> -> memref<64x128xf32, #tpu.memory_space<vmem>>
    %dma_start3A_247 = arith.constant 0 : i32
    %dma_start3A_248 = tpu.memref_slice %arg5[%dma_start3A_240, %dma_start3A_247] : memref<8x64xi32, #tpu.memory_space<vmem>> -> memref<1x64xi32, #tpu.memory_space<vmem>>
    %dma_start3A_249 = tpu.memref_squeeze %dma_start3A_248 : memref<1x64xi32, #tpu.memory_space<vmem>> -> memref<64xi32, #tpu.memory_space<vmem>>
    %dma_start3A_250 = arith.constant 0 : i32
    %dma_start3A_251 = arith.constant 0 : i32
    %dma_start3A_252 = tpu.memref_slice %arg3[%dma_start3A_250, %dma_start3A_251] : memref<1000000x128xf32, #tpu.memory_space<hbm>> -> memref<1000000x128xf32, #tpu.memory_space<hbm>>
    %dma_start3A_253 = tpu.memref_slice %arg8[%dma_start3A_242] : memref<2x!tpu.dma_semaphore, #tpu.memory_space<semaphore_mem>> -> memref<1x!tpu.dma_semaphore, #tpu.memory_space<semaphore_mem>>
    %dma_start3A_254 = tpu.memref_squeeze %dma_start3A_253 : memref<1x!tpu.dma_semaphore, #tpu.memory_space<semaphore_mem>> -> memref<!tpu.dma_semaphore, #tpu.memory_space<semaphore_mem>>
    tpu.enqueue_indirect_dma source(%dma_start3A_252 : memref<1000000x128xf32, #tpu.memory_space<hbm>>) target(%dma_start3A_246 : memref<64x128xf32, #tpu.memory_space<vmem>>) offsets(%dma_start3A_249 : memref<64xi32, #tpu.memory_space<vmem>>) semaphore(%dma_start3A_254 : memref<!tpu.dma_semaphore, #tpu.memory_space<semaphore_mem>>)
    %dma_start3A_255 = arith.constant 1 : i32
    %dma_start3A_256 = arith.constant 1 : i32
    %dma_start3A_257 = arith.constant 0 : i32
    %dma_start3A_258 = arith.constant 0 : i32
    %dma_start3A_259 = arith.constant 0 : i32
    %dma_start3A_260 = tpu.memref_slice %arg6[%dma_start3A_256, %dma_start3A_258, %dma_start3A_259] : memref<8x64x128xf32, #tpu.memory_space<vmem>> -> memref<1x64x128xf32, #tpu.memory_space<vmem>>
    %dma_start3A_261 = tpu.memref_squeeze %dma_start3A_260 : memref<1x64x128xf32, #tpu.memory_space<vmem>> -> memref<64x128xf32, #tpu.memory_space<vmem>>
    %dma_start3A_262 = arith.constant 0 : i32
    %dma_start3A_263 = tpu.memref_slice %arg5[%dma_start3A_255, %dma_start3A_262] : memref<8x64xi32, #tpu.memory_space<vmem>> -> memref<1x64xi32, #tpu.memory_space<vmem>>
    %dma_start3A_264 = tpu.memref_squeeze %dma_start3A_263 : memref<1x64xi32, #tpu.memory_space<vmem>> -> memref<64xi32, #tpu.memory_space<vmem>>
    %dma_start3A_265 = arith.constant 0 : i32
    %dma_start3A_266 = arith.constant 0 : i32
    %dma_start3A_267 = tpu.memref_slice %arg3[%dma_start3A_265, %dma_start3A_266] : memref<1000000x128xf32, #tpu.memory_space<hbm>> -> memref<1000000x128xf32, #tpu.memory_space<hbm>>
    %dma_start3A_268 = tpu.memref_slice %arg8[%dma_start3A_257] : memref<2x!tpu.dma_semaphore, #tpu.memory_space<semaphore_mem>> -> memref<1x!tpu.dma_semaphore, #tpu.memory_space<semaphore_mem>>
    %dma_start3A_269 = tpu.memref_squeeze %dma_start3A_268 : memref<1x!tpu.dma_semaphore, #tpu.memory_space<semaphore_mem>> -> memref<!tpu.dma_semaphore, #tpu.memory_space<semaphore_mem>>
    tpu.enqueue_indirect_dma source(%dma_start3A_267 : memref<1000000x128xf32, #tpu.memory_space<hbm>>) target(%dma_start3A_261 : memref<64x128xf32, #tpu.memory_space<vmem>>) offsets(%dma_start3A_264 : memref<64xi32, #tpu.memory_space<vmem>>) semaphore(%dma_start3A_269 : memref<!tpu.dma_semaphore, #tpu.memory_space<semaphore_mem>>)
    %dma_start3A_270 = arith.constant 2 : i32
    %dma_start3A_271 = arith.constant 2 : i32
    %dma_start3A_272 = arith.constant 0 : i32
    %dma_start3A_273 = arith.constant 0 : i32
    %dma_start3A_274 = arith.constant 0 : i32
    %dma_start3A_275 = tpu.memref_slice %arg6[%dma_start3A_271, %dma_start3A_273, %dma_start3A_274] : memref<8x64x128xf32, #tpu.memory_space<vmem>> -> memref<1x64x128xf32, #tpu.memory_space<vmem>>
    %dma_start3A_276 = tpu.memref_squeeze %dma_start3A_275 : memref<1x64x128xf32, #tpu.memory_space<vmem>> -> memref<64x128xf32, #tpu.memory_space<vmem>>
    %dma_start3A_277 = arith.constant 0 : i32
    %dma_start3A_278 = tpu.memref_slice %arg5[%dma_start3A_270, %dma_start3A_277] : memref<8x64xi32, #tpu.memory_space<vmem>> -> memref<1x64xi32, #tpu.memory_space<vmem>>
    %dma_start3A_279 = tpu.memref_squeeze %dma_start3A_278 : memref<1x64xi32, #tpu.memory_space<vmem>> -> memref<64xi32, #tpu.memory_space<vmem>>
    %dma_start3A_280 = arith.constant 0 : i32
    %dma_start3A_281 = arith.constant 0 : i32
    %dma_start3A_282 = tpu.memref_slice %arg3[%dma_start3A_280, %dma_start3A_281] : memref<1000000x128xf32, #tpu.memory_space<hbm>> -> memref<1000000x128xf32, #tpu.memory_space<hbm>>
    %dma_start3A_283 = tpu.memref_slice %arg8[%dma_start3A_272] : memref<2x!tpu.dma_semaphore, #tpu.memory_space<semaphore_mem>> -> memref<1x!tpu.dma_semaphore, #tpu.memory_space<semaphore_mem>>
    %dma_start3A_284 = tpu.memref_squeeze %dma_start3A_283 : memref<1x!tpu.dma_semaphore, #tpu.memory_space<semaphore_mem>> -> memref<!tpu.dma_semaphore, #tpu.memory_space<semaphore_mem>>
    tpu.enqueue_indirect_dma source(%dma_start3A_282 : memref<1000000x128xf32, #tpu.memory_space<hbm>>) target(%dma_start3A_276 : memref<64x128xf32, #tpu.memory_space<vmem>>) offsets(%dma_start3A_279 : memref<64xi32, #tpu.memory_space<vmem>>) semaphore(%dma_start3A_284 : memref<!tpu.dma_semaphore, #tpu.memory_space<semaphore_mem>>)
    %dma_start3A_285 = arith.constant 3 : i32
    %dma_start3A_286 = arith.constant 3 : i32
    %dma_start3A_287 = arith.constant 0 : i32
    %dma_start3A_288 = arith.constant 0 : i32
    %dma_start3A_289 = arith.constant 0 : i32
    %dma_start3A_290 = tpu.memref_slice %arg6[%dma_start3A_286, %dma_start3A_288, %dma_start3A_289] : memref<8x64x128xf32, #tpu.memory_space<vmem>> -> memref<1x64x128xf32, #tpu.memory_space<vmem>>
    %dma_start3A_291 = tpu.memref_squeeze %dma_start3A_290 : memref<1x64x128xf32, #tpu.memory_space<vmem>> -> memref<64x128xf32, #tpu.memory_space<vmem>>
    %dma_start3A_292 = arith.constant 0 : i32
    %dma_start3A_293 = tpu.memref_slice %arg5[%dma_start3A_285, %dma_start3A_292] : memref<8x64xi32, #tpu.memory_space<vmem>> -> memref<1x64xi32, #tpu.memory_space<vmem>>
    %dma_start3A_294 = tpu.memref_squeeze %dma_start3A_293 : memref<1x64xi32, #tpu.memory_space<vmem>> -> memref<64xi32, #tpu.memory_space<vmem>>
    %dma_start3A_295 = arith.constant 0 : i32
    %dma_start3A_296 = arith.constant 0 : i32
    %dma_start3A_297 = tpu.memref_slice %arg3[%dma_start3A_295, %dma_start3A_296] : memref<1000000x128xf32, #tpu.memory_space<hbm>> -> memref<1000000x128xf32, #tpu.memory_space<hbm>>
    %dma_start3A_298 = tpu.memref_slice %arg8[%dma_start3A_287] : memref<2x!tpu.dma_semaphore, #tpu.memory_space<semaphore_mem>> -> memref<1x!tpu.dma_semaphore, #tpu.memory_space<semaphore_mem>>
    %dma_start3A_299 = tpu.memref_squeeze %dma_start3A_298 : memref<1x!tpu.dma_semaphore, #tpu.memory_space<semaphore_mem>> -> memref<!tpu.dma_semaphore, #tpu.memory_space<semaphore_mem>>
    tpu.enqueue_indirect_dma source(%dma_start3A_297 : memref<1000000x128xf32, #tpu.memory_space<hbm>>) target(%dma_start3A_291 : memref<64x128xf32, #tpu.memory_space<vmem>>) offsets(%dma_start3A_294 : memref<64xi32, #tpu.memory_space<vmem>>) semaphore(%dma_start3A_299 : memref<!tpu.dma_semaphore, #tpu.memory_space<semaphore_mem>>)
    %dma_wait3A_300 = arith.constant 4 : i32
    %dma_wait3A_301 = arith.constant 1 : i32
    %dma_wait3A_302 = arith.constant 0 : i32
    %dma_wait3A_303 = arith.constant 0 : i32
    %dma_wait3A_304 = tpu.memref_slice %arg6[%dma_wait3A_300, %dma_wait3A_302, %dma_wait3A_303] : memref<8x64x128xf32, #tpu.memory_space<vmem>> -> memref<1x64x128xf32, #tpu.memory_space<vmem>>
    %dma_wait3A_305 = tpu.memref_squeeze %dma_wait3A_304 : memref<1x64x128xf32, #tpu.memory_space<vmem>> -> memref<64x128xf32, #tpu.memory_space<vmem>>
    %dma_wait3A_306 = arith.constant 0 : i32
    %dma_wait3A_307 = arith.constant 0 : i32
    %dma_wait3A_308 = tpu.memref_slice %arg3[%dma_wait3A_306, %dma_wait3A_307] : memref<1000000x128xf32, #tpu.memory_space<hbm>> -> memref<64x128xf32, #tpu.memory_space<hbm>>
    %dma_wait3A_309 = tpu.memref_slice %arg8[%dma_wait3A_301] : memref<2x!tpu.dma_semaphore, #tpu.memory_space<semaphore_mem>> -> memref<1x!tpu.dma_semaphore, #tpu.memory_space<semaphore_mem>>
    %dma_wait3A_310 = tpu.memref_squeeze %dma_wait3A_309 : memref<1x!tpu.dma_semaphore, #tpu.memory_space<semaphore_mem>> -> memref<!tpu.dma_semaphore, #tpu.memory_space<semaphore_mem>>
    %dma_wait3A_311 = arith.constant 0 : i32
    %dma_wait3A_312 = arith.constant 0 : i32
    %dma_wait3A_313 = tpu.memref_slice %arg6[%dma_wait3A_300, %dma_wait3A_311, %dma_wait3A_312] : memref<8x64x128xf32, #tpu.memory_space<vmem>> -> memref<1x64x128xf32, #tpu.memory_space<vmem>>
    %dma_wait3A_314 = tpu.memref_squeeze %dma_wait3A_313 : memref<1x64x128xf32, #tpu.memory_space<vmem>> -> memref<64x128xf32, #tpu.memory_space<vmem>>
    %dma_wait3A_315 = arith.constant 0 : i32
    %dma_wait3A_316 = arith.constant 0 : i32
    %dma_wait3A_317 = tpu.memref_slice %arg3[%dma_wait3A_315, %dma_wait3A_316] : memref<1000000x128xf32, #tpu.memory_space<hbm>> -> memref<64x128xf32, #tpu.memory_space<hbm>>
    tpu.wait_dma2 semaphore(%dma_wait3A_310 : memref<!tpu.dma_semaphore, #tpu.memory_space<semaphore_mem>>) src(%dma_wait3A_317 : memref<64x128xf32, #tpu.memory_space<hbm>>) dst(%dma_wait3A_314 : memref<64x128xf32, #tpu.memory_space<vmem>>)
    %dma_wait3A_318 = arith.constant 5 : i32
    %dma_wait3A_319 = arith.constant 1 : i32
    %dma_wait3A_320 = arith.constant 0 : i32
    %dma_wait3A_321 = arith.constant 0 : i32
    %dma_wait3A_322 = tpu.memref_slice %arg6[%dma_wait3A_318, %dma_wait3A_320, %dma_wait3A_321] : memref<8x64x128xf32, #tpu.memory_space<vmem>> -> memref<1x64x128xf32, #tpu.memory_space<vmem>>
    %dma_wait3A_323 = tpu.memref_squeeze %dma_wait3A_322 : memref<1x64x128xf32, #tpu.memory_space<vmem>> -> memref<64x128xf32, #tpu.memory_space<vmem>>
    %dma_wait3A_324 = arith.constant 0 : i32
    %dma_wait3A_325 = arith.constant 0 : i32
    %dma_wait3A_326 = tpu.memref_slice %arg3[%dma_wait3A_324, %dma_wait3A_325] : memref<1000000x128xf32, #tpu.memory_space<hbm>> -> memref<64x128xf32, #tpu.memory_space<hbm>>
    %dma_wait3A_327 = tpu.memref_slice %arg8[%dma_wait3A_319] : memref<2x!tpu.dma_semaphore, #tpu.memory_space<semaphore_mem>> -> memref<1x!tpu.dma_semaphore, #tpu.memory_space<semaphore_mem>>
    %dma_wait3A_328 = tpu.memref_squeeze %dma_wait3A_327 : memref<1x!tpu.dma_semaphore, #tpu.memory_space<semaphore_mem>> -> memref<!tpu.dma_semaphore, #tpu.memory_space<semaphore_mem>>
    %dma_wait3A_329 = arith.constant 0 : i32
    %dma_wait3A_330 = arith.constant 0 : i32
    %dma_wait3A_331 = tpu.memref_slice %arg6[%dma_wait3A_318, %dma_wait3A_329, %dma_wait3A_330] : memref<8x64x128xf32, #tpu.memory_space<vmem>> -> memref<1x64x128xf32, #tpu.memory_space<vmem>>
    %dma_wait3A_332 = tpu.memref_squeeze %dma_wait3A_331 : memref<1x64x128xf32, #tpu.memory_space<vmem>> -> memref<64x128xf32, #tpu.memory_space<vmem>>
    %dma_wait3A_333 = arith.constant 0 : i32
    %dma_wait3A_334 = arith.constant 0 : i32
    %dma_wait3A_335 = tpu.memref_slice %arg3[%dma_wait3A_333, %dma_wait3A_334] : memref<1000000x128xf32, #tpu.memory_space<hbm>> -> memref<64x128xf32, #tpu.memory_space<hbm>>
    tpu.wait_dma2 semaphore(%dma_wait3A_328 : memref<!tpu.dma_semaphore, #tpu.memory_space<semaphore_mem>>) src(%dma_wait3A_335 : memref<64x128xf32, #tpu.memory_space<hbm>>) dst(%dma_wait3A_332 : memref<64x128xf32, #tpu.memory_space<vmem>>)
    %dma_wait3A_336 = arith.constant 6 : i32
    %dma_wait3A_337 = arith.constant 1 : i32
    %dma_wait3A_338 = arith.constant 0 : i32
    %dma_wait3A_339 = arith.constant 0 : i32
    %dma_wait3A_340 = tpu.memref_slice %arg6[%dma_wait3A_336, %dma_wait3A_338, %dma_wait3A_339] : memref<8x64x128xf32, #tpu.memory_space<vmem>> -> memref<1x64x128xf32, #tpu.memory_space<vmem>>
    %dma_wait3A_341 = tpu.memref_squeeze %dma_wait3A_340 : memref<1x64x128xf32, #tpu.memory_space<vmem>> -> memref<64x128xf32, #tpu.memory_space<vmem>>
    %dma_wait3A_342 = arith.constant 0 : i32
    %dma_wait3A_343 = arith.constant 0 : i32
    %dma_wait3A_344 = tpu.memref_slice %arg3[%dma_wait3A_342, %dma_wait3A_343] : memref<1000000x128xf32, #tpu.memory_space<hbm>> -> memref<64x128xf32, #tpu.memory_space<hbm>>
    %dma_wait3A_345 = tpu.memref_slice %arg8[%dma_wait3A_337] : memref<2x!tpu.dma_semaphore, #tpu.memory_space<semaphore_mem>> -> memref<1x!tpu.dma_semaphore, #tpu.memory_space<semaphore_mem>>
    %dma_wait3A_346 = tpu.memref_squeeze %dma_wait3A_345 : memref<1x!tpu.dma_semaphore, #tpu.memory_space<semaphore_mem>> -> memref<!tpu.dma_semaphore, #tpu.memory_space<semaphore_mem>>
    %dma_wait3A_347 = arith.constant 0 : i32
    %dma_wait3A_348 = arith.constant 0 : i32
    %dma_wait3A_349 = tpu.memref_slice %arg6[%dma_wait3A_336, %dma_wait3A_347, %dma_wait3A_348] : memref<8x64x128xf32, #tpu.memory_space<vmem>> -> memref<1x64x128xf32, #tpu.memory_space<vmem>>
    %dma_wait3A_350 = tpu.memref_squeeze %dma_wait3A_349 : memref<1x64x128xf32, #tpu.memory_space<vmem>> -> memref<64x128xf32, #tpu.memory_space<vmem>>
    %dma_wait3A_351 = arith.constant 0 : i32
    %dma_wait3A_352 = arith.constant 0 : i32
    %dma_wait3A_353 = tpu.memref_slice %arg3[%dma_wait3A_351, %dma_wait3A_352] : memref<1000000x128xf32, #tpu.memory_space<hbm>> -> memref<64x128xf32, #tpu.memory_space<hbm>>
    tpu.wait_dma2 semaphore(%dma_wait3A_346 : memref<!tpu.dma_semaphore, #tpu.memory_space<semaphore_mem>>) src(%dma_wait3A_353 : memref<64x128xf32, #tpu.memory_space<hbm>>) dst(%dma_wait3A_350 : memref<64x128xf32, #tpu.memory_space<vmem>>)
    %dma_wait3A_354 = arith.constant 7 : i32
    %dma_wait3A_355 = arith.constant 1 : i32
    %dma_wait3A_356 = arith.constant 0 : i32
    %dma_wait3A_357 = arith.constant 0 : i32
    %dma_wait3A_358 = tpu.memref_slice %arg6[%dma_wait3A_354, %dma_wait3A_356, %dma_wait3A_357] : memref<8x64x128xf32, #tpu.memory_space<vmem>> -> memref<1x64x128xf32, #tpu.memory_space<vmem>>
    %dma_wait3A_359 = tpu.memref_squeeze %dma_wait3A_358 : memref<1x64x128xf32, #tpu.memory_space<vmem>> -> memref<64x128xf32, #tpu.memory_space<vmem>>
    %dma_wait3A_360 = arith.constant 0 : i32
    %dma_wait3A_361 = arith.constant 0 : i32
    %dma_wait3A_362 = tpu.memref_slice %arg3[%dma_wait3A_360, %dma_wait3A_361] : memref<1000000x128xf32, #tpu.memory_space<hbm>> -> memref<64x128xf32, #tpu.memory_space<hbm>>
    %dma_wait3A_363 = tpu.memref_slice %arg8[%dma_wait3A_355] : memref<2x!tpu.dma_semaphore, #tpu.memory_space<semaphore_mem>> -> memref<1x!tpu.dma_semaphore, #tpu.memory_space<semaphore_mem>>
    %dma_wait3A_364 = tpu.memref_squeeze %dma_wait3A_363 : memref<1x!tpu.dma_semaphore, #tpu.memory_space<semaphore_mem>> -> memref<!tpu.dma_semaphore, #tpu.memory_space<semaphore_mem>>
    %dma_wait3A_365 = arith.constant 0 : i32
    %dma_wait3A_366 = arith.constant 0 : i32
    %dma_wait3A_367 = tpu.memref_slice %arg6[%dma_wait3A_354, %dma_wait3A_365, %dma_wait3A_366] : memref<8x64x128xf32, #tpu.memory_space<vmem>> -> memref<1x64x128xf32, #tpu.memory_space<vmem>>
    %dma_wait3A_368 = tpu.memref_squeeze %dma_wait3A_367 : memref<1x64x128xf32, #tpu.memory_space<vmem>> -> memref<64x128xf32, #tpu.memory_space<vmem>>
    %dma_wait3A_369 = arith.constant 0 : i32
    %dma_wait3A_370 = arith.constant 0 : i32
    %dma_wait3A_371 = tpu.memref_slice %arg3[%dma_wait3A_369, %dma_wait3A_370] : memref<1000000x128xf32, #tpu.memory_space<hbm>> -> memref<64x128xf32, #tpu.memory_space<hbm>>
    tpu.wait_dma2 semaphore(%dma_wait3A_364 : memref<!tpu.dma_semaphore, #tpu.memory_space<semaphore_mem>>) src(%dma_wait3A_371 : memref<64x128xf32, #tpu.memory_space<hbm>>) dst(%dma_wait3A_368 : memref<64x128xf32, #tpu.memory_space<vmem>>)
    %scan3A_372 = arith.constant 0 : i32
    %scan3A_373 = arith.constant 0 : i32
    %scan3A_374 = arith.constant 50 : i32
    %scan3A_375 = arith.addi %scan3A_373, %scan3A_374 : i32
    %scan3A_376 = arith.constant 1 : i32
    scf.for %scan3A_710 = %scan3A_373 to %scan3A_375 step %scan3A_376  : i32 {
      %get3A = arith.constant 4 : i32
      %get3A_711 = arith.index_cast %get3A : i32 to index
      %get3A_712 = arith.index_cast %scan3A_710 : i32 to index
      %get3A_713 = arith.constant 0 : index
      %get3A_714 = tpu.vector_load %arg6[%get3A_711, %get3A_712, %get3A_713] {strides = array<i32>} : memref<8x64x128xf32, #tpu.memory_space<vmem>>, vector<1x1x16xf32>,
      %get3A_715 = vector.shape_cast %get3A_714 : vector<1x1x16xf32> to vector<16xf32>
      %swap3A = arith.constant 4 : i32
      %swap3A_716 = arith.index_cast %swap3A : i32 to index
      %swap3A_717 = arith.index_cast %scan3A_710 : i32 to index
      %swap3A_718 = arith.constant 0 : index
      %swap3A_719 = tpu.vector_load %arg7[%swap3A_716, %swap3A_717, %swap3A_718] {strides = array<i32>} : memref<8x50x64xf32, #tpu.memory_space<vmem>>, vector<1x1x16xf32>,
      %swap3A_720 = vector.shape_cast %swap3A_719 : vector<1x1x16xf32> to vector<16xf32>
      %swap3A_721 = vector.shape_cast %get3A_715 : vector<16xf32> to vector<1x1x16xf32>
      tpu.vector_store %arg7[%swap3A_716, %swap3A_717, %swap3A_718], %swap3A_721 {strides = array<i32>} : memref<8x50x64xf32, #tpu.memory_space<vmem>>, vector<1x1x16xf32>,
      %get3A_722 = arith.constant 4 : i32
      %get3A_723 = arith.index_cast %get3A_722 : i32 to index
      %get3A_724 = arith.index_cast %scan3A_710 : i32 to index
      %get3A_725 = arith.constant 16 : index
      %get3A_726 = tpu.vector_load %arg6[%get3A_723, %get3A_724, %get3A_725] {strides = array<i32>} : memref<8x64x128xf32, #tpu.memory_space<vmem>>, vector<1x1x16xf32>,
      %get3A_727 = vector.shape_cast %get3A_726 : vector<1x1x16xf32> to vector<16xf32>
      %swap3A_728 = arith.constant 4 : i32
      %swap3A_729 = arith.index_cast %swap3A_728 : i32 to index
      %swap3A_730 = arith.index_cast %scan3A_710 : i32 to index
      %swap3A_731 = arith.constant 16 : index
      %swap3A_732 = tpu.vector_load %arg7[%swap3A_729, %swap3A_730, %swap3A_731] {strides = array<i32>} : memref<8x50x64xf32, #tpu.memory_space<vmem>>, vector<1x1x16xf32>,
      %swap3A_733 = vector.shape_cast %swap3A_732 : vector<1x1x16xf32> to vector<16xf32>
      %swap3A_734 = vector.shape_cast %get3A_727 : vector<16xf32> to vector<1x1x16xf32>
      tpu.vector_store %arg7[%swap3A_729, %swap3A_730, %swap3A_731], %swap3A_734 {strides = array<i32>} : memref<8x50x64xf32, #tpu.memory_space<vmem>>, vector<1x1x16xf32>,
      %get3A_735 = arith.constant 4 : i32
      %get3A_736 = arith.index_cast %get3A_735 : i32 to index
      %get3A_737 = arith.index_cast %scan3A_710 : i32 to index
      %get3A_738 = arith.constant 32 : index
      %get3A_739 = tpu.vector_load %arg6[%get3A_736, %get3A_737, %get3A_738] {strides = array<i32>} : memref<8x64x128xf32, #tpu.memory_space<vmem>>, vector<1x1x16xf32>,
      %get3A_740 = vector.shape_cast %get3A_739 : vector<1x1x16xf32> to vector<16xf32>
      %swap3A_741 = arith.constant 4 : i32
      %swap3A_742 = arith.index_cast %swap3A_741 : i32 to index
      %swap3A_743 = arith.index_cast %scan3A_710 : i32 to index
      %swap3A_744 = arith.constant 32 : index
      %swap3A_745 = tpu.vector_load %arg7[%swap3A_742, %swap3A_743, %swap3A_744] {strides = array<i32>} : memref<8x50x64xf32, #tpu.memory_space<vmem>>, vector<1x1x16xf32>,
      %swap3A_746 = vector.shape_cast %swap3A_745 : vector<1x1x16xf32> to vector<16xf32>
      %swap3A_747 = vector.shape_cast %get3A_740 : vector<16xf32> to vector<1x1x16xf32>
      tpu.vector_store %arg7[%swap3A_742, %swap3A_743, %swap3A_744], %swap3A_747 {strides = array<i32>} : memref<8x50x64xf32, #tpu.memory_space<vmem>>, vector<1x1x16xf32>,
      %get3A_748 = arith.constant 4 : i32
      %get3A_749 = arith.index_cast %get3A_748 : i32 to index
      %get3A_750 = arith.index_cast %scan3A_710 : i32 to index
      %get3A_751 = arith.constant 48 : index
      %get3A_752 = tpu.vector_load %arg6[%get3A_749, %get3A_750, %get3A_751] {strides = array<i32>} : memref<8x64x128xf32, #tpu.memory_space<vmem>>, vector<1x1x16xf32>,
      %get3A_753 = vector.shape_cast %get3A_752 : vector<1x1x16xf32> to vector<16xf32>
      %swap3A_754 = arith.constant 4 : i32
      %swap3A_755 = arith.index_cast %swap3A_754 : i32 to index
      %swap3A_756 = arith.index_cast %scan3A_710 : i32 to index
      %swap3A_757 = arith.constant 48 : index
      %swap3A_758 = tpu.vector_load %arg7[%swap3A_755, %swap3A_756, %swap3A_757] {strides = array<i32>} : memref<8x50x64xf32, #tpu.memory_space<vmem>>, vector<1x1x16xf32>,
      %swap3A_759 = vector.shape_cast %swap3A_758 : vector<1x1x16xf32> to vector<16xf32>
      %swap3A_760 = vector.shape_cast %get3A_753 : vector<16xf32> to vector<1x1x16xf32>
      tpu.vector_store %arg7[%swap3A_755, %swap3A_756, %swap3A_757], %swap3A_760 {strides = array<i32>} : memref<8x50x64xf32, #tpu.memory_space<vmem>>, vector<1x1x16xf32>,
      %get3A_761 = arith.constant 5 : i32
      %get3A_762 = arith.index_cast %get3A_761 : i32 to index
      %get3A_763 = arith.index_cast %scan3A_710 : i32 to index
      %get3A_764 = arith.constant 0 : index
      %get3A_765 = tpu.vector_load %arg6[%get3A_762, %get3A_763, %get3A_764] {strides = array<i32>} : memref<8x64x128xf32, #tpu.memory_space<vmem>>, vector<1x1x16xf32>,
      %get3A_766 = vector.shape_cast %get3A_765 : vector<1x1x16xf32> to vector<16xf32>
      %swap3A_767 = arith.constant 5 : i32
      %swap3A_768 = arith.index_cast %swap3A_767 : i32 to index
      %swap3A_769 = arith.index_cast %scan3A_710 : i32 to index
      %swap3A_770 = arith.constant 0 : index
      %swap3A_771 = tpu.vector_load %arg7[%swap3A_768, %swap3A_769, %swap3A_770] {strides = array<i32>} : memref<8x50x64xf32, #tpu.memory_space<vmem>>, vector<1x1x16xf32>,
      %swap3A_772 = vector.shape_cast %swap3A_771 : vector<1x1x16xf32> to vector<16xf32>
      %swap3A_773 = vector.shape_cast %get3A_766 : vector<16xf32> to vector<1x1x16xf32>
      tpu.vector_store %arg7[%swap3A_768, %swap3A_769, %swap3A_770], %swap3A_773 {strides = array<i32>} : memref<8x50x64xf32, #tpu.memory_space<vmem>>, vector<1x1x16xf32>,
      %get3A_774 = arith.constant 5 : i32
      %get3A_775 = arith.index_cast %get3A_774 : i32 to index
      %get3A_776 = arith.index_cast %scan3A_710 : i32 to index
      %get3A_777 = arith.constant 16 : index
      %get3A_778 = tpu.vector_load %arg6[%get3A_775, %get3A_776, %get3A_777] {strides = array<i32>} : memref<8x64x128xf32, #tpu.memory_space<vmem>>, vector<1x1x16xf32>,
      %get3A_779 = vector.shape_cast %get3A_778 : vector<1x1x16xf32> to vector<16xf32>
      %swap3A_780 = arith.constant 5 : i32
      %swap3A_781 = arith.index_cast %swap3A_780 : i32 to index
      %swap3A_782 = arith.index_cast %scan3A_710 : i32 to index
      %swap3A_783 = arith.constant 16 : index
      %swap3A_784 = tpu.vector_load %arg7[%swap3A_781, %swap3A_782, %swap3A_783] {strides = array<i32>} : memref<8x50x64xf32, #tpu.memory_space<vmem>>, vector<1x1x16xf32>,
      %swap3A_785 = vector.shape_cast %swap3A_784 : vector<1x1x16xf32> to vector<16xf32>
      %swap3A_786 = vector.shape_cast %get3A_779 : vector<16xf32> to vector<1x1x16xf32>
      tpu.vector_store %arg7[%swap3A_781, %swap3A_782, %swap3A_783], %swap3A_786 {strides = array<i32>} : memref<8x50x64xf32, #tpu.memory_space<vmem>>, vector<1x1x16xf32>,
      %get3A_787 = arith.constant 5 : i32
      %get3A_788 = arith.index_cast %get3A_787 : i32 to index
      %get3A_789 = arith.index_cast %scan3A_710 : i32 to index
      %get3A_790 = arith.constant 32 : index
      %get3A_791 = tpu.vector_load %arg6[%get3A_788, %get3A_789, %get3A_790] {strides = array<i32>} : memref<8x64x128xf32, #tpu.memory_space<vmem>>, vector<1x1x16xf32>,
      %get3A_792 = vector.shape_cast %get3A_791 : vector<1x1x16xf32> to vector<16xf32>
      %swap3A_793 = arith.constant 5 : i32
      %swap3A_794 = arith.index_cast %swap3A_793 : i32 to index
      %swap3A_795 = arith.index_cast %scan3A_710 : i32 to index
      %swap3A_796 = arith.constant 32 : index
      %swap3A_797 = tpu.vector_load %arg7[%swap3A_794, %swap3A_795, %swap3A_796] {strides = array<i32>} : memref<8x50x64xf32, #tpu.memory_space<vmem>>, vector<1x1x16xf32>,
      %swap3A_798 = vector.shape_cast %swap3A_797 : vector<1x1x16xf32> to vector<16xf32>
      %swap3A_799 = vector.shape_cast %get3A_792 : vector<16xf32> to vector<1x1x16xf32>
      tpu.vector_store %arg7[%swap3A_794, %swap3A_795, %swap3A_796], %swap3A_799 {strides = array<i32>} : memref<8x50x64xf32, #tpu.memory_space<vmem>>, vector<1x1x16xf32>,
      %get3A_800 = arith.constant 5 : i32
      %get3A_801 = arith.index_cast %get3A_800 : i32 to index
      %get3A_802 = arith.index_cast %scan3A_710 : i32 to index
      %get3A_803 = arith.constant 48 : index
      %get3A_804 = tpu.vector_load %arg6[%get3A_801, %get3A_802, %get3A_803] {strides = array<i32>} : memref<8x64x128xf32, #tpu.memory_space<vmem>>, vector<1x1x16xf32>,
      %get3A_805 = vector.shape_cast %get3A_804 : vector<1x1x16xf32> to vector<16xf32>
      %swap3A_806 = arith.constant 5 : i32
      %swap3A_807 = arith.index_cast %swap3A_806 : i32 to index
      %swap3A_808 = arith.index_cast %scan3A_710 : i32 to index
      %swap3A_809 = arith.constant 48 : index
      %swap3A_810 = tpu.vector_load %arg7[%swap3A_807, %swap3A_808, %swap3A_809] {strides = array<i32>} : memref<8x50x64xf32, #tpu.memory_space<vmem>>, vector<1x1x16xf32>,
      %swap3A_811 = vector.shape_cast %swap3A_810 : vector<1x1x16xf32> to vector<16xf32>
      %swap3A_812 = vector.shape_cast %get3A_805 : vector<16xf32> to vector<1x1x16xf32>
      tpu.vector_store %arg7[%swap3A_807, %swap3A_808, %swap3A_809], %swap3A_812 {strides = array<i32>} : memref<8x50x64xf32, #tpu.memory_space<vmem>>, vector<1x1x16xf32>,
      %get3A_813 = arith.constant 6 : i32
      %get3A_814 = arith.index_cast %get3A_813 : i32 to index
      %get3A_815 = arith.index_cast %scan3A_710 : i32 to index
      %get3A_816 = arith.constant 0 : index
      %get3A_817 = tpu.vector_load %arg6[%get3A_814, %get3A_815, %get3A_816] {strides = array<i32>} : memref<8x64x128xf32, #tpu.memory_space<vmem>>, vector<1x1x16xf32>,
      %get3A_818 = vector.shape_cast %get3A_817 : vector<1x1x16xf32> to vector<16xf32>
      %swap3A_819 = arith.constant 6 : i32
      %swap3A_820 = arith.index_cast %swap3A_819 : i32 to index
      %swap3A_821 = arith.index_cast %scan3A_710 : i32 to index
      %swap3A_822 = arith.constant 0 : index
      %swap3A_823 = tpu.vector_load %arg7[%swap3A_820, %swap3A_821, %swap3A_822] {strides = array<i32>} : memref<8x50x64xf32, #tpu.memory_space<vmem>>, vector<1x1x16xf32>,
      %swap3A_824 = vector.shape_cast %swap3A_823 : vector<1x1x16xf32> to vector<16xf32>
      %swap3A_825 = vector.shape_cast %get3A_818 : vector<16xf32> to vector<1x1x16xf32>
      tpu.vector_store %arg7[%swap3A_820, %swap3A_821, %swap3A_822], %swap3A_825 {strides = array<i32>} : memref<8x50x64xf32, #tpu.memory_space<vmem>>, vector<1x1x16xf32>,
      %get3A_826 = arith.constant 6 : i32
      %get3A_827 = arith.index_cast %get3A_826 : i32 to index
      %get3A_828 = arith.index_cast %scan3A_710 : i32 to index
      %get3A_829 = arith.constant 16 : index
      %get3A_830 = tpu.vector_load %arg6[%get3A_827, %get3A_828, %get3A_829] {strides = array<i32>} : memref<8x64x128xf32, #tpu.memory_space<vmem>>, vector<1x1x16xf32>,
      %get3A_831 = vector.shape_cast %get3A_830 : vector<1x1x16xf32> to vector<16xf32>
      %swap3A_832 = arith.constant 6 : i32
      %swap3A_833 = arith.index_cast %swap3A_832 : i32 to index
      %swap3A_834 = arith.index_cast %scan3A_710 : i32 to index
      %swap3A_835 = arith.constant 16 : index
      %swap3A_836 = tpu.vector_load %arg7[%swap3A_833, %swap3A_834, %swap3A_835] {strides = array<i32>} : memref<8x50x64xf32, #tpu.memory_space<vmem>>, vector<1x1x16xf32>,
      %swap3A_837 = vector.shape_cast %swap3A_836 : vector<1x1x16xf32> to vector<16xf32>
      %swap3A_838 = vector.shape_cast %get3A_831 : vector<16xf32> to vector<1x1x16xf32>
      tpu.vector_store %arg7[%swap3A_833, %swap3A_834, %swap3A_835], %swap3A_838 {strides = array<i32>} : memref<8x50x64xf32, #tpu.memory_space<vmem>>, vector<1x1x16xf32>,
      %get3A_839 = arith.constant 6 : i32
      %get3A_840 = arith.index_cast %get3A_839 : i32 to index
      %get3A_841 = arith.index_cast %scan3A_710 : i32 to index
      %get3A_842 = arith.constant 32 : index
      %get3A_843 = tpu.vector_load %arg6[%get3A_840, %get3A_841, %get3A_842] {strides = array<i32>} : memref<8x64x128xf32, #tpu.memory_space<vmem>>, vector<1x1x16xf32>,
      %get3A_844 = vector.shape_cast %get3A_843 : vector<1x1x16xf32> to vector<16xf32>
      %swap3A_845 = arith.constant 6 : i32
      %swap3A_846 = arith.index_cast %swap3A_845 : i32 to index
      %swap3A_847 = arith.index_cast %scan3A_710 : i32 to index
      %swap3A_848 = arith.constant 32 : index
      %swap3A_849 = tpu.vector_load %arg7[%swap3A_846, %swap3A_847, %swap3A_848] {strides = array<i32>} : memref<8x50x64xf32, #tpu.memory_space<vmem>>, vector<1x1x16xf32>,
      %swap3A_850 = vector.shape_cast %swap3A_849 : vector<1x1x16xf32> to vector<16xf32>
      %swap3A_851 = vector.shape_cast %get3A_844 : vector<16xf32> to vector<1x1x16xf32>
      tpu.vector_store %arg7[%swap3A_846, %swap3A_847, %swap3A_848], %swap3A_851 {strides = array<i32>} : memref<8x50x64xf32, #tpu.memory_space<vmem>>, vector<1x1x16xf32>,
      %get3A_852 = arith.constant 6 : i32
      %get3A_853 = arith.index_cast %get3A_852 : i32 to index
      %get3A_854 = arith.index_cast %scan3A_710 : i32 to index
      %get3A_855 = arith.constant 48 : index
      %get3A_856 = tpu.vector_load %arg6[%get3A_853, %get3A_854, %get3A_855] {strides = array<i32>} : memref<8x64x128xf32, #tpu.memory_space<vmem>>, vector<1x1x16xf32>,
      %get3A_857 = vector.shape_cast %get3A_856 : vector<1x1x16xf32> to vector<16xf32>
      %swap3A_858 = arith.constant 6 : i32
      %swap3A_859 = arith.index_cast %swap3A_858 : i32 to index
      %swap3A_860 = arith.index_cast %scan3A_710 : i32 to index
      %swap3A_861 = arith.constant 48 : index
      %swap3A_862 = tpu.vector_load %arg7[%swap3A_859, %swap3A_860, %swap3A_861] {strides = array<i32>} : memref<8x50x64xf32, #tpu.memory_space<vmem>>, vector<1x1x16xf32>,
      %swap3A_863 = vector.shape_cast %swap3A_862 : vector<1x1x16xf32> to vector<16xf32>
      %swap3A_864 = vector.shape_cast %get3A_857 : vector<16xf32> to vector<1x1x16xf32>
      tpu.vector_store %arg7[%swap3A_859, %swap3A_860, %swap3A_861], %swap3A_864 {strides = array<i32>} : memref<8x50x64xf32, #tpu.memory_space<vmem>>, vector<1x1x16xf32>,
      %get3A_865 = arith.constant 7 : i32
      %get3A_866 = arith.index_cast %get3A_865 : i32 to index
      %get3A_867 = arith.index_cast %scan3A_710 : i32 to index
      %get3A_868 = arith.constant 0 : index
      %get3A_869 = tpu.vector_load %arg6[%get3A_866, %get3A_867, %get3A_868] {strides = array<i32>} : memref<8x64x128xf32, #tpu.memory_space<vmem>>, vector<1x1x16xf32>,
      %get3A_870 = vector.shape_cast %get3A_869 : vector<1x1x16xf32> to vector<16xf32>
      %swap3A_871 = arith.constant 7 : i32
      %swap3A_872 = arith.index_cast %swap3A_871 : i32 to index
      %swap3A_873 = arith.index_cast %scan3A_710 : i32 to index
      %swap3A_874 = arith.constant 0 : index
      %swap3A_875 = tpu.vector_load %arg7[%swap3A_872, %swap3A_873, %swap3A_874] {strides = array<i32>} : memref<8x50x64xf32, #tpu.memory_space<vmem>>, vector<1x1x16xf32>,
      %swap3A_876 = vector.shape_cast %swap3A_875 : vector<1x1x16xf32> to vector<16xf32>
      %swap3A_877 = vector.shape_cast %get3A_870 : vector<16xf32> to vector<1x1x16xf32>
      tpu.vector_store %arg7[%swap3A_872, %swap3A_873, %swap3A_874], %swap3A_877 {strides = array<i32>} : memref<8x50x64xf32, #tpu.memory_space<vmem>>, vector<1x1x16xf32>,
      %get3A_878 = arith.constant 7 : i32
      %get3A_879 = arith.index_cast %get3A_878 : i32 to index
      %get3A_880 = arith.index_cast %scan3A_710 : i32 to index
      %get3A_881 = arith.constant 16 : index
      %get3A_882 = tpu.vector_load %arg6[%get3A_879, %get3A_880, %get3A_881] {strides = array<i32>} : memref<8x64x128xf32, #tpu.memory_space<vmem>>, vector<1x1x16xf32>,
      %get3A_883 = vector.shape_cast %get3A_882 : vector<1x1x16xf32> to vector<16xf32>
      %swap3A_884 = arith.constant 7 : i32
      %swap3A_885 = arith.index_cast %swap3A_884 : i32 to index
      %swap3A_886 = arith.index_cast %scan3A_710 : i32 to index
      %swap3A_887 = arith.constant 16 : index
      %swap3A_888 = tpu.vector_load %arg7[%swap3A_885, %swap3A_886, %swap3A_887] {strides = array<i32>} : memref<8x50x64xf32, #tpu.memory_space<vmem>>, vector<1x1x16xf32>,
      %swap3A_889 = vector.shape_cast %swap3A_888 : vector<1x1x16xf32> to vector<16xf32>
      %swap3A_890 = vector.shape_cast %get3A_883 : vector<16xf32> to vector<1x1x16xf32>
      tpu.vector_store %arg7[%swap3A_885, %swap3A_886, %swap3A_887], %swap3A_890 {strides = array<i32>} : memref<8x50x64xf32, #tpu.memory_space<vmem>>, vector<1x1x16xf32>,
      %get3A_891 = arith.constant 7 : i32
      %get3A_892 = arith.index_cast %get3A_891 : i32 to index
      %get3A_893 = arith.index_cast %scan3A_710 : i32 to index
      %get3A_894 = arith.constant 32 : index
      %get3A_895 = tpu.vector_load %arg6[%get3A_892, %get3A_893, %get3A_894] {strides = array<i32>} : memref<8x64x128xf32, #tpu.memory_space<vmem>>, vector<1x1x16xf32>,
      %get3A_896 = vector.shape_cast %get3A_895 : vector<1x1x16xf32> to vector<16xf32>
      %swap3A_897 = arith.constant 7 : i32
      %swap3A_898 = arith.index_cast %swap3A_897 : i32 to index
      %swap3A_899 = arith.index_cast %scan3A_710 : i32 to index
      %swap3A_900 = arith.constant 32 : index
      %swap3A_901 = tpu.vector_load %arg7[%swap3A_898, %swap3A_899, %swap3A_900] {strides = array<i32>} : memref<8x50x64xf32, #tpu.memory_space<vmem>>, vector<1x1x16xf32>,
      %swap3A_902 = vector.shape_cast %swap3A_901 : vector<1x1x16xf32> to vector<16xf32>
      %swap3A_903 = vector.shape_cast %get3A_896 : vector<16xf32> to vector<1x1x16xf32>
      tpu.vector_store %arg7[%swap3A_898, %swap3A_899, %swap3A_900], %swap3A_903 {strides = array<i32>} : memref<8x50x64xf32, #tpu.memory_space<vmem>>, vector<1x1x16xf32>,
      %get3A_904 = arith.constant 7 : i32
      %get3A_905 = arith.index_cast %get3A_904 : i32 to index
      %get3A_906 = arith.index_cast %scan3A_710 : i32 to index
      %get3A_907 = arith.constant 48 : index
      %get3A_908 = tpu.vector_load %arg6[%get3A_905, %get3A_906, %get3A_907] {strides = array<i32>} : memref<8x64x128xf32, #tpu.memory_space<vmem>>, vector<1x1x16xf32>,
      %get3A_909 = vector.shape_cast %get3A_908 : vector<1x1x16xf32> to vector<16xf32>
      %swap3A_910 = arith.constant 7 : i32
      %swap3A_911 = arith.index_cast %swap3A_910 : i32 to index
      %swap3A_912 = arith.index_cast %scan3A_710 : i32 to index
      %swap3A_913 = arith.constant 48 : index
      %swap3A_914 = tpu.vector_load %arg7[%swap3A_911, %swap3A_912, %swap3A_913] {strides = array<i32>} : memref<8x50x64xf32, #tpu.memory_space<vmem>>, vector<1x1x16xf32>,
      %swap3A_915 = vector.shape_cast %swap3A_914 : vector<1x1x16xf32> to vector<16xf32>
      %swap3A_916 = vector.shape_cast %get3A_909 : vector<16xf32> to vector<1x1x16xf32>
      tpu.vector_store %arg7[%swap3A_911, %swap3A_912, %swap3A_913], %swap3A_916 {strides = array<i32>} : memref<8x50x64xf32, #tpu.memory_space<vmem>>, vector<1x1x16xf32>,
    }
    %scan3A_377 = arith.constant 50 : i32
    %add3A_378 = arith.constant 4 : i32
    %add3A_379 = arith.addi %mul3A_2, %add3A_378 : i32
    %dma_start3A_380 = arith.constant 1 : i32
    %dma_start3A_381 = arith.constant 4 : i32
    %dma_start3A_382 = arith.constant 0 : i32
    %dma_start3A_383 = arith.constant 0 : i32
    %dma_start3A_384 = tpu.memref_slice %arg7[%dma_start3A_381, %dma_start3A_382, %dma_start3A_383] : memref<8x50x64xf32, #tpu.memory_space<vmem>> -> memref<4x50x64xf32, #tpu.memory_space<vmem>>
    %dma_start3A_385 = arith.constant 0 : i32
    %dma_start3A_386 = arith.constant 0 : i32
    %dma_start3A_387 = tpu.memref_slice %arg4[%add3A_379, %dma_start3A_385, %dma_start3A_386] : memref<16384x50x64xf32, #tpu.memory_space<hbm>> -> memref<4x50x64xf32, #tpu.memory_space<hbm>>
    %dma_start3A_388 = tpu.memref_slice %arg9[%dma_start3A_380] : memref<2x!tpu.dma_semaphore, #tpu.memory_space<semaphore_mem>> -> memref<1x!tpu.dma_semaphore, #tpu.memory_space<semaphore_mem>>
    %dma_start3A_389 = tpu.memref_squeeze %dma_start3A_388 : memref<1x!tpu.dma_semaphore, #tpu.memory_space<semaphore_mem>> -> memref<!tpu.dma_semaphore, #tpu.memory_space<semaphore_mem>>
    %dma_start3A_390 = arith.constant 0 : i32
    %dma_start3A_391 = arith.constant 0 : i32
    %dma_start3A_392 = tpu.memref_slice %arg4[%add3A_379, %dma_start3A_390, %dma_start3A_391] : memref<16384x50x64xf32, #tpu.memory_space<hbm>> -> memref<4x50x64xf32, #tpu.memory_space<hbm>>
    %dma_start3A_393 = arith.constant 4 : i32
    %dma_start3A_394 = arith.constant 0 : i32
    %dma_start3A_395 = arith.constant 0 : i32
    %dma_start3A_396 = tpu.memref_slice %arg7[%dma_start3A_393, %dma_start3A_394, %dma_start3A_395] : memref<8x50x64xf32, #tpu.memory_space<vmem>> -> memref<4x50x64xf32, #tpu.memory_space<vmem>>
    tpu.enqueue_dma source(%dma_start3A_396 : memref<4x50x64xf32, #tpu.memory_space<vmem>>) target(%dma_start3A_392 : memref<4x50x64xf32, #tpu.memory_space<hbm>>) target_semaphore(%dma_start3A_389 : memref<!tpu.dma_semaphore, #tpu.memory_space<semaphore_mem>>)
    %scan3A_397 = arith.constant 0 : i32
    %scan3A_398 = arith.constant 1 : i32
    %scan3A_399 = arith.constant 62 : i32
    %scan3A_400 = arith.addi %scan3A_398, %scan3A_399 : i32
    %scan3A_401 = arith.constant 1 : i32
    scf.for %scan3A_710 = %scan3A_398 to %scan3A_400 step %scan3A_401  : i32 {
      %mul3A_711 = arith.constant 2 : i32
      %mul3A_712 = arith.muli %mul3A_711, %scan3A_710 : i32
      %dma_wait3A_713 = arith.constant 1 : i32
      %dma_wait3A_714 = arith.constant 4 : i32
      %dma_wait3A_715 = arith.constant 0 : i32
      %dma_wait3A_716 = arith.constant 0 : i32
      %dma_wait3A_717 = tpu.memref_slice %arg7[%dma_wait3A_714, %dma_wait3A_715, %dma_wait3A_716] : memref<8x50x64xf32, #tpu.memory_space<vmem>> -> memref<4x50x64xf32, #tpu.memory_space<vmem>>
      %dma_wait3A_718 = arith.constant 0 : i32
      %dma_wait3A_719 = arith.constant 0 : i32
      %dma_wait3A_720 = tpu.memref_slice %arg4[%mul3A_2, %dma_wait3A_718, %dma_wait3A_719] : memref<16384x50x64xf32, #tpu.memory_space<hbm>> -> memref<4x50x64xf32, #tpu.memory_space<hbm>>
      %dma_wait3A_721 = tpu.memref_slice %arg9[%dma_wait3A_713] : memref<2x!tpu.dma_semaphore, #tpu.memory_space<semaphore_mem>> -> memref<1x!tpu.dma_semaphore, #tpu.memory_space<semaphore_mem>>
      %dma_wait3A_722 = tpu.memref_squeeze %dma_wait3A_721 : memref<1x!tpu.dma_semaphore, #tpu.memory_space<semaphore_mem>> -> memref<!tpu.dma_semaphore, #tpu.memory_space<semaphore_mem>>
      %dma_wait3A_723 = arith.constant 4 : i32
      %dma_wait3A_724 = arith.constant 0 : i32
      %dma_wait3A_725 = arith.constant 0 : i32
      %dma_wait3A_726 = tpu.memref_slice %arg7[%dma_wait3A_723, %dma_wait3A_724, %dma_wait3A_725] : memref<8x50x64xf32, #tpu.memory_space<vmem>> -> memref<4x50x64xf32, #tpu.memory_space<vmem>>
      %dma_wait3A_727 = arith.constant 0 : i32
      %dma_wait3A_728 = arith.constant 0 : i32
      %dma_wait3A_729 = tpu.memref_slice %arg4[%mul3A_2, %dma_wait3A_727, %dma_wait3A_728] : memref<16384x50x64xf32, #tpu.memory_space<hbm>> -> memref<4x50x64xf32, #tpu.memory_space<hbm>>
      tpu.wait_dma2 semaphore(%dma_wait3A_722 : memref<!tpu.dma_semaphore, #tpu.memory_space<semaphore_mem>>) src(%dma_wait3A_729 : memref<4x50x64xf32, #tpu.memory_space<hbm>>) dst(%dma_wait3A_726 : memref<4x50x64xf32, #tpu.memory_space<vmem>>)
      %add3A_730 = arith.constant 1 : i32
      %add3A_731 = arith.addi %mul3A_712, %add3A_730 : i32
      %mul3A_732 = arith.constant 4 : i32
      %mul3A_733 = arith.muli %add3A_731, %mul3A_732 : i32
      %add3A_734 = arith.addi %mul3A_2, %mul3A_733 : i32
      "tpu.region"() ({
        %run_scoped3A = tpu.sem_alloc : memref<!tpu.dma_semaphore, #tpu.memory_space<semaphore_mem>>
        %dma_start3A_1075 = arith.constant 4 : i32
        %dma_start3A_1076 = arith.constant 0 : i32
        %dma_start3A_1077 = tpu.memref_slice %arg5[%dma_start3A_1075, %dma_start3A_1076] : memref<8x64xi32, #tpu.memory_space<vmem>> -> memref<4x64xi32, #tpu.memory_space<vmem>>
        %dma_start3A_1078 = arith.constant 0 : i32
        %dma_start3A_1079 = tpu.memref_slice %arg2[%add3A_734, %dma_start3A_1078] : memref<16384x64xi32, #tpu.memory_space<hbm>> -> memref<4x64xi32, #tpu.memory_space<hbm>>
        %dma_start3A_1080 = arith.constant 4 : i32
        %dma_start3A_1081 = arith.constant 0 : i32
        %dma_start3A_1082 = tpu.memref_slice %arg5[%dma_start3A_1080, %dma_start3A_1081] : memref<8x64xi32, #tpu.memory_space<vmem>> -> memref<4x64xi32, #tpu.memory_space<vmem>>
        %dma_start3A_1083 = arith.constant 0 : i32
        %dma_start3A_1084 = tpu.memref_slice %arg2[%add3A_734, %dma_start3A_1083] : memref<16384x64xi32, #tpu.memory_space<hbm>> -> memref<4x64xi32, #tpu.memory_space<hbm>>
        tpu.enqueue_dma source(%dma_start3A_1084 : memref<4x64xi32, #tpu.memory_space<hbm>>) target(%dma_start3A_1082 : memref<4x64xi32, #tpu.memory_space<vmem>>) target_semaphore(%run_scoped3A : memref<!tpu.dma_semaphore, #tpu.memory_space<semaphore_mem>>)
        %dma_wait3A_1085 = arith.constant 4 : i32
        %dma_wait3A_1086 = arith.constant 0 : i32
        %dma_wait3A_1087 = tpu.memref_slice %arg5[%dma_wait3A_1085, %dma_wait3A_1086] : memref<8x64xi32, #tpu.memory_space<vmem>> -> memref<4x64xi32, #tpu.memory_space<vmem>>
        %dma_wait3A_1088 = arith.constant 0 : i32
        %dma_wait3A_1089 = tpu.memref_slice %arg2[%add3A_734, %dma_wait3A_1088] : memref<16384x64xi32, #tpu.memory_space<hbm>> -> memref<4x64xi32, #tpu.memory_space<hbm>>
        %dma_wait3A_1090 = arith.constant 4 : i32
        %dma_wait3A_1091 = arith.constant 0 : i32
        %dma_wait3A_1092 = tpu.memref_slice %arg5[%dma_wait3A_1090, %dma_wait3A_1091] : memref<8x64xi32, #tpu.memory_space<vmem>> -> memref<4x64xi32, #tpu.memory_space<vmem>>
        %dma_wait3A_1093 = arith.constant 0 : i32
        %dma_wait3A_1094 = tpu.memref_slice %arg2[%add3A_734, %dma_wait3A_1093] : memref<16384x64xi32, #tpu.memory_space<hbm>> -> memref<4x64xi32, #tpu.memory_space<hbm>>
        tpu.wait_dma2 semaphore(%run_scoped3A : memref<!tpu.dma_semaphore, #tpu.memory_space<semaphore_mem>>) src(%dma_wait3A_1094 : memref<4x64xi32, #tpu.memory_space<hbm>>) dst(%dma_wait3A_1092 : memref<4x64xi32, #tpu.memory_space<vmem>>)
        tpu.yield
      }) : () -> ()
      %dma_start3A_735 = arith.constant 4 : i32
      %dma_start3A_736 = arith.constant 4 : i32
      %dma_start3A_737 = arith.constant 1 : i32
      %dma_start3A_738 = arith.constant 0 : i32
      %dma_start3A_739 = arith.constant 0 : i32
      %dma_start3A_740 = tpu.memref_slice %arg6[%dma_start3A_736, %dma_start3A_738, %dma_start3A_739] : memref<8x64x128xf32, #tpu.memory_space<vmem>> -> memref<1x64x128xf32, #tpu.memory_space<vmem>>
      %dma_start3A_741 = tpu.memref_squeeze %dma_start3A_740 : memref<1x64x128xf32, #tpu.memory_space<vmem>> -> memref<64x128xf32, #tpu.memory_space<vmem>>
      %dma_start3A_742 = arith.constant 0 : i32
      %dma_start3A_743 = tpu.memref_slice %arg5[%dma_start3A_735, %dma_start3A_742] : memref<8x64xi32, #tpu.memory_space<vmem>> -> memref<1x64xi32, #tpu.memory_space<vmem>>
      %dma_start3A_744 = tpu.memref_squeeze %dma_start3A_743 : memref<1x64xi32, #tpu.memory_space<vmem>> -> memref<64xi32, #tpu.memory_space<vmem>>
      %dma_start3A_745 = arith.constant 0 : i32
      %dma_start3A_746 = arith.constant 0 : i32
      %dma_start3A_747 = tpu.memref_slice %arg3[%dma_start3A_745, %dma_start3A_746] : memref<1000000x128xf32, #tpu.memory_space<hbm>> -> memref<1000000x128xf32, #tpu.memory_space<hbm>>
      %dma_start3A_748 = tpu.memref_slice %arg8[%dma_start3A_737] : memref<2x!tpu.dma_semaphore, #tpu.memory_space<semaphore_mem>> -> memref<1x!tpu.dma_semaphore, #tpu.memory_space<semaphore_mem>>
      %dma_start3A_749 = tpu.memref_squeeze %dma_start3A_748 : memref<1x!tpu.dma_semaphore, #tpu.memory_space<semaphore_mem>> -> memref<!tpu.dma_semaphore, #tpu.memory_space<semaphore_mem>>
      tpu.enqueue_indirect_dma source(%dma_start3A_747 : memref<1000000x128xf32, #tpu.memory_space<hbm>>) target(%dma_start3A_741 : memref<64x128xf32, #tpu.memory_space<vmem>>) offsets(%dma_start3A_744 : memref<64xi32, #tpu.memory_space<vmem>>) semaphore(%dma_start3A_749 : memref<!tpu.dma_semaphore, #tpu.memory_space<semaphore_mem>>)
      %dma_start3A_750 = arith.constant 5 : i32
      %dma_start3A_751 = arith.constant 5 : i32
      %dma_start3A_752 = arith.constant 1 : i32
      %dma_start3A_753 = arith.constant 0 : i32
      %dma_start3A_754 = arith.constant 0 : i32
      %dma_start3A_755 = tpu.memref_slice %arg6[%dma_start3A_751, %dma_start3A_753, %dma_start3A_754] : memref<8x64x128xf32, #tpu.memory_space<vmem>> -> memref<1x64x128xf32, #tpu.memory_space<vmem>>
      %dma_start3A_756 = tpu.memref_squeeze %dma_start3A_755 : memref<1x64x128xf32, #tpu.memory_space<vmem>> -> memref<64x128xf32, #tpu.memory_space<vmem>>
      %dma_start3A_757 = arith.constant 0 : i32
      %dma_start3A_758 = tpu.memref_slice %arg5[%dma_start3A_750, %dma_start3A_757] : memref<8x64xi32, #tpu.memory_space<vmem>> -> memref<1x64xi32, #tpu.memory_space<vmem>>
      %dma_start3A_759 = tpu.memref_squeeze %dma_start3A_758 : memref<1x64xi32, #tpu.memory_space<vmem>> -> memref<64xi32, #tpu.memory_space<vmem>>
      %dma_start3A_760 = arith.constant 0 : i32
      %dma_start3A_761 = arith.constant 0 : i32
      %dma_start3A_762 = tpu.memref_slice %arg3[%dma_start3A_760, %dma_start3A_761] : memref<1000000x128xf32, #tpu.memory_space<hbm>> -> memref<1000000x128xf32, #tpu.memory_space<hbm>>
      %dma_start3A_763 = tpu.memref_slice %arg8[%dma_start3A_752] : memref<2x!tpu.dma_semaphore, #tpu.memory_space<semaphore_mem>> -> memref<1x!tpu.dma_semaphore, #tpu.memory_space<semaphore_mem>>
      %dma_start3A_764 = tpu.memref_squeeze %dma_start3A_763 : memref<1x!tpu.dma_semaphore, #tpu.memory_space<semaphore_mem>> -> memref<!tpu.dma_semaphore, #tpu.memory_space<semaphore_mem>>
      tpu.enqueue_indirect_dma source(%dma_start3A_762 : memref<1000000x128xf32, #tpu.memory_space<hbm>>) target(%dma_start3A_756 : memref<64x128xf32, #tpu.memory_space<vmem>>) offsets(%dma_start3A_759 : memref<64xi32, #tpu.memory_space<vmem>>) semaphore(%dma_start3A_764 : memref<!tpu.dma_semaphore, #tpu.memory_space<semaphore_mem>>)
      %dma_start3A_765 = arith.constant 6 : i32
      %dma_start3A_766 = arith.constant 6 : i32
      %dma_start3A_767 = arith.constant 1 : i32
      %dma_start3A_768 = arith.constant 0 : i32
      %dma_start3A_769 = arith.constant 0 : i32
      %dma_start3A_770 = tpu.memref_slice %arg6[%dma_start3A_766, %dma_start3A_768, %dma_start3A_769] : memref<8x64x128xf32, #tpu.memory_space<vmem>> -> memref<1x64x128xf32, #tpu.memory_space<vmem>>
      %dma_start3A_771 = tpu.memref_squeeze %dma_start3A_770 : memref<1x64x128xf32, #tpu.memory_space<vmem>> -> memref<64x128xf32, #tpu.memory_space<vmem>>
      %dma_start3A_772 = arith.constant 0 : i32
      %dma_start3A_773 = tpu.memref_slice %arg5[%dma_start3A_765, %dma_start3A_772] : memref<8x64xi32, #tpu.memory_space<vmem>> -> memref<1x64xi32, #tpu.memory_space<vmem>>
      %dma_start3A_774 = tpu.memref_squeeze %dma_start3A_773 : memref<1x64xi32, #tpu.memory_space<vmem>> -> memref<64xi32, #tpu.memory_space<vmem>>
      %dma_start3A_775 = arith.constant 0 : i32
      %dma_start3A_776 = arith.constant 0 : i32
      %dma_start3A_777 = tpu.memref_slice %arg3[%dma_start3A_775, %dma_start3A_776] : memref<1000000x128xf32, #tpu.memory_space<hbm>> -> memref<1000000x128xf32, #tpu.memory_space<hbm>>
      %dma_start3A_778 = tpu.memref_slice %arg8[%dma_start3A_767] : memref<2x!tpu.dma_semaphore, #tpu.memory_space<semaphore_mem>> -> memref<1x!tpu.dma_semaphore, #tpu.memory_space<semaphore_mem>>
      %dma_start3A_779 = tpu.memref_squeeze %dma_start3A_778 : memref<1x!tpu.dma_semaphore, #tpu.memory_space<semaphore_mem>> -> memref<!tpu.dma_semaphore, #tpu.memory_space<semaphore_mem>>
      tpu.enqueue_indirect_dma source(%dma_start3A_777 : memref<1000000x128xf32, #tpu.memory_space<hbm>>) target(%dma_start3A_771 : memref<64x128xf32, #tpu.memory_space<vmem>>) offsets(%dma_start3A_774 : memref<64xi32, #tpu.memory_space<vmem>>) semaphore(%dma_start3A_779 : memref<!tpu.dma_semaphore, #tpu.memory_space<semaphore_mem>>)
      %dma_start3A_780 = arith.constant 7 : i32
      %dma_start3A_781 = arith.constant 7 : i32
      %dma_start3A_782 = arith.constant 1 : i32
      %dma_start3A_783 = arith.constant 0 : i32
      %dma_start3A_784 = arith.constant 0 : i32
      %dma_start3A_785 = tpu.memref_slice %arg6[%dma_start3A_781, %dma_start3A_783, %dma_start3A_784] : memref<8x64x128xf32, #tpu.memory_space<vmem>> -> memref<1x64x128xf32, #tpu.memory_space<vmem>>
      %dma_start3A_786 = tpu.memref_squeeze %dma_start3A_785 : memref<1x64x128xf32, #tpu.memory_space<vmem>> -> memref<64x128xf32, #tpu.memory_space<vmem>>
      %dma_start3A_787 = arith.constant 0 : i32
      %dma_start3A_788 = tpu.memref_slice %arg5[%dma_start3A_780, %dma_start3A_787] : memref<8x64xi32, #tpu.memory_space<vmem>> -> memref<1x64xi32, #tpu.memory_space<vmem>>
      %dma_start3A_789 = tpu.memref_squeeze %dma_start3A_788 : memref<1x64xi32, #tpu.memory_space<vmem>> -> memref<64xi32, #tpu.memory_space<vmem>>
      %dma_start3A_790 = arith.constant 0 : i32
      %dma_start3A_791 = arith.constant 0 : i32
      %dma_start3A_792 = tpu.memref_slice %arg3[%dma_start3A_790, %dma_start3A_791] : memref<1000000x128xf32, #tpu.memory_space<hbm>> -> memref<1000000x128xf32, #tpu.memory_space<hbm>>
      %dma_start3A_793 = tpu.memref_slice %arg8[%dma_start3A_782] : memref<2x!tpu.dma_semaphore, #tpu.memory_space<semaphore_mem>> -> memref<1x!tpu.dma_semaphore, #tpu.memory_space<semaphore_mem>>
      %dma_start3A_794 = tpu.memref_squeeze %dma_start3A_793 : memref<1x!tpu.dma_semaphore, #tpu.memory_space<semaphore_mem>> -> memref<!tpu.dma_semaphore, #tpu.memory_space<semaphore_mem>>
      tpu.enqueue_indirect_dma source(%dma_start3A_792 : memref<1000000x128xf32, #tpu.memory_space<hbm>>) target(%dma_start3A_786 : memref<64x128xf32, #tpu.memory_space<vmem>>) offsets(%dma_start3A_789 : memref<64xi32, #tpu.memory_space<vmem>>) semaphore(%dma_start3A_794 : memref<!tpu.dma_semaphore, #tpu.memory_space<semaphore_mem>>)
      %dma_wait3A_795 = arith.constant 0 : i32
      %dma_wait3A_796 = arith.constant 0 : i32
      %dma_wait3A_797 = arith.constant 0 : i32
      %dma_wait3A_798 = arith.constant 0 : i32
      %dma_wait3A_799 = tpu.memref_slice %arg6[%dma_wait3A_795, %dma_wait3A_797, %dma_wait3A_798] : memref<8x64x128xf32, #tpu.memory_space<vmem>> -> memref<1x64x128xf32, #tpu.memory_space<vmem>>
      %dma_wait3A_800 = tpu.memref_squeeze %dma_wait3A_799 : memref<1x64x128xf32, #tpu.memory_space<vmem>> -> memref<64x128xf32, #tpu.memory_space<vmem>>
      %dma_wait3A_801 = arith.constant 0 : i32
      %dma_wait3A_802 = arith.constant 0 : i32
      %dma_wait3A_803 = tpu.memref_slice %arg3[%dma_wait3A_801, %dma_wait3A_802] : memref<1000000x128xf32, #tpu.memory_space<hbm>> -> memref<64x128xf32, #tpu.memory_space<hbm>>
      %dma_wait3A_804 = tpu.memref_slice %arg8[%dma_wait3A_796] : memref<2x!tpu.dma_semaphore, #tpu.memory_space<semaphore_mem>> -> memref<1x!tpu.dma_semaphore, #tpu.memory_space<semaphore_mem>>
      %dma_wait3A_805 = tpu.memref_squeeze %dma_wait3A_804 : memref<1x!tpu.dma_semaphore, #tpu.memory_space<semaphore_mem>> -> memref<!tpu.dma_semaphore, #tpu.memory_space<semaphore_mem>>
      %dma_wait3A_806 = arith.constant 0 : i32
      %dma_wait3A_807 = arith.constant 0 : i32
      %dma_wait3A_808 = tpu.memref_slice %arg6[%dma_wait3A_795, %dma_wait3A_806, %dma_wait3A_807] : memref<8x64x128xf32, #tpu.memory_space<vmem>> -> memref<1x64x128xf32, #tpu.memory_space<vmem>>
      %dma_wait3A_809 = tpu.memref_squeeze %dma_wait3A_808 : memref<1x64x128xf32, #tpu.memory_space<vmem>> -> memref<64x128xf32, #tpu.memory_space<vmem>>
      %dma_wait3A_810 = arith.constant 0 : i32
      %dma_wait3A_811 = arith.constant 0 : i32
      %dma_wait3A_812 = tpu.memref_slice %arg3[%dma_wait3A_810, %dma_wait3A_811] : memref<1000000x128xf32, #tpu.memory_space<hbm>> -> memref<64x128xf32, #tpu.memory_space<hbm>>
      tpu.wait_dma2 semaphore(%dma_wait3A_805 : memref<!tpu.dma_semaphore, #tpu.memory_space<semaphore_mem>>) src(%dma_wait3A_812 : memref<64x128xf32, #tpu.memory_space<hbm>>) dst(%dma_wait3A_809 : memref<64x128xf32, #tpu.memory_space<vmem>>)
      %dma_wait3A_813 = arith.constant 1 : i32
      %dma_wait3A_814 = arith.constant 0 : i32
      %dma_wait3A_815 = arith.constant 0 : i32
      %dma_wait3A_816 = arith.constant 0 : i32
      %dma_wait3A_817 = tpu.memref_slice %arg6[%dma_wait3A_813, %dma_wait3A_815, %dma_wait3A_816] : memref<8x64x128xf32, #tpu.memory_space<vmem>> -> memref<1x64x128xf32, #tpu.memory_space<vmem>>
      %dma_wait3A_818 = tpu.memref_squeeze %dma_wait3A_817 : memref<1x64x128xf32, #tpu.memory_space<vmem>> -> memref<64x128xf32, #tpu.memory_space<vmem>>
      %dma_wait3A_819 = arith.constant 0 : i32
      %dma_wait3A_820 = arith.constant 0 : i32
      %dma_wait3A_821 = tpu.memref_slice %arg3[%dma_wait3A_819, %dma_wait3A_820] : memref<1000000x128xf32, #tpu.memory_space<hbm>> -> memref<64x128xf32, #tpu.memory_space<hbm>>
      %dma_wait3A_822 = tpu.memref_slice %arg8[%dma_wait3A_814] : memref<2x!tpu.dma_semaphore, #tpu.memory_space<semaphore_mem>> -> memref<1x!tpu.dma_semaphore, #tpu.memory_space<semaphore_mem>>
      %dma_wait3A_823 = tpu.memref_squeeze %dma_wait3A_822 : memref<1x!tpu.dma_semaphore, #tpu.memory_space<semaphore_mem>> -> memref<!tpu.dma_semaphore, #tpu.memory_space<semaphore_mem>>
      %dma_wait3A_824 = arith.constant 0 : i32
      %dma_wait3A_825 = arith.constant 0 : i32
      %dma_wait3A_826 = tpu.memref_slice %arg6[%dma_wait3A_813, %dma_wait3A_824, %dma_wait3A_825] : memref<8x64x128xf32, #tpu.memory_space<vmem>> -> memref<1x64x128xf32, #tpu.memory_space<vmem>>
      %dma_wait3A_827 = tpu.memref_squeeze %dma_wait3A_826 : memref<1x64x128xf32, #tpu.memory_space<vmem>> -> memref<64x128xf32, #tpu.memory_space<vmem>>
      %dma_wait3A_828 = arith.constant 0 : i32
      %dma_wait3A_829 = arith.constant 0 : i32
      %dma_wait3A_830 = tpu.memref_slice %arg3[%dma_wait3A_828, %dma_wait3A_829] : memref<1000000x128xf32, #tpu.memory_space<hbm>> -> memref<64x128xf32, #tpu.memory_space<hbm>>
      tpu.wait_dma2 semaphore(%dma_wait3A_823 : memref<!tpu.dma_semaphore, #tpu.memory_space<semaphore_mem>>) src(%dma_wait3A_830 : memref<64x128xf32, #tpu.memory_space<hbm>>) dst(%dma_wait3A_827 : memref<64x128xf32, #tpu.memory_space<vmem>>)
      %dma_wait3A_831 = arith.constant 2 : i32
      %dma_wait3A_832 = arith.constant 0 : i32
      %dma_wait3A_833 = arith.constant 0 : i32
      %dma_wait3A_834 = arith.constant 0 : i32
      %dma_wait3A_835 = tpu.memref_slice %arg6[%dma_wait3A_831, %dma_wait3A_833, %dma_wait3A_834] : memref<8x64x128xf32, #tpu.memory_space<vmem>> -> memref<1x64x128xf32, #tpu.memory_space<vmem>>
      %dma_wait3A_836 = tpu.memref_squeeze %dma_wait3A_835 : memref<1x64x128xf32, #tpu.memory_space<vmem>> -> memref<64x128xf32, #tpu.memory_space<vmem>>
      %dma_wait3A_837 = arith.constant 0 : i32
      %dma_wait3A_838 = arith.constant 0 : i32
      %dma_wait3A_839 = tpu.memref_slice %arg3[%dma_wait3A_837, %dma_wait3A_838] : memref<1000000x128xf32, #tpu.memory_space<hbm>> -> memref<64x128xf32, #tpu.memory_space<hbm>>
      %dma_wait3A_840 = tpu.memref_slice %arg8[%dma_wait3A_832] : memref<2x!tpu.dma_semaphore, #tpu.memory_space<semaphore_mem>> -> memref<1x!tpu.dma_semaphore, #tpu.memory_space<semaphore_mem>>
      %dma_wait3A_841 = tpu.memref_squeeze %dma_wait3A_840 : memref<1x!tpu.dma_semaphore, #tpu.memory_space<semaphore_mem>> -> memref<!tpu.dma_semaphore, #tpu.memory_space<semaphore_mem>>
      %dma_wait3A_842 = arith.constant 0 : i32
      %dma_wait3A_843 = arith.constant 0 : i32
      %dma_wait3A_844 = tpu.memref_slice %arg6[%dma_wait3A_831, %dma_wait3A_842, %dma_wait3A_843] : memref<8x64x128xf32, #tpu.memory_space<vmem>> -> memref<1x64x128xf32, #tpu.memory_space<vmem>>
      %dma_wait3A_845 = tpu.memref_squeeze %dma_wait3A_844 : memref<1x64x128xf32, #tpu.memory_space<vmem>> -> memref<64x128xf32, #tpu.memory_space<vmem>>
      %dma_wait3A_846 = arith.constant 0 : i32
      %dma_wait3A_847 = arith.constant 0 : i32
      %dma_wait3A_848 = tpu.memref_slice %arg3[%dma_wait3A_846, %dma_wait3A_847] : memref<1000000x128xf32, #tpu.memory_space<hbm>> -> memref<64x128xf32, #tpu.memory_space<hbm>>
      tpu.wait_dma2 semaphore(%dma_wait3A_841 : memref<!tpu.dma_semaphore, #tpu.memory_space<semaphore_mem>>) src(%dma_wait3A_848 : memref<64x128xf32, #tpu.memory_space<hbm>>) dst(%dma_wait3A_845 : memref<64x128xf32, #tpu.memory_space<vmem>>)
      %dma_wait3A_849 = arith.constant 3 : i32
      %dma_wait3A_850 = arith.constant 0 : i32
      %dma_wait3A_851 = arith.constant 0 : i32
      %dma_wait3A_852 = arith.constant 0 : i32
      %dma_wait3A_853 = tpu.memref_slice %arg6[%dma_wait3A_849, %dma_wait3A_851, %dma_wait3A_852] : memref<8x64x128xf32, #tpu.memory_space<vmem>> -> memref<1x64x128xf32, #tpu.memory_space<vmem>>
      %dma_wait3A_854 = tpu.memref_squeeze %dma_wait3A_853 : memref<1x64x128xf32, #tpu.memory_space<vmem>> -> memref<64x128xf32, #tpu.memory_space<vmem>>
      %dma_wait3A_855 = arith.constant 0 : i32
      %dma_wait3A_856 = arith.constant 0 : i32
      %dma_wait3A_857 = tpu.memref_slice %arg3[%dma_wait3A_855, %dma_wait3A_856] : memref<1000000x128xf32, #tpu.memory_space<hbm>> -> memref<64x128xf32, #tpu.memory_space<hbm>>
      %dma_wait3A_858 = tpu.memref_slice %arg8[%dma_wait3A_850] : memref<2x!tpu.dma_semaphore, #tpu.memory_space<semaphore_mem>> -> memref<1x!tpu.dma_semaphore, #tpu.memory_space<semaphore_mem>>
      %dma_wait3A_859 = tpu.memref_squeeze %dma_wait3A_858 : memref<1x!tpu.dma_semaphore, #tpu.memory_space<semaphore_mem>> -> memref<!tpu.dma_semaphore, #tpu.memory_space<semaphore_mem>>
      %dma_wait3A_860 = arith.constant 0 : i32
      %dma_wait3A_861 = arith.constant 0 : i32
      %dma_wait3A_862 = tpu.memref_slice %arg6[%dma_wait3A_849, %dma_wait3A_860, %dma_wait3A_861] : memref<8x64x128xf32, #tpu.memory_space<vmem>> -> memref<1x64x128xf32, #tpu.memory_space<vmem>>
      %dma_wait3A_863 = tpu.memref_squeeze %dma_wait3A_862 : memref<1x64x128xf32, #tpu.memory_space<vmem>> -> memref<64x128xf32, #tpu.memory_space<vmem>>
      %dma_wait3A_864 = arith.constant 0 : i32
      %dma_wait3A_865 = arith.constant 0 : i32
      %dma_wait3A_866 = tpu.memref_slice %arg3[%dma_wait3A_864, %dma_wait3A_865] : memref<1000000x128xf32, #tpu.memory_space<hbm>> -> memref<64x128xf32, #tpu.memory_space<hbm>>
      tpu.wait_dma2 semaphore(%dma_wait3A_859 : memref<!tpu.dma_semaphore, #tpu.memory_space<semaphore_mem>>) src(%dma_wait3A_866 : memref<64x128xf32, #tpu.memory_space<hbm>>) dst(%dma_wait3A_863 : memref<64x128xf32, #tpu.memory_space<vmem>>)
      %scan3A_867 = arith.constant 0 : i32
      %scan3A_868 = arith.constant 0 : i32
      %scan3A_869 = arith.constant 50 : i32
      %scan3A_870 = arith.addi %scan3A_868, %scan3A_869 : i32
      %scan3A_871 = arith.constant 1 : i32
      scf.for %scan3A_1075 = %scan3A_868 to %scan3A_870 step %scan3A_871  : i32 {
        %get3A = arith.constant 0 : i32
        %get3A_1076 = arith.index_cast %get3A : i32 to index
        %get3A_1077 = arith.index_cast %scan3A_1075 : i32 to index
        %get3A_1078 = arith.constant 0 : index
        %get3A_1079 = tpu.vector_load %arg6[%get3A_1076, %get3A_1077, %get3A_1078] {strides = array<i32>} : memref<8x64x128xf32, #tpu.memory_space<vmem>>, vector<1x1x16xf32>,
        %get3A_1080 = vector.shape_cast %get3A_1079 : vector<1x1x16xf32> to vector<16xf32>
        %swap3A = arith.constant 0 : i32
        %swap3A_1081 = arith.index_cast %swap3A : i32 to index
        %swap3A_1082 = arith.index_cast %scan3A_1075 : i32 to index
        %swap3A_1083 = arith.constant 0 : index
        %swap3A_1084 = tpu.vector_load %arg7[%swap3A_1081, %swap3A_1082, %swap3A_1083] {strides = array<i32>} : memref<8x50x64xf32, #tpu.memory_space<vmem>>, vector<1x1x16xf32>,
        %swap3A_1085 = vector.shape_cast %swap3A_1084 : vector<1x1x16xf32> to vector<16xf32>
        %swap3A_1086 = vector.shape_cast %get3A_1080 : vector<16xf32> to vector<1x1x16xf32>
        tpu.vector_store %arg7[%swap3A_1081, %swap3A_1082, %swap3A_1083], %swap3A_1086 {strides = array<i32>} : memref<8x50x64xf32, #tpu.memory_space<vmem>>, vector<1x1x16xf32>,
        %get3A_1087 = arith.constant 0 : i32
        %get3A_1088 = arith.index_cast %get3A_1087 : i32 to index
        %get3A_1089 = arith.index_cast %scan3A_1075 : i32 to index
        %get3A_1090 = arith.constant 16 : index
        %get3A_1091 = tpu.vector_load %arg6[%get3A_1088, %get3A_1089, %get3A_1090] {strides = array<i32>} : memref<8x64x128xf32, #tpu.memory_space<vmem>>, vector<1x1x16xf32>,
        %get3A_1092 = vector.shape_cast %get3A_1091 : vector<1x1x16xf32> to vector<16xf32>
        %swap3A_1093 = arith.constant 0 : i32
        %swap3A_1094 = arith.index_cast %swap3A_1093 : i32 to index
        %swap3A_1095 = arith.index_cast %scan3A_1075 : i32 to index
        %swap3A_1096 = arith.constant 16 : index
        %swap3A_1097 = tpu.vector_load %arg7[%swap3A_1094, %swap3A_1095, %swap3A_1096] {strides = array<i32>} : memref<8x50x64xf32, #tpu.memory_space<vmem>>, vector<1x1x16xf32>,
        %swap3A_1098 = vector.shape_cast %swap3A_1097 : vector<1x1x16xf32> to vector<16xf32>
        %swap3A_1099 = vector.shape_cast %get3A_1092 : vector<16xf32> to vector<1x1x16xf32>
        tpu.vector_store %arg7[%swap3A_1094, %swap3A_1095, %swap3A_1096], %swap3A_1099 {strides = array<i32>} : memref<8x50x64xf32, #tpu.memory_space<vmem>>, vector<1x1x16xf32>,
        %get3A_1100 = arith.constant 0 : i32
        %get3A_1101 = arith.index_cast %get3A_1100 : i32 to index
        %get3A_1102 = arith.index_cast %scan3A_1075 : i32 to index
        %get3A_1103 = arith.constant 32 : index
        %get3A_1104 = tpu.vector_load %arg6[%get3A_1101, %get3A_1102, %get3A_1103] {strides = array<i32>} : memref<8x64x128xf32, #tpu.memory_space<vmem>>, vector<1x1x16xf32>,
        %get3A_1105 = vector.shape_cast %get3A_1104 : vector<1x1x16xf32> to vector<16xf32>
        %swap3A_1106 = arith.constant 0 : i32
        %swap3A_1107 = arith.index_cast %swap3A_1106 : i32 to index
        %swap3A_1108 = arith.index_cast %scan3A_1075 : i32 to index
        %swap3A_1109 = arith.constant 32 : index
        %swap3A_1110 = tpu.vector_load %arg7[%swap3A_1107, %swap3A_1108, %swap3A_1109] {strides = array<i32>} : memref<8x50x64xf32, #tpu.memory_space<vmem>>, vector<1x1x16xf32>,
        %swap3A_1111 = vector.shape_cast %swap3A_1110 : vector<1x1x16xf32> to vector<16xf32>
        %swap3A_1112 = vector.shape_cast %get3A_1105 : vector<16xf32> to vector<1x1x16xf32>
        tpu.vector_store %arg7[%swap3A_1107, %swap3A_1108, %swap3A_1109], %swap3A_1112 {strides = array<i32>} : memref<8x50x64xf32, #tpu.memory_space<vmem>>, vector<1x1x16xf32>,
        %get3A_1113 = arith.constant 0 : i32
        %get3A_1114 = arith.index_cast %get3A_1113 : i32 to index
        %get3A_1115 = arith.index_cast %scan3A_1075 : i32 to index
        %get3A_1116 = arith.constant 48 : index
        %get3A_1117 = tpu.vector_load %arg6[%get3A_1114, %get3A_1115, %get3A_1116] {strides = array<i32>} : memref<8x64x128xf32, #tpu.memory_space<vmem>>, vector<1x1x16xf32>,
        %get3A_1118 = vector.shape_cast %get3A_1117 : vector<1x1x16xf32> to vector<16xf32>
        %swap3A_1119 = arith.constant 0 : i32
        %swap3A_1120 = arith.index_cast %swap3A_1119 : i32 to index
        %swap3A_1121 = arith.index_cast %scan3A_1075 : i32 to index
        %swap3A_1122 = arith.constant 48 : index
        %swap3A_1123 = tpu.vector_load %arg7[%swap3A_1120, %swap3A_1121, %swap3A_1122] {strides = array<i32>} : memref<8x50x64xf32, #tpu.memory_space<vmem>>, vector<1x1x16xf32>,
        %swap3A_1124 = vector.shape_cast %swap3A_1123 : vector<1x1x16xf32> to vector<16xf32>
        %swap3A_1125 = vector.shape_cast %get3A_1118 : vector<16xf32> to vector<1x1x16xf32>
        tpu.vector_store %arg7[%swap3A_1120, %swap3A_1121, %swap3A_1122], %swap3A_1125 {strides = array<i32>} : memref<8x50x64xf32, #tpu.memory_space<vmem>>, vector<1x1x16xf32>,
        %get3A_1126 = arith.constant 1 : i32
        %get3A_1127 = arith.index_cast %get3A_1126 : i32 to index
        %get3A_1128 = arith.index_cast %scan3A_1075 : i32 to index
        %get3A_1129 = arith.constant 0 : index
        %get3A_1130 = tpu.vector_load %arg6[%get3A_1127, %get3A_1128, %get3A_1129] {strides = array<i32>} : memref<8x64x128xf32, #tpu.memory_space<vmem>>, vector<1x1x16xf32>,
        %get3A_1131 = vector.shape_cast %get3A_1130 : vector<1x1x16xf32> to vector<16xf32>
        %swap3A_1132 = arith.constant 1 : i32
        %swap3A_1133 = arith.index_cast %swap3A_1132 : i32 to index
        %swap3A_1134 = arith.index_cast %scan3A_1075 : i32 to index
        %swap3A_1135 = arith.constant 0 : index
        %swap3A_1136 = tpu.vector_load %arg7[%swap3A_1133, %swap3A_1134, %swap3A_1135] {strides = array<i32>} : memref<8x50x64xf32, #tpu.memory_space<vmem>>, vector<1x1x16xf32>,
        %swap3A_1137 = vector.shape_cast %swap3A_1136 : vector<1x1x16xf32> to vector<16xf32>
        %swap3A_1138 = vector.shape_cast %get3A_1131 : vector<16xf32> to vector<1x1x16xf32>
        tpu.vector_store %arg7[%swap3A_1133, %swap3A_1134, %swap3A_1135], %swap3A_1138 {strides = array<i32>} : memref<8x50x64xf32, #tpu.memory_space<vmem>>, vector<1x1x16xf32>,
        %get3A_1139 = arith.constant 1 : i32
        %get3A_1140 = arith.index_cast %get3A_1139 : i32 to index
        %get3A_1141 = arith.index_cast %scan3A_1075 : i32 to index
        %get3A_1142 = arith.constant 16 : index
        %get3A_1143 = tpu.vector_load %arg6[%get3A_1140, %get3A_1141, %get3A_1142] {strides = array<i32>} : memref<8x64x128xf32, #tpu.memory_space<vmem>>, vector<1x1x16xf32>,
        %get3A_1144 = vector.shape_cast %get3A_1143 : vector<1x1x16xf32> to vector<16xf32>
        %swap3A_1145 = arith.constant 1 : i32
        %swap3A_1146 = arith.index_cast %swap3A_1145 : i32 to index
        %swap3A_1147 = arith.index_cast %scan3A_1075 : i32 to index
        %swap3A_1148 = arith.constant 16 : index
        %swap3A_1149 = tpu.vector_load %arg7[%swap3A_1146, %swap3A_1147, %swap3A_1148] {strides = array<i32>} : memref<8x50x64xf32, #tpu.memory_space<vmem>>, vector<1x1x16xf32>,
        %swap3A_1150 = vector.shape_cast %swap3A_1149 : vector<1x1x16xf32> to vector<16xf32>
        %swap3A_1151 = vector.shape_cast %get3A_1144 : vector<16xf32> to vector<1x1x16xf32>
        tpu.vector_store %arg7[%swap3A_1146, %swap3A_1147, %swap3A_1148], %swap3A_1151 {strides = array<i32>} : memref<8x50x64xf32, #tpu.memory_space<vmem>>, vector<1x1x16xf32>,
        %get3A_1152 = arith.constant 1 : i32
        %get3A_1153 = arith.index_cast %get3A_1152 : i32 to index
        %get3A_1154 = arith.index_cast %scan3A_1075 : i32 to index
        %get3A_1155 = arith.constant 32 : index
        %get3A_1156 = tpu.vector_load %arg6[%get3A_1153, %get3A_1154, %get3A_1155] {strides = array<i32>} : memref<8x64x128xf32, #tpu.memory_space<vmem>>, vector<1x1x16xf32>,
        %get3A_1157 = vector.shape_cast %get3A_1156 : vector<1x1x16xf32> to vector<16xf32>
        %swap3A_1158 = arith.constant 1 : i32
        %swap3A_1159 = arith.index_cast %swap3A_1158 : i32 to index
        %swap3A_1160 = arith.index_cast %scan3A_1075 : i32 to index
        %swap3A_1161 = arith.constant 32 : index
        %swap3A_1162 = tpu.vector_load %arg7[%swap3A_1159, %swap3A_1160, %swap3A_1161] {strides = array<i32>} : memref<8x50x64xf32, #tpu.memory_space<vmem>>, vector<1x1x16xf32>,
        %swap3A_1163 = vector.shape_cast %swap3A_1162 : vector<1x1x16xf32> to vector<16xf32>
        %swap3A_1164 = vector.shape_cast %get3A_1157 : vector<16xf32> to vector<1x1x16xf32>
        tpu.vector_store %arg7[%swap3A_1159, %swap3A_1160, %swap3A_1161], %swap3A_1164 {strides = array<i32>} : memref<8x50x64xf32, #tpu.memory_space<vmem>>, vector<1x1x16xf32>,
        %get3A_1165 = arith.constant 1 : i32
        %get3A_1166 = arith.index_cast %get3A_1165 : i32 to index
        %get3A_1167 = arith.index_cast %scan3A_1075 : i32 to index
        %get3A_1168 = arith.constant 48 : index
        %get3A_1169 = tpu.vector_load %arg6[%get3A_1166, %get3A_1167, %get3A_1168] {strides = array<i32>} : memref<8x64x128xf32, #tpu.memory_space<vmem>>, vector<1x1x16xf32>,
        %get3A_1170 = vector.shape_cast %get3A_1169 : vector<1x1x16xf32> to vector<16xf32>
        %swap3A_1171 = arith.constant 1 : i32
        %swap3A_1172 = arith.index_cast %swap3A_1171 : i32 to index
        %swap3A_1173 = arith.index_cast %scan3A_1075 : i32 to index
        %swap3A_1174 = arith.constant 48 : index
        %swap3A_1175 = tpu.vector_load %arg7[%swap3A_1172, %swap3A_1173, %swap3A_1174] {strides = array<i32>} : memref<8x50x64xf32, #tpu.memory_space<vmem>>, vector<1x1x16xf32>,
        %swap3A_1176 = vector.shape_cast %swap3A_1175 : vector<1x1x16xf32> to vector<16xf32>
        %swap3A_1177 = vector.shape_cast %get3A_1170 : vector<16xf32> to vector<1x1x16xf32>
        tpu.vector_store %arg7[%swap3A_1172, %swap3A_1173, %swap3A_1174], %swap3A_1177 {strides = array<i32>} : memref<8x50x64xf32, #tpu.memory_space<vmem>>, vector<1x1x16xf32>,
        %get3A_1178 = arith.constant 2 : i32
        %get3A_1179 = arith.index_cast %get3A_1178 : i32 to index
        %get3A_1180 = arith.index_cast %scan3A_1075 : i32 to index
        %get3A_1181 = arith.constant 0 : index
        %get3A_1182 = tpu.vector_load %arg6[%get3A_1179, %get3A_1180, %get3A_1181] {strides = array<i32>} : memref<8x64x128xf32, #tpu.memory_space<vmem>>, vector<1x1x16xf32>,
        %get3A_1183 = vector.shape_cast %get3A_1182 : vector<1x1x16xf32> to vector<16xf32>
        %swap3A_1184 = arith.constant 2 : i32
        %swap3A_1185 = arith.index_cast %swap3A_1184 : i32 to index
        %swap3A_1186 = arith.index_cast %scan3A_1075 : i32 to index
        %swap3A_1187 = arith.constant 0 : index
        %swap3A_1188 = tpu.vector_load %arg7[%swap3A_1185, %swap3A_1186, %swap3A_1187] {strides = array<i32>} : memref<8x50x64xf32, #tpu.memory_space<vmem>>, vector<1x1x16xf32>,
        %swap3A_1189 = vector.shape_cast %swap3A_1188 : vector<1x1x16xf32> to vector<16xf32>
        %swap3A_1190 = vector.shape_cast %get3A_1183 : vector<16xf32> to vector<1x1x16xf32>
        tpu.vector_store %arg7[%swap3A_1185, %swap3A_1186, %swap3A_1187], %swap3A_1190 {strides = array<i32>} : memref<8x50x64xf32, #tpu.memory_space<vmem>>, vector<1x1x16xf32>,
        %get3A_1191 = arith.constant 2 : i32
        %get3A_1192 = arith.index_cast %get3A_1191 : i32 to index
        %get3A_1193 = arith.index_cast %scan3A_1075 : i32 to index
        %get3A_1194 = arith.constant 16 : index
        %get3A_1195 = tpu.vector_load %arg6[%get3A_1192, %get3A_1193, %get3A_1194] {strides = array<i32>} : memref<8x64x128xf32, #tpu.memory_space<vmem>>, vector<1x1x16xf32>,
        %get3A_1196 = vector.shape_cast %get3A_1195 : vector<1x1x16xf32> to vector<16xf32>
        %swap3A_1197 = arith.constant 2 : i32
        %swap3A_1198 = arith.index_cast %swap3A_1197 : i32 to index
        %swap3A_1199 = arith.index_cast %scan3A_1075 : i32 to index
        %swap3A_1200 = arith.constant 16 : index
        %swap3A_1201 = tpu.vector_load %arg7[%swap3A_1198, %swap3A_1199, %swap3A_1200] {strides = array<i32>} : memref<8x50x64xf32, #tpu.memory_space<vmem>>, vector<1x1x16xf32>,
        %swap3A_1202 = vector.shape_cast %swap3A_1201 : vector<1x1x16xf32> to vector<16xf32>
        %swap3A_1203 = vector.shape_cast %get3A_1196 : vector<16xf32> to vector<1x1x16xf32>
        tpu.vector_store %arg7[%swap3A_1198, %swap3A_1199, %swap3A_1200], %swap3A_1203 {strides = array<i32>} : memref<8x50x64xf32, #tpu.memory_space<vmem>>, vector<1x1x16xf32>,
        %get3A_1204 = arith.constant 2 : i32
        %get3A_1205 = arith.index_cast %get3A_1204 : i32 to index
        %get3A_1206 = arith.index_cast %scan3A_1075 : i32 to index
        %get3A_1207 = arith.constant 32 : index
        %get3A_1208 = tpu.vector_load %arg6[%get3A_1205, %get3A_1206, %get3A_1207] {strides = array<i32>} : memref<8x64x128xf32, #tpu.memory_space<vmem>>, vector<1x1x16xf32>,
        %get3A_1209 = vector.shape_cast %get3A_1208 : vector<1x1x16xf32> to vector<16xf32>
        %swap3A_1210 = arith.constant 2 : i32
        %swap3A_1211 = arith.index_cast %swap3A_1210 : i32 to index
        %swap3A_1212 = arith.index_cast %scan3A_1075 : i32 to index
        %swap3A_1213 = arith.constant 32 : index
        %swap3A_1214 = tpu.vector_load %arg7[%swap3A_1211, %swap3A_1212, %swap3A_1213] {strides = array<i32>} : memref<8x50x64xf32, #tpu.memory_space<vmem>>, vector<1x1x16xf32>,
        %swap3A_1215 = vector.shape_cast %swap3A_1214 : vector<1x1x16xf32> to vector<16xf32>
        %swap3A_1216 = vector.shape_cast %get3A_1209 : vector<16xf32> to vector<1x1x16xf32>
        tpu.vector_store %arg7[%swap3A_1211, %swap3A_1212, %swap3A_1213], %swap3A_1216 {strides = array<i32>} : memref<8x50x64xf32, #tpu.memory_space<vmem>>, vector<1x1x16xf32>,
        %get3A_1217 = arith.constant 2 : i32
        %get3A_1218 = arith.index_cast %get3A_1217 : i32 to index
        %get3A_1219 = arith.index_cast %scan3A_1075 : i32 to index
        %get3A_1220 = arith.constant 48 : index
        %get3A_1221 = tpu.vector_load %arg6[%get3A_1218, %get3A_1219, %get3A_1220] {strides = array<i32>} : memref<8x64x128xf32, #tpu.memory_space<vmem>>, vector<1x1x16xf32>,
        %get3A_1222 = vector.shape_cast %get3A_1221 : vector<1x1x16xf32> to vector<16xf32>
        %swap3A_1223 = arith.constant 2 : i32
        %swap3A_1224 = arith.index_cast %swap3A_1223 : i32 to index
        %swap3A_1225 = arith.index_cast %scan3A_1075 : i32 to index
        %swap3A_1226 = arith.constant 48 : index
        %swap3A_1227 = tpu.vector_load %arg7[%swap3A_1224, %swap3A_1225, %swap3A_1226] {strides = array<i32>} : memref<8x50x64xf32, #tpu.memory_space<vmem>>, vector<1x1x16xf32>,
        %swap3A_1228 = vector.shape_cast %swap3A_1227 : vector<1x1x16xf32> to vector<16xf32>
        %swap3A_1229 = vector.shape_cast %get3A_1222 : vector<16xf32> to vector<1x1x16xf32>
        tpu.vector_store %arg7[%swap3A_1224, %swap3A_1225, %swap3A_1226], %swap3A_1229 {strides = array<i32>} : memref<8x50x64xf32, #tpu.memory_space<vmem>>, vector<1x1x16xf32>,
        %get3A_1230 = arith.constant 3 : i32
        %get3A_1231 = arith.index_cast %get3A_1230 : i32 to index
        %get3A_1232 = arith.index_cast %scan3A_1075 : i32 to index
        %get3A_1233 = arith.constant 0 : index
        %get3A_1234 = tpu.vector_load %arg6[%get3A_1231, %get3A_1232, %get3A_1233] {strides = array<i32>} : memref<8x64x128xf32, #tpu.memory_space<vmem>>, vector<1x1x16xf32>,
        %get3A_1235 = vector.shape_cast %get3A_1234 : vector<1x1x16xf32> to vector<16xf32>
        %swap3A_1236 = arith.constant 3 : i32
        %swap3A_1237 = arith.index_cast %swap3A_1236 : i32 to index
        %swap3A_1238 = arith.index_cast %scan3A_1075 : i32 to index
        %swap3A_1239 = arith.constant 0 : index
        %swap3A_1240 = tpu.vector_load %arg7[%swap3A_1237, %swap3A_1238, %swap3A_1239] {strides = array<i32>} : memref<8x50x64xf32, #tpu.memory_space<vmem>>, vector<1x1x16xf32>,
        %swap3A_1241 = vector.shape_cast %swap3A_1240 : vector<1x1x16xf32> to vector<16xf32>
        %swap3A_1242 = vector.shape_cast %get3A_1235 : vector<16xf32> to vector<1x1x16xf32>
        tpu.vector_store %arg7[%swap3A_1237, %swap3A_1238, %swap3A_1239], %swap3A_1242 {strides = array<i32>} : memref<8x50x64xf32, #tpu.memory_space<vmem>>, vector<1x1x16xf32>,
        %get3A_1243 = arith.constant 3 : i32
        %get3A_1244 = arith.index_cast %get3A_1243 : i32 to index
        %get3A_1245 = arith.index_cast %scan3A_1075 : i32 to index
        %get3A_1246 = arith.constant 16 : index
        %get3A_1247 = tpu.vector_load %arg6[%get3A_1244, %get3A_1245, %get3A_1246] {strides = array<i32>} : memref<8x64x128xf32, #tpu.memory_space<vmem>>, vector<1x1x16xf32>,
        %get3A_1248 = vector.shape_cast %get3A_1247 : vector<1x1x16xf32> to vector<16xf32>
        %swap3A_1249 = arith.constant 3 : i32
        %swap3A_1250 = arith.index_cast %swap3A_1249 : i32 to index
        %swap3A_1251 = arith.index_cast %scan3A_1075 : i32 to index
        %swap3A_1252 = arith.constant 16 : index
        %swap3A_1253 = tpu.vector_load %arg7[%swap3A_1250, %swap3A_1251, %swap3A_1252] {strides = array<i32>} : memref<8x50x64xf32, #tpu.memory_space<vmem>>, vector<1x1x16xf32>,
        %swap3A_1254 = vector.shape_cast %swap3A_1253 : vector<1x1x16xf32> to vector<16xf32>
        %swap3A_1255 = vector.shape_cast %get3A_1248 : vector<16xf32> to vector<1x1x16xf32>
        tpu.vector_store %arg7[%swap3A_1250, %swap3A_1251, %swap3A_1252], %swap3A_1255 {strides = array<i32>} : memref<8x50x64xf32, #tpu.memory_space<vmem>>, vector<1x1x16xf32>,
        %get3A_1256 = arith.constant 3 : i32
        %get3A_1257 = arith.index_cast %get3A_1256 : i32 to index
        %get3A_1258 = arith.index_cast %scan3A_1075 : i32 to index
        %get3A_1259 = arith.constant 32 : index
        %get3A_1260 = tpu.vector_load %arg6[%get3A_1257, %get3A_1258, %get3A_1259] {strides = array<i32>} : memref<8x64x128xf32, #tpu.memory_space<vmem>>, vector<1x1x16xf32>,
        %get3A_1261 = vector.shape_cast %get3A_1260 : vector<1x1x16xf32> to vector<16xf32>
        %swap3A_1262 = arith.constant 3 : i32
        %swap3A_1263 = arith.index_cast %swap3A_1262 : i32 to index
        %swap3A_1264 = arith.index_cast %scan3A_1075 : i32 to index
        %swap3A_1265 = arith.constant 32 : index
        %swap3A_1266 = tpu.vector_load %arg7[%swap3A_1263, %swap3A_1264, %swap3A_1265] {strides = array<i32>} : memref<8x50x64xf32, #tpu.memory_space<vmem>>, vector<1x1x16xf32>,
        %swap3A_1267 = vector.shape_cast %swap3A_1266 : vector<1x1x16xf32> to vector<16xf32>
        %swap3A_1268 = vector.shape_cast %get3A_1261 : vector<16xf32> to vector<1x1x16xf32>
        tpu.vector_store %arg7[%swap3A_1263, %swap3A_1264, %swap3A_1265], %swap3A_1268 {strides = array<i32>} : memref<8x50x64xf32, #tpu.memory_space<vmem>>, vector<1x1x16xf32>,
        %get3A_1269 = arith.constant 3 : i32
        %get3A_1270 = arith.index_cast %get3A_1269 : i32 to index
        %get3A_1271 = arith.index_cast %scan3A_1075 : i32 to index
        %get3A_1272 = arith.constant 48 : index
        %get3A_1273 = tpu.vector_load %arg6[%get3A_1270, %get3A_1271, %get3A_1272] {strides = array<i32>} : memref<8x64x128xf32, #tpu.memory_space<vmem>>, vector<1x1x16xf32>,
        %get3A_1274 = vector.shape_cast %get3A_1273 : vector<1x1x16xf32> to vector<16xf32>
        %swap3A_1275 = arith.constant 3 : i32
        %swap3A_1276 = arith.index_cast %swap3A_1275 : i32 to index
        %swap3A_1277 = arith.index_cast %scan3A_1075 : i32 to index
        %swap3A_1278 = arith.constant 48 : index
        %swap3A_1279 = tpu.vector_load %arg7[%swap3A_1276, %swap3A_1277, %swap3A_1278] {strides = array<i32>} : memref<8x50x64xf32, #tpu.memory_space<vmem>>, vector<1x1x16xf32>,
        %swap3A_1280 = vector.shape_cast %swap3A_1279 : vector<1x1x16xf32> to vector<16xf32>
        %swap3A_1281 = vector.shape_cast %get3A_1274 : vector<16xf32> to vector<1x1x16xf32>
        tpu.vector_store %arg7[%swap3A_1276, %swap3A_1277, %swap3A_1278], %swap3A_1281 {strides = array<i32>} : memref<8x50x64xf32, #tpu.memory_space<vmem>>, vector<1x1x16xf32>,
      }
      %scan3A_872 = arith.constant 50 : i32
      %mul3A_873 = arith.constant 4 : i32
      %mul3A_874 = arith.muli %mul3A_712, %mul3A_873 : i32
      %add3A_875 = arith.addi %mul3A_2, %mul3A_874 : i32
      %dma_start3A_876 = arith.constant 0 : i32
      %dma_start3A_877 = arith.constant 0 : i32
      %dma_start3A_878 = arith.constant 0 : i32
      %dma_start3A_879 = arith.constant 0 : i32
      %dma_start3A_880 = tpu.memref_slice %arg7[%dma_start3A_877, %dma_start3A_878, %dma_start3A_879] : memref<8x50x64xf32, #tpu.memory_space<vmem>> -> memref<4x50x64xf32, #tpu.memory_space<vmem>>
      %dma_start3A_881 = arith.constant 0 : i32
      %dma_start3A_882 = arith.constant 0 : i32
      %dma_start3A_883 = tpu.memref_slice %arg4[%add3A_875, %dma_start3A_881, %dma_start3A_882] : memref<16384x50x64xf32, #tpu.memory_space<hbm>> -> memref<4x50x64xf32, #tpu.memory_space<hbm>>
      %dma_start3A_884 = tpu.memref_slice %arg9[%dma_start3A_876] : memref<2x!tpu.dma_semaphore, #tpu.memory_space<semaphore_mem>> -> memref<1x!tpu.dma_semaphore, #tpu.memory_space<semaphore_mem>>
      %dma_start3A_885 = tpu.memref_squeeze %dma_start3A_884 : memref<1x!tpu.dma_semaphore, #tpu.memory_space<semaphore_mem>> -> memref<!tpu.dma_semaphore, #tpu.memory_space<semaphore_mem>>
      %dma_start3A_886 = arith.constant 0 : i32
      %dma_start3A_887 = arith.constant 0 : i32
      %dma_start3A_888 = tpu.memref_slice %arg4[%add3A_875, %dma_start3A_886, %dma_start3A_887] : memref<16384x50x64xf32, #tpu.memory_space<hbm>> -> memref<4x50x64xf32, #tpu.memory_space<hbm>>
      %dma_start3A_889 = arith.constant 0 : i32
      %dma_start3A_890 = arith.constant 0 : i32
      %dma_start3A_891 = arith.constant 0 : i32
      %dma_start3A_892 = tpu.memref_slice %arg7[%dma_start3A_889, %dma_start3A_890, %dma_start3A_891] : memref<8x50x64xf32, #tpu.memory_space<vmem>> -> memref<4x50x64xf32, #tpu.memory_space<vmem>>
      tpu.enqueue_dma source(%dma_start3A_892 : memref<4x50x64xf32, #tpu.memory_space<vmem>>) target(%dma_start3A_888 : memref<4x50x64xf32, #tpu.memory_space<hbm>>) target_semaphore(%dma_start3A_885 : memref<!tpu.dma_semaphore, #tpu.memory_space<semaphore_mem>>)
      %dma_wait3A_893 = arith.constant 0 : i32
      %dma_wait3A_894 = arith.constant 0 : i32
      %dma_wait3A_895 = arith.constant 0 : i32
      %dma_wait3A_896 = arith.constant 0 : i32
      %dma_wait3A_897 = tpu.memref_slice %arg7[%dma_wait3A_894, %dma_wait3A_895, %dma_wait3A_896] : memref<8x50x64xf32, #tpu.memory_space<vmem>> -> memref<4x50x64xf32, #tpu.memory_space<vmem>>
      %dma_wait3A_898 = arith.constant 0 : i32
      %dma_wait3A_899 = arith.constant 0 : i32
      %dma_wait3A_900 = tpu.memref_slice %arg4[%mul3A_2, %dma_wait3A_898, %dma_wait3A_899] : memref<16384x50x64xf32, #tpu.memory_space<hbm>> -> memref<4x50x64xf32, #tpu.memory_space<hbm>>
      %dma_wait3A_901 = tpu.memref_slice %arg9[%dma_wait3A_893] : memref<2x!tpu.dma_semaphore, #tpu.memory_space<semaphore_mem>> -> memref<1x!tpu.dma_semaphore, #tpu.memory_space<semaphore_mem>>
      %dma_wait3A_902 = tpu.memref_squeeze %dma_wait3A_901 : memref<1x!tpu.dma_semaphore, #tpu.memory_space<semaphore_mem>> -> memref<!tpu.dma_semaphore, #tpu.memory_space<semaphore_mem>>
      %dma_wait3A_903 = arith.constant 0 : i32
      %dma_wait3A_904 = arith.constant 0 : i32
      %dma_wait3A_905 = arith.constant 0 : i32
      %dma_wait3A_906 = tpu.memref_slice %arg7[%dma_wait3A_903, %dma_wait3A_904, %dma_wait3A_905] : memref<8x50x64xf32, #tpu.memory_space<vmem>> -> memref<4x50x64xf32, #tpu.memory_space<vmem>>
      %dma_wait3A_907 = arith.constant 0 : i32
      %dma_wait3A_908 = arith.constant 0 : i32
      %dma_wait3A_909 = tpu.memref_slice %arg4[%mul3A_2, %dma_wait3A_907, %dma_wait3A_908] : memref<16384x50x64xf32, #tpu.memory_space<hbm>> -> memref<4x50x64xf32, #tpu.memory_space<hbm>>
      tpu.wait_dma2 semaphore(%dma_wait3A_902 : memref<!tpu.dma_semaphore, #tpu.memory_space<semaphore_mem>>) src(%dma_wait3A_909 : memref<4x50x64xf32, #tpu.memory_space<hbm>>) dst(%dma_wait3A_906 : memref<4x50x64xf32, #tpu.memory_space<vmem>>)
      %add3A_910 = arith.constant 2 : i32
      %add3A_911 = arith.addi %mul3A_712, %add3A_910 : i32
      %mul3A_912 = arith.constant 4 : i32
      %mul3A_913 = arith.muli %add3A_911, %mul3A_912 : i32
      %add3A_914 = arith.addi %mul3A_2, %mul3A_913 : i32
      "tpu.region"() ({
        %run_scoped3A = tpu.sem_alloc : memref<!tpu.dma_semaphore, #tpu.memory_space<semaphore_mem>>
        %dma_start3A_1075 = arith.constant 0 : i32
        %dma_start3A_1076 = arith.constant 0 : i32
        %dma_start3A_1077 = tpu.memref_slice %arg5[%dma_start3A_1075, %dma_start3A_1076] : memref<8x64xi32, #tpu.memory_space<vmem>> -> memref<4x64xi32, #tpu.memory_space<vmem>>
        %dma_start3A_1078 = arith.constant 0 : i32
        %dma_start3A_1079 = tpu.memref_slice %arg2[%add3A_914, %dma_start3A_1078] : memref<16384x64xi32, #tpu.memory_space<hbm>> -> memref<4x64xi32, #tpu.memory_space<hbm>>
        %dma_start3A_1080 = arith.constant 0 : i32
        %dma_start3A_1081 = arith.constant 0 : i32
        %dma_start3A_1082 = tpu.memref_slice %arg5[%dma_start3A_1080, %dma_start3A_1081] : memref<8x64xi32, #tpu.memory_space<vmem>> -> memref<4x64xi32, #tpu.memory_space<vmem>>
        %dma_start3A_1083 = arith.constant 0 : i32
        %dma_start3A_1084 = tpu.memref_slice %arg2[%add3A_914, %dma_start3A_1083] : memref<16384x64xi32, #tpu.memory_space<hbm>> -> memref<4x64xi32, #tpu.memory_space<hbm>>
        tpu.enqueue_dma source(%dma_start3A_1084 : memref<4x64xi32, #tpu.memory_space<hbm>>) target(%dma_start3A_1082 : memref<4x64xi32, #tpu.memory_space<vmem>>) target_semaphore(%run_scoped3A : memref<!tpu.dma_semaphore, #tpu.memory_space<semaphore_mem>>)
        %dma_wait3A_1085 = arith.constant 0 : i32
        %dma_wait3A_1086 = arith.constant 0 : i32
        %dma_wait3A_1087 = tpu.memref_slice %arg5[%dma_wait3A_1085, %dma_wait3A_1086] : memref<8x64xi32, #tpu.memory_space<vmem>> -> memref<4x64xi32, #tpu.memory_space<vmem>>
        %dma_wait3A_1088 = arith.constant 0 : i32
        %dma_wait3A_1089 = tpu.memref_slice %arg2[%add3A_914, %dma_wait3A_1088] : memref<16384x64xi32, #tpu.memory_space<hbm>> -> memref<4x64xi32, #tpu.memory_space<hbm>>
        %dma_wait3A_1090 = arith.constant 0 : i32
        %dma_wait3A_1091 = arith.constant 0 : i32
        %dma_wait3A_1092 = tpu.memref_slice %arg5[%dma_wait3A_1090, %dma_wait3A_1091] : memref<8x64xi32, #tpu.memory_space<vmem>> -> memref<4x64xi32, #tpu.memory_space<vmem>>
        %dma_wait3A_1093 = arith.constant 0 : i32
        %dma_wait3A_1094 = tpu.memref_slice %arg2[%add3A_914, %dma_wait3A_1093] : memref<16384x64xi32, #tpu.memory_space<hbm>> -> memref<4x64xi32, #tpu.memory_space<hbm>>
        tpu.wait_dma2 semaphore(%run_scoped3A : memref<!tpu.dma_semaphore, #tpu.memory_space<semaphore_mem>>) src(%dma_wait3A_1094 : memref<4x64xi32, #tpu.memory_space<hbm>>) dst(%dma_wait3A_1092 : memref<4x64xi32, #tpu.memory_space<vmem>>)
        tpu.yield
      }) : () -> ()
      %dma_start3A_915 = arith.constant 0 : i32
      %dma_start3A_916 = arith.constant 0 : i32
      %dma_start3A_917 = arith.constant 0 : i32
      %dma_start3A_918 = arith.constant 0 : i32
      %dma_start3A_919 = arith.constant 0 : i32
      %dma_start3A_920 = tpu.memref_slice %arg6[%dma_start3A_916, %dma_start3A_918, %dma_start3A_919] : memref<8x64x128xf32, #tpu.memory_space<vmem>> -> memref<1x64x128xf32, #tpu.memory_space<vmem>>
      %dma_start3A_921 = tpu.memref_squeeze %dma_start3A_920 : memref<1x64x128xf32, #tpu.memory_space<vmem>> -> memref<64x128xf32, #tpu.memory_space<vmem>>
      %dma_start3A_922 = arith.constant 0 : i32
      %dma_start3A_923 = tpu.memref_slice %arg5[%dma_start3A_915, %dma_start3A_922] : memref<8x64xi32, #tpu.memory_space<vmem>> -> memref<1x64xi32, #tpu.memory_space<vmem>>
      %dma_start3A_924 = tpu.memref_squeeze %dma_start3A_923 : memref<1x64xi32, #tpu.memory_space<vmem>> -> memref<64xi32, #tpu.memory_space<vmem>>
      %dma_start3A_925 = arith.constant 0 : i32
      %dma_start3A_926 = arith.constant 0 : i32
      %dma_start3A_927 = tpu.memref_slice %arg3[%dma_start3A_925, %dma_start3A_926] : memref<1000000x128xf32, #tpu.memory_space<hbm>> -> memref<1000000x128xf32, #tpu.memory_space<hbm>>
      %dma_start3A_928 = tpu.memref_slice %arg8[%dma_start3A_917] : memref<2x!tpu.dma_semaphore, #tpu.memory_space<semaphore_mem>> -> memref<1x!tpu.dma_semaphore, #tpu.memory_space<semaphore_mem>>
      %dma_start3A_929 = tpu.memref_squeeze %dma_start3A_928 : memref<1x!tpu.dma_semaphore, #tpu.memory_space<semaphore_mem>> -> memref<!tpu.dma_semaphore, #tpu.memory_space<semaphore_mem>>
      tpu.enqueue_indirect_dma source(%dma_start3A_927 : memref<1000000x128xf32, #tpu.memory_space<hbm>>) target(%dma_start3A_921 : memref<64x128xf32, #tpu.memory_space<vmem>>) offsets(%dma_start3A_924 : memref<64xi32, #tpu.memory_space<vmem>>) semaphore(%dma_start3A_929 : memref<!tpu.dma_semaphore, #tpu.memory_space<semaphore_mem>>)
      %dma_start3A_930 = arith.constant 1 : i32
      %dma_start3A_931 = arith.constant 1 : i32
      %dma_start3A_932 = arith.constant 0 : i32
      %dma_start3A_933 = arith.constant 0 : i32
      %dma_start3A_934 = arith.constant 0 : i32
      %dma_start3A_935 = tpu.memref_slice %arg6[%dma_start3A_931, %dma_start3A_933, %dma_start3A_934] : memref<8x64x128xf32, #tpu.memory_space<vmem>> -> memref<1x64x128xf32, #tpu.memory_space<vmem>>
      %dma_start3A_936 = tpu.memref_squeeze %dma_start3A_935 : memref<1x64x128xf32, #tpu.memory_space<vmem>> -> memref<64x128xf32, #tpu.memory_space<vmem>>
      %dma_start3A_937 = arith.constant 0 : i32
      %dma_start3A_938 = tpu.memref_slice %arg5[%dma_start3A_930, %dma_start3A_937] : memref<8x64xi32, #tpu.memory_space<vmem>> -> memref<1x64xi32, #tpu.memory_space<vmem>>
      %dma_start3A_939 = tpu.memref_squeeze %dma_start3A_938 : memref<1x64xi32, #tpu.memory_space<vmem>> -> memref<64xi32, #tpu.memory_space<vmem>>
      %dma_start3A_940 = arith.constant 0 : i32
      %dma_start3A_941 = arith.constant 0 : i32
      %dma_start3A_942 = tpu.memref_slice %arg3[%dma_start3A_940, %dma_start3A_941] : memref<1000000x128xf32, #tpu.memory_space<hbm>> -> memref<1000000x128xf32, #tpu.memory_space<hbm>>
      %dma_start3A_943 = tpu.memref_slice %arg8[%dma_start3A_932] : memref<2x!tpu.dma_semaphore, #tpu.memory_space<semaphore_mem>> -> memref<1x!tpu.dma_semaphore, #tpu.memory_space<semaphore_mem>>
      %dma_start3A_944 = tpu.memref_squeeze %dma_start3A_943 : memref<1x!tpu.dma_semaphore, #tpu.memory_space<semaphore_mem>> -> memref<!tpu.dma_semaphore, #tpu.memory_space<semaphore_mem>>
      tpu.enqueue_indirect_dma source(%dma_start3A_942 : memref<1000000x128xf32, #tpu.memory_space<hbm>>) target(%dma_start3A_936 : memref<64x128xf32, #tpu.memory_space<vmem>>) offsets(%dma_start3A_939 : memref<64xi32, #tpu.memory_space<vmem>>) semaphore(%dma_start3A_944 : memref<!tpu.dma_semaphore, #tpu.memory_space<semaphore_mem>>)
      %dma_start3A_945 = arith.constant 2 : i32
      %dma_start3A_946 = arith.constant 2 : i32
      %dma_start3A_947 = arith.constant 0 : i32
      %dma_start3A_948 = arith.constant 0 : i32
      %dma_start3A_949 = arith.constant 0 : i32
      %dma_start3A_950 = tpu.memref_slice %arg6[%dma_start3A_946, %dma_start3A_948, %dma_start3A_949] : memref<8x64x128xf32, #tpu.memory_space<vmem>> -> memref<1x64x128xf32, #tpu.memory_space<vmem>>
      %dma_start3A_951 = tpu.memref_squeeze %dma_start3A_950 : memref<1x64x128xf32, #tpu.memory_space<vmem>> -> memref<64x128xf32, #tpu.memory_space<vmem>>
      %dma_start3A_952 = arith.constant 0 : i32
      %dma_start3A_953 = tpu.memref_slice %arg5[%dma_start3A_945, %dma_start3A_952] : memref<8x64xi32, #tpu.memory_space<vmem>> -> memref<1x64xi32, #tpu.memory_space<vmem>>
      %dma_start3A_954 = tpu.memref_squeeze %dma_start3A_953 : memref<1x64xi32, #tpu.memory_space<vmem>> -> memref<64xi32, #tpu.memory_space<vmem>>
      %dma_start3A_955 = arith.constant 0 : i32
      %dma_start3A_956 = arith.constant 0 : i32
      %dma_start3A_957 = tpu.memref_slice %arg3[%dma_start3A_955, %dma_start3A_956] : memref<1000000x128xf32, #tpu.memory_space<hbm>> -> memref<1000000x128xf32, #tpu.memory_space<hbm>>
      %dma_start3A_958 = tpu.memref_slice %arg8[%dma_start3A_947] : memref<2x!tpu.dma_semaphore, #tpu.memory_space<semaphore_mem>> -> memref<1x!tpu.dma_semaphore, #tpu.memory_space<semaphore_mem>>
      %dma_start3A_959 = tpu.memref_squeeze %dma_start3A_958 : memref<1x!tpu.dma_semaphore, #tpu.memory_space<semaphore_mem>> -> memref<!tpu.dma_semaphore, #tpu.memory_space<semaphore_mem>>
      tpu.enqueue_indirect_dma source(%dma_start3A_957 : memref<1000000x128xf32, #tpu.memory_space<hbm>>) target(%dma_start3A_951 : memref<64x128xf32, #tpu.memory_space<vmem>>) offsets(%dma_start3A_954 : memref<64xi32, #tpu.memory_space<vmem>>) semaphore(%dma_start3A_959 : memref<!tpu.dma_semaphore, #tpu.memory_space<semaphore_mem>>)
      %dma_start3A_960 = arith.constant 3 : i32
      %dma_start3A_961 = arith.constant 3 : i32
      %dma_start3A_962 = arith.constant 0 : i32
      %dma_start3A_963 = arith.constant 0 : i32
      %dma_start3A_964 = arith.constant 0 : i32
      %dma_start3A_965 = tpu.memref_slice %arg6[%dma_start3A_961, %dma_start3A_963, %dma_start3A_964] : memref<8x64x128xf32, #tpu.memory_space<vmem>> -> memref<1x64x128xf32, #tpu.memory_space<vmem>>
      %dma_start3A_966 = tpu.memref_squeeze %dma_start3A_965 : memref<1x64x128xf32, #tpu.memory_space<vmem>> -> memref<64x128xf32, #tpu.memory_space<vmem>>
      %dma_start3A_967 = arith.constant 0 : i32
      %dma_start3A_968 = tpu.memref_slice %arg5[%dma_start3A_960, %dma_start3A_967] : memref<8x64xi32, #tpu.memory_space<vmem>> -> memref<1x64xi32, #tpu.memory_space<vmem>>
      %dma_start3A_969 = tpu.memref_squeeze %dma_start3A_968 : memref<1x64xi32, #tpu.memory_space<vmem>> -> memref<64xi32, #tpu.memory_space<vmem>>
      %dma_start3A_970 = arith.constant 0 : i32
      %dma_start3A_971 = arith.constant 0 : i32
      %dma_start3A_972 = tpu.memref_slice %arg3[%dma_start3A_970, %dma_start3A_971] : memref<1000000x128xf32, #tpu.memory_space<hbm>> -> memref<1000000x128xf32, #tpu.memory_space<hbm>>
      %dma_start3A_973 = tpu.memref_slice %arg8[%dma_start3A_962] : memref<2x!tpu.dma_semaphore, #tpu.memory_space<semaphore_mem>> -> memref<1x!tpu.dma_semaphore, #tpu.memory_space<semaphore_mem>>
      %dma_start3A_974 = tpu.memref_squeeze %dma_start3A_973 : memref<1x!tpu.dma_semaphore, #tpu.memory_space<semaphore_mem>> -> memref<!tpu.dma_semaphore, #tpu.memory_space<semaphore_mem>>
      tpu.enqueue_indirect_dma source(%dma_start3A_972 : memref<1000000x128xf32, #tpu.memory_space<hbm>>) target(%dma_start3A_966 : memref<64x128xf32, #tpu.memory_space<vmem>>) offsets(%dma_start3A_969 : memref<64xi32, #tpu.memory_space<vmem>>) semaphore(%dma_start3A_974 : memref<!tpu.dma_semaphore, #tpu.memory_space<semaphore_mem>>)
      %add3A_975 = arith.constant 1 : i32
      %add3A_976 = arith.addi %mul3A_712, %add3A_975 : i32
      %dma_wait3A_977 = arith.constant 4 : i32
      %dma_wait3A_978 = arith.constant 1 : i32
      %dma_wait3A_979 = arith.constant 0 : i32
      %dma_wait3A_980 = arith.constant 0 : i32
      %dma_wait3A_981 = tpu.memref_slice %arg6[%dma_wait3A_977, %dma_wait3A_979, %dma_wait3A_980] : memref<8x64x128xf32, #tpu.memory_space<vmem>> -> memref<1x64x128xf32, #tpu.memory_space<vmem>>
      %dma_wait3A_982 = tpu.memref_squeeze %dma_wait3A_981 : memref<1x64x128xf32, #tpu.memory_space<vmem>> -> memref<64x128xf32, #tpu.memory_space<vmem>>
      %dma_wait3A_983 = arith.constant 0 : i32
      %dma_wait3A_984 = arith.constant 0 : i32
      %dma_wait3A_985 = tpu.memref_slice %arg3[%dma_wait3A_983, %dma_wait3A_984] : memref<1000000x128xf32, #tpu.memory_space<hbm>> -> memref<64x128xf32, #tpu.memory_space<hbm>>
      %dma_wait3A_986 = tpu.memref_slice %arg8[%dma_wait3A_978] : memref<2x!tpu.dma_semaphore, #tpu.memory_space<semaphore_mem>> -> memref<1x!tpu.dma_semaphore, #tpu.memory_space<semaphore_mem>>
      %dma_wait3A_987 = tpu.memref_squeeze %dma_wait3A_986 : memref<1x!tpu.dma_semaphore, #tpu.memory_space<semaphore_mem>> -> memref<!tpu.dma_semaphore, #tpu.memory_space<semaphore_mem>>
      %dma_wait3A_988 = arith.constant 0 : i32
      %dma_wait3A_989 = arith.constant 0 : i32
      %dma_wait3A_990 = tpu.memref_slice %arg6[%dma_wait3A_977, %dma_wait3A_988, %dma_wait3A_989] : memref<8x64x128xf32, #tpu.memory_space<vmem>> -> memref<1x64x128xf32, #tpu.memory_space<vmem>>
      %dma_wait3A_991 = tpu.memref_squeeze %dma_wait3A_990 : memref<1x64x128xf32, #tpu.memory_space<vmem>> -> memref<64x128xf32, #tpu.memory_space<vmem>>
      %dma_wait3A_992 = arith.constant 0 : i32
      %dma_wait3A_993 = arith.constant 0 : i32
      %dma_wait3A_994 = tpu.memref_slice %arg3[%dma_wait3A_992, %dma_wait3A_993] : memref<1000000x128xf32, #tpu.memory_space<hbm>> -> memref<64x128xf32, #tpu.memory_space<hbm>>
      tpu.wait_dma2 semaphore(%dma_wait3A_987 : memref<!tpu.dma_semaphore, #tpu.memory_space<semaphore_mem>>) src(%dma_wait3A_994 : memref<64x128xf32, #tpu.memory_space<hbm>>) dst(%dma_wait3A_991 : memref<64x128xf32, #tpu.memory_space<vmem>>)
      %dma_wait3A_995 = arith.constant 5 : i32
      %dma_wait3A_996 = arith.constant 1 : i32
      %dma_wait3A_997 = arith.constant 0 : i32
      %dma_wait3A_998 = arith.constant 0 : i32
      %dma_wait3A_999 = tpu.memref_slice %arg6[%dma_wait3A_995, %dma_wait3A_997, %dma_wait3A_998] : memref<8x64x128xf32, #tpu.memory_space<vmem>> -> memref<1x64x128xf32, #tpu.memory_space<vmem>>
      %dma_wait3A_1000 = tpu.memref_squeeze %dma_wait3A_999 : memref<1x64x128xf32, #tpu.memory_space<vmem>> -> memref<64x128xf32, #tpu.memory_space<vmem>>
      %dma_wait3A_1001 = arith.constant 0 : i32
      %dma_wait3A_1002 = arith.constant 0 : i32
      %dma_wait3A_1003 = tpu.memref_slice %arg3[%dma_wait3A_1001, %dma_wait3A_1002] : memref<1000000x128xf32, #tpu.memory_space<hbm>> -> memref<64x128xf32, #tpu.memory_space<hbm>>
      %dma_wait3A_1004 = tpu.memref_slice %arg8[%dma_wait3A_996] : memref<2x!tpu.dma_semaphore, #tpu.memory_space<semaphore_mem>> -> memref<1x!tpu.dma_semaphore, #tpu.memory_space<semaphore_mem>>
      %dma_wait3A_1005 = tpu.memref_squeeze %dma_wait3A_1004 : memref<1x!tpu.dma_semaphore, #tpu.memory_space<semaphore_mem>> -> memref<!tpu.dma_semaphore, #tpu.memory_space<semaphore_mem>>
      %dma_wait3A_1006 = arith.constant 0 : i32
      %dma_wait3A_1007 = arith.constant 0 : i32
      %dma_wait3A_1008 = tpu.memref_slice %arg6[%dma_wait3A_995, %dma_wait3A_1006, %dma_wait3A_1007] : memref<8x64x128xf32, #tpu.memory_space<vmem>> -> memref<1x64x128xf32, #tpu.memory_space<vmem>>
      %dma_wait3A_1009 = tpu.memref_squeeze %dma_wait3A_1008 : memref<1x64x128xf32, #tpu.memory_space<vmem>> -> memref<64x128xf32, #tpu.memory_space<vmem>>
      %dma_wait3A_1010 = arith.constant 0 : i32
      %dma_wait3A_1011 = arith.constant 0 : i32
      %dma_wait3A_1012 = tpu.memref_slice %arg3[%dma_wait3A_1010, %dma_wait3A_1011] : memref<1000000x128xf32, #tpu.memory_space<hbm>> -> memref<64x128xf32, #tpu.memory_space<hbm>>
      tpu.wait_dma2 semaphore(%dma_wait3A_1005 : memref<!tpu.dma_semaphore, #tpu.memory_space<semaphore_mem>>) src(%dma_wait3A_1012 : memref<64x128xf32, #tpu.memory_space<hbm>>) dst(%dma_wait3A_1009 : memref<64x128xf32, #tpu.memory_space<vmem>>)
      %dma_wait3A_1013 = arith.constant 6 : i32
      %dma_wait3A_1014 = arith.constant 1 : i32
      %dma_wait3A_1015 = arith.constant 0 : i32
      %dma_wait3A_1016 = arith.constant 0 : i32
      %dma_wait3A_1017 = tpu.memref_slice %arg6[%dma_wait3A_1013, %dma_wait3A_1015, %dma_wait3A_1016] : memref<8x64x128xf32, #tpu.memory_space<vmem>> -> memref<1x64x128xf32, #tpu.memory_space<vmem>>
      %dma_wait3A_1018 = tpu.memref_squeeze %dma_wait3A_1017 : memref<1x64x128xf32, #tpu.memory_space<vmem>> -> memref<64x128xf32, #tpu.memory_space<vmem>>
      %dma_wait3A_1019 = arith.constant 0 : i32
      %dma_wait3A_1020 = arith.constant 0 : i32
      %dma_wait3A_1021 = tpu.memref_slice %arg3[%dma_wait3A_1019, %dma_wait3A_1020] : memref<1000000x128xf32, #tpu.memory_space<hbm>> -> memref<64x128xf32, #tpu.memory_space<hbm>>
      %dma_wait3A_1022 = tpu.memref_slice %arg8[%dma_wait3A_1014] : memref<2x!tpu.dma_semaphore, #tpu.memory_space<semaphore_mem>> -> memref<1x!tpu.dma_semaphore, #tpu.memory_space<semaphore_mem>>
      %dma_wait3A_1023 = tpu.memref_squeeze %dma_wait3A_1022 : memref<1x!tpu.dma_semaphore, #tpu.memory_space<semaphore_mem>> -> memref<!tpu.dma_semaphore, #tpu.memory_space<semaphore_mem>>
      %dma_wait3A_1024 = arith.constant 0 : i32
      %dma_wait3A_1025 = arith.constant 0 : i32
      %dma_wait3A_1026 = tpu.memref_slice %arg6[%dma_wait3A_1013, %dma_wait3A_1024, %dma_wait3A_1025] : memref<8x64x128xf32, #tpu.memory_space<vmem>> -> memref<1x64x128xf32, #tpu.memory_space<vmem>>
      %dma_wait3A_1027 = tpu.memref_squeeze %dma_wait3A_1026 : memref<1x64x128xf32, #tpu.memory_space<vmem>> -> memref<64x128xf32, #tpu.memory_space<vmem>>
      %dma_wait3A_1028 = arith.constant 0 : i32
      %dma_wait3A_1029 = arith.constant 0 : i32
      %dma_wait3A_1030 = tpu.memref_slice %arg3[%dma_wait3A_1028, %dma_wait3A_1029] : memref<1000000x128xf32, #tpu.memory_space<hbm>> -> memref<64x128xf32, #tpu.memory_space<hbm>>
      tpu.wait_dma2 semaphore(%dma_wait3A_1023 : memref<!tpu.dma_semaphore, #tpu.memory_space<semaphore_mem>>) src(%dma_wait3A_1030 : memref<64x128xf32, #tpu.memory_space<hbm>>) dst(%dma_wait3A_1027 : memref<64x128xf32, #tpu.memory_space<vmem>>)
      %dma_wait3A_1031 = arith.constant 7 : i32
      %dma_wait3A_1032 = arith.constant 1 : i32
      %dma_wait3A_1033 = arith.constant 0 : i32
      %dma_wait3A_1034 = arith.constant 0 : i32
      %dma_wait3A_1035 = tpu.memref_slice %arg6[%dma_wait3A_1031, %dma_wait3A_1033, %dma_wait3A_1034] : memref<8x64x128xf32, #tpu.memory_space<vmem>> -> memref<1x64x128xf32, #tpu.memory_space<vmem>>
      %dma_wait3A_1036 = tpu.memref_squeeze %dma_wait3A_1035 : memref<1x64x128xf32, #tpu.memory_space<vmem>> -> memref<64x128xf32, #tpu.memory_space<vmem>>
      %dma_wait3A_1037 = arith.constant 0 : i32
      %dma_wait3A_1038 = arith.constant 0 : i32
      %dma_wait3A_1039 = tpu.memref_slice %arg3[%dma_wait3A_1037, %dma_wait3A_1038] : memref<1000000x128xf32, #tpu.memory_space<hbm>> -> memref<64x128xf32, #tpu.memory_space<hbm>>
      %dma_wait3A_1040 = tpu.memref_slice %arg8[%dma_wait3A_1032] : memref<2x!tpu.dma_semaphore, #tpu.memory_space<semaphore_mem>> -> memref<1x!tpu.dma_semaphore, #tpu.memory_space<semaphore_mem>>
      %dma_wait3A_1041 = tpu.memref_squeeze %dma_wait3A_1040 : memref<1x!tpu.dma_semaphore, #tpu.memory_space<semaphore_mem>> -> memref<!tpu.dma_semaphore, #tpu.memory_space<semaphore_mem>>
      %dma_wait3A_1042 = arith.constant 0 : i32
      %dma_wait3A_1043 = arith.constant 0 : i32
      %dma_wait3A_1044 = tpu.memref_slice %arg6[%dma_wait3A_1031, %dma_wait3A_1042, %dma_wait3A_1043] : memref<8x64x128xf32, #tpu.memory_space<vmem>> -> memref<1x64x128xf32, #tpu.memory_space<vmem>>
      %dma_wait3A_1045 = tpu.memref_squeeze %dma_wait3A_1044 : memref<1x64x128xf32, #tpu.memory_space<vmem>> -> memref<64x128xf32, #tpu.memory_space<vmem>>
      %dma_wait3A_1046 = arith.constant 0 : i32
      %dma_wait3A_1047 = arith.constant 0 : i32
      %dma_wait3A_1048 = tpu.memref_slice %arg3[%dma_wait3A_1046, %dma_wait3A_1047] : memref<1000000x128xf32, #tpu.memory_space<hbm>> -> memref<64x128xf32, #tpu.memory_space<hbm>>
      tpu.wait_dma2 semaphore(%dma_wait3A_1041 : memref<!tpu.dma_semaphore, #tpu.memory_space<semaphore_mem>>) src(%dma_wait3A_1048 : memref<64x128xf32, #tpu.memory_space<hbm>>) dst(%dma_wait3A_1045 : memref<64x128xf32, #tpu.memory_space<vmem>>)
      %scan3A_1049 = arith.constant 0 : i32
      %scan3A_1050 = arith.constant 0 : i32
      %scan3A_1051 = arith.constant 50 : i32
      %scan3A_1052 = arith.addi %scan3A_1050, %scan3A_1051 : i32
      %scan3A_1053 = arith.constant 1 : i32
      scf.for %scan3A_1075 = %scan3A_1050 to %scan3A_1052 step %scan3A_1053  : i32 {
        %get3A = arith.constant 4 : i32
        %get3A_1076 = arith.index_cast %get3A : i32 to index
        %get3A_1077 = arith.index_cast %scan3A_1075 : i32 to index
        %get3A_1078 = arith.constant 0 : index
        %get3A_1079 = tpu.vector_load %arg6[%get3A_1076, %get3A_1077, %get3A_1078] {strides = array<i32>} : memref<8x64x128xf32, #tpu.memory_space<vmem>>, vector<1x1x16xf32>,
        %get3A_1080 = vector.shape_cast %get3A_1079 : vector<1x1x16xf32> to vector<16xf32>
        %swap3A = arith.constant 4 : i32
        %swap3A_1081 = arith.index_cast %swap3A : i32 to index
        %swap3A_1082 = arith.index_cast %scan3A_1075 : i32 to index
        %swap3A_1083 = arith.constant 0 : index
        %swap3A_1084 = tpu.vector_load %arg7[%swap3A_1081, %swap3A_1082, %swap3A_1083] {strides = array<i32>} : memref<8x50x64xf32, #tpu.memory_space<vmem>>, vector<1x1x16xf32>,
        %swap3A_1085 = vector.shape_cast %swap3A_1084 : vector<1x1x16xf32> to vector<16xf32>
        %swap3A_1086 = vector.shape_cast %get3A_1080 : vector<16xf32> to vector<1x1x16xf32>
        tpu.vector_store %arg7[%swap3A_1081, %swap3A_1082, %swap3A_1083], %swap3A_1086 {strides = array<i32>} : memref<8x50x64xf32, #tpu.memory_space<vmem>>, vector<1x1x16xf32>,
        %get3A_1087 = arith.constant 4 : i32
        %get3A_1088 = arith.index_cast %get3A_1087 : i32 to index
        %get3A_1089 = arith.index_cast %scan3A_1075 : i32 to index
        %get3A_1090 = arith.constant 16 : index
        %get3A_1091 = tpu.vector_load %arg6[%get3A_1088, %get3A_1089, %get3A_1090] {strides = array<i32>} : memref<8x64x128xf32, #tpu.memory_space<vmem>>, vector<1x1x16xf32>,
        %get3A_1092 = vector.shape_cast %get3A_1091 : vector<1x1x16xf32> to vector<16xf32>
        %swap3A_1093 = arith.constant 4 : i32
        %swap3A_1094 = arith.index_cast %swap3A_1093 : i32 to index
        %swap3A_1095 = arith.index_cast %scan3A_1075 : i32 to index
        %swap3A_1096 = arith.constant 16 : index
        %swap3A_1097 = tpu.vector_load %arg7[%swap3A_1094, %swap3A_1095, %swap3A_1096] {strides = array<i32>} : memref<8x50x64xf32, #tpu.memory_space<vmem>>, vector<1x1x16xf32>,
        %swap3A_1098 = vector.shape_cast %swap3A_1097 : vector<1x1x16xf32> to vector<16xf32>
        %swap3A_1099 = vector.shape_cast %get3A_1092 : vector<16xf32> to vector<1x1x16xf32>
        tpu.vector_store %arg7[%swap3A_1094, %swap3A_1095, %swap3A_1096], %swap3A_1099 {strides = array<i32>} : memref<8x50x64xf32, #tpu.memory_space<vmem>>, vector<1x1x16xf32>,
        %get3A_1100 = arith.constant 4 : i32
        %get3A_1101 = arith.index_cast %get3A_1100 : i32 to index
        %get3A_1102 = arith.index_cast %scan3A_1075 : i32 to index
        %get3A_1103 = arith.constant 32 : index
        %get3A_1104 = tpu.vector_load %arg6[%get3A_1101, %get3A_1102, %get3A_1103] {strides = array<i32>} : memref<8x64x128xf32, #tpu.memory_space<vmem>>, vector<1x1x16xf32>,
        %get3A_1105 = vector.shape_cast %get3A_1104 : vector<1x1x16xf32> to vector<16xf32>
        %swap3A_1106 = arith.constant 4 : i32
        %swap3A_1107 = arith.index_cast %swap3A_1106 : i32 to index
        %swap3A_1108 = arith.index_cast %scan3A_1075 : i32 to index
        %swap3A_1109 = arith.constant 32 : index
        %swap3A_1110 = tpu.vector_load %arg7[%swap3A_1107, %swap3A_1108, %swap3A_1109] {strides = array<i32>} : memref<8x50x64xf32, #tpu.memory_space<vmem>>, vector<1x1x16xf32>,
        %swap3A_1111 = vector.shape_cast %swap3A_1110 : vector<1x1x16xf32> to vector<16xf32>
        %swap3A_1112 = vector.shape_cast %get3A_1105 : vector<16xf32> to vector<1x1x16xf32>
        tpu.vector_store %arg7[%swap3A_1107, %swap3A_1108, %swap3A_1109], %swap3A_1112 {strides = array<i32>} : memref<8x50x64xf32, #tpu.memory_space<vmem>>, vector<1x1x16xf32>,
        %get3A_1113 = arith.constant 4 : i32
        %get3A_1114 = arith.index_cast %get3A_1113 : i32 to index
        %get3A_1115 = arith.index_cast %scan3A_1075 : i32 to index
        %get3A_1116 = arith.constant 48 : index
        %get3A_1117 = tpu.vector_load %arg6[%get3A_1114, %get3A_1115, %get3A_1116] {strides = array<i32>} : memref<8x64x128xf32, #tpu.memory_space<vmem>>, vector<1x1x16xf32>,
        %get3A_1118 = vector.shape_cast %get3A_1117 : vector<1x1x16xf32> to vector<16xf32>
        %swap3A_1119 = arith.constant 4 : i32
        %swap3A_1120 = arith.index_cast %swap3A_1119 : i32 to index
        %swap3A_1121 = arith.index_cast %scan3A_1075 : i32 to index
        %swap3A_1122 = arith.constant 48 : index
        %swap3A_1123 = tpu.vector_load %arg7[%swap3A_1120, %swap3A_1121, %swap3A_1122] {strides = array<i32>} : memref<8x50x64xf32, #tpu.memory_space<vmem>>, vector<1x1x16xf32>,
        %swap3A_1124 = vector.shape_cast %swap3A_1123 : vector<1x1x16xf32> to vector<16xf32>
        %swap3A_1125 = vector.shape_cast %get3A_1118 : vector<16xf32> to vector<1x1x16xf32>
        tpu.vector_store %arg7[%swap3A_1120, %swap3A_1121, %swap3A_1122], %swap3A_1125 {strides = array<i32>} : memref<8x50x64xf32, #tpu.memory_space<vmem>>, vector<1x1x16xf32>,
        %get3A_1126 = arith.constant 5 : i32
        %get3A_1127 = arith.index_cast %get3A_1126 : i32 to index
        %get3A_1128 = arith.index_cast %scan3A_1075 : i32 to index
        %get3A_1129 = arith.constant 0 : index
        %get3A_1130 = tpu.vector_load %arg6[%get3A_1127, %get3A_1128, %get3A_1129] {strides = array<i32>} : memref<8x64x128xf32, #tpu.memory_space<vmem>>, vector<1x1x16xf32>,
        %get3A_1131 = vector.shape_cast %get3A_1130 : vector<1x1x16xf32> to vector<16xf32>
        %swap3A_1132 = arith.constant 5 : i32
        %swap3A_1133 = arith.index_cast %swap3A_1132 : i32 to index
        %swap3A_1134 = arith.index_cast %scan3A_1075 : i32 to index
        %swap3A_1135 = arith.constant 0 : index
        %swap3A_1136 = tpu.vector_load %arg7[%swap3A_1133, %swap3A_1134, %swap3A_1135] {strides = array<i32>} : memref<8x50x64xf32, #tpu.memory_space<vmem>>, vector<1x1x16xf32>,
        %swap3A_1137 = vector.shape_cast %swap3A_1136 : vector<1x1x16xf32> to vector<16xf32>
        %swap3A_1138 = vector.shape_cast %get3A_1131 : vector<16xf32> to vector<1x1x16xf32>
        tpu.vector_store %arg7[%swap3A_1133, %swap3A_1134, %swap3A_1135], %swap3A_1138 {strides = array<i32>} : memref<8x50x64xf32, #tpu.memory_space<vmem>>, vector<1x1x16xf32>,
        %get3A_1139 = arith.constant 5 : i32
        %get3A_1140 = arith.index_cast %get3A_1139 : i32 to index
        %get3A_1141 = arith.index_cast %scan3A_1075 : i32 to index
        %get3A_1142 = arith.constant 16 : index
        %get3A_1143 = tpu.vector_load %arg6[%get3A_1140, %get3A_1141, %get3A_1142] {strides = array<i32>} : memref<8x64x128xf32, #tpu.memory_space<vmem>>, vector<1x1x16xf32>,
        %get3A_1144 = vector.shape_cast %get3A_1143 : vector<1x1x16xf32> to vector<16xf32>
        %swap3A_1145 = arith.constant 5 : i32
        %swap3A_1146 = arith.index_cast %swap3A_1145 : i32 to index
        %swap3A_1147 = arith.index_cast %scan3A_1075 : i32 to index
        %swap3A_1148 = arith.constant 16 : index
        %swap3A_1149 = tpu.vector_load %arg7[%swap3A_1146, %swap3A_1147, %swap3A_1148] {strides = array<i32>} : memref<8x50x64xf32, #tpu.memory_space<vmem>>, vector<1x1x16xf32>,
        %swap3A_1150 = vector.shape_cast %swap3A_1149 : vector<1x1x16xf32> to vector<16xf32>
        %swap3A_1151 = vector.shape_cast %get3A_1144 : vector<16xf32> to vector<1x1x16xf32>
        tpu.vector_store %arg7[%swap3A_1146, %swap3A_1147, %swap3A_1148], %swap3A_1151 {strides = array<i32>} : memref<8x50x64xf32, #tpu.memory_space<vmem>>, vector<1x1x16xf32>,
        %get3A_1152 = arith.constant 5 : i32
        %get3A_1153 = arith.index_cast %get3A_1152 : i32 to index
        %get3A_1154 = arith.index_cast %scan3A_1075 : i32 to index
        %get3A_1155 = arith.constant 32 : index
        %get3A_1156 = tpu.vector_load %arg6[%get3A_1153, %get3A_1154, %get3A_1155] {strides = array<i32>} : memref<8x64x128xf32, #tpu.memory_space<vmem>>, vector<1x1x16xf32>,
        %get3A_1157 = vector.shape_cast %get3A_1156 : vector<1x1x16xf32> to vector<16xf32>
        %swap3A_1158 = arith.constant 5 : i32
        %swap3A_1159 = arith.index_cast %swap3A_1158 : i32 to index
        %swap3A_1160 = arith.index_cast %scan3A_1075 : i32 to index
        %swap3A_1161 = arith.constant 32 : index
        %swap3A_1162 = tpu.vector_load %arg7[%swap3A_1159, %swap3A_1160, %swap3A_1161] {strides = array<i32>} : memref<8x50x64xf32, #tpu.memory_space<vmem>>, vector<1x1x16xf32>,
        %swap3A_1163 = vector.shape_cast %swap3A_1162 : vector<1x1x16xf32> to vector<16xf32>
        %swap3A_1164 = vector.shape_cast %get3A_1157 : vector<16xf32> to vector<1x1x16xf32>
        tpu.vector_store %arg7[%swap3A_1159, %swap3A_1160, %swap3A_1161], %swap3A_1164 {strides = array<i32>} : memref<8x50x64xf32, #tpu.memory_space<vmem>>, vector<1x1x16xf32>,
        %get3A_1165 = arith.constant 5 : i32
        %get3A_1166 = arith.index_cast %get3A_1165 : i32 to index
        %get3A_1167 = arith.index_cast %scan3A_1075 : i32 to index
        %get3A_1168 = arith.constant 48 : index
        %get3A_1169 = tpu.vector_load %arg6[%get3A_1166, %get3A_1167, %get3A_1168] {strides = array<i32>} : memref<8x64x128xf32, #tpu.memory_space<vmem>>, vector<1x1x16xf32>,
        %get3A_1170 = vector.shape_cast %get3A_1169 : vector<1x1x16xf32> to vector<16xf32>
        %swap3A_1171 = arith.constant 5 : i32
        %swap3A_1172 = arith.index_cast %swap3A_1171 : i32 to index
        %swap3A_1173 = arith.index_cast %scan3A_1075 : i32 to index
        %swap3A_1174 = arith.constant 48 : index
        %swap3A_1175 = tpu.vector_load %arg7[%swap3A_1172, %swap3A_1173, %swap3A_1174] {strides = array<i32>} : memref<8x50x64xf32, #tpu.memory_space<vmem>>, vector<1x1x16xf32>,
        %swap3A_1176 = vector.shape_cast %swap3A_1175 : vector<1x1x16xf32> to vector<16xf32>
        %swap3A_1177 = vector.shape_cast %get3A_1170 : vector<16xf32> to vector<1x1x16xf32>
        tpu.vector_store %arg7[%swap3A_1172, %swap3A_1173, %swap3A_1174], %swap3A_1177 {strides = array<i32>} : memref<8x50x64xf32, #tpu.memory_space<vmem>>, vector<1x1x16xf32>,
        %get3A_1178 = arith.constant 6 : i32
        %get3A_1179 = arith.index_cast %get3A_1178 : i32 to index
        %get3A_1180 = arith.index_cast %scan3A_1075 : i32 to index
        %get3A_1181 = arith.constant 0 : index
        %get3A_1182 = tpu.vector_load %arg6[%get3A_1179, %get3A_1180, %get3A_1181] {strides = array<i32>} : memref<8x64x128xf32, #tpu.memory_space<vmem>>, vector<1x1x16xf32>,
        %get3A_1183 = vector.shape_cast %get3A_1182 : vector<1x1x16xf32> to vector<16xf32>
        %swap3A_1184 = arith.constant 6 : i32
        %swap3A_1185 = arith.index_cast %swap3A_1184 : i32 to index
        %swap3A_1186 = arith.index_cast %scan3A_1075 : i32 to index
        %swap3A_1187 = arith.constant 0 : index
        %swap3A_1188 = tpu.vector_load %arg7[%swap3A_1185, %swap3A_1186, %swap3A_1187] {strides = array<i32>} : memref<8x50x64xf32, #tpu.memory_space<vmem>>, vector<1x1x16xf32>,
        %swap3A_1189 = vector.shape_cast %swap3A_1188 : vector<1x1x16xf32> to vector<16xf32>
        %swap3A_1190 = vector.shape_cast %get3A_1183 : vector<16xf32> to vector<1x1x16xf32>
        tpu.vector_store %arg7[%swap3A_1185, %swap3A_1186, %swap3A_1187], %swap3A_1190 {strides = array<i32>} : memref<8x50x64xf32, #tpu.memory_space<vmem>>, vector<1x1x16xf32>,
        %get3A_1191 = arith.constant 6 : i32
        %get3A_1192 = arith.index_cast %get3A_1191 : i32 to index
        %get3A_1193 = arith.index_cast %scan3A_1075 : i32 to index
        %get3A_1194 = arith.constant 16 : index
        %get3A_1195 = tpu.vector_load %arg6[%get3A_1192, %get3A_1193, %get3A_1194] {strides = array<i32>} : memref<8x64x128xf32, #tpu.memory_space<vmem>>, vector<1x1x16xf32>,
        %get3A_1196 = vector.shape_cast %get3A_1195 : vector<1x1x16xf32> to vector<16xf32>
        %swap3A_1197 = arith.constant 6 : i32
        %swap3A_1198 = arith.index_cast %swap3A_1197 : i32 to index
        %swap3A_1199 = arith.index_cast %scan3A_1075 : i32 to index
        %swap3A_1200 = arith.constant 16 : index
        %swap3A_1201 = tpu.vector_load %arg7[%swap3A_1198, %swap3A_1199, %swap3A_1200] {strides = array<i32>} : memref<8x50x64xf32, #tpu.memory_space<vmem>>, vector<1x1x16xf32>,
        %swap3A_1202 = vector.shape_cast %swap3A_1201 : vector<1x1x16xf32> to vector<16xf32>
        %swap3A_1203 = vector.shape_cast %get3A_1196 : vector<16xf32> to vector<1x1x16xf32>
        tpu.vector_store %arg7[%swap3A_1198, %swap3A_1199, %swap3A_1200], %swap3A_1203 {strides = array<i32>} : memref<8x50x64xf32, #tpu.memory_space<vmem>>, vector<1x1x16xf32>,
        %get3A_1204 = arith.constant 6 : i32
        %get3A_1205 = arith.index_cast %get3A_1204 : i32 to index
        %get3A_1206 = arith.index_cast %scan3A_1075 : i32 to index
        %get3A_1207 = arith.constant 32 : index
        %get3A_1208 = tpu.vector_load %arg6[%get3A_1205, %get3A_1206, %get3A_1207] {strides = array<i32>} : memref<8x64x128xf32, #tpu.memory_space<vmem>>, vector<1x1x16xf32>,
        %get3A_1209 = vector.shape_cast %get3A_1208 : vector<1x1x16xf32> to vector<16xf32>
        %swap3A_1210 = arith.constant 6 : i32
        %swap3A_1211 = arith.index_cast %swap3A_1210 : i32 to index
        %swap3A_1212 = arith.index_cast %scan3A_1075 : i32 to index
        %swap3A_1213 = arith.constant 32 : index
        %swap3A_1214 = tpu.vector_load %arg7[%swap3A_1211, %swap3A_1212, %swap3A_1213] {strides = array<i32>} : memref<8x50x64xf32, #tpu.memory_space<vmem>>, vector<1x1x16xf32>,
        %swap3A_1215 = vector.shape_cast %swap3A_1214 : vector<1x1x16xf32> to vector<16xf32>
        %swap3A_1216 = vector.shape_cast %get3A_1209 : vector<16xf32> to vector<1x1x16xf32>
        tpu.vector_store %arg7[%swap3A_1211, %swap3A_1212, %swap3A_1213], %swap3A_1216 {strides = array<i32>} : memref<8x50x64xf32, #tpu.memory_space<vmem>>, vector<1x1x16xf32>,
        %get3A_1217 = arith.constant 6 : i32
        %get3A_1218 = arith.index_cast %get3A_1217 : i32 to index
        %get3A_1219 = arith.index_cast %scan3A_1075 : i32 to index
        %get3A_1220 = arith.constant 48 : index
        %get3A_1221 = tpu.vector_load %arg6[%get3A_1218, %get3A_1219, %get3A_1220] {strides = array<i32>} : memref<8x64x128xf32, #tpu.memory_space<vmem>>, vector<1x1x16xf32>,
        %get3A_1222 = vector.shape_cast %get3A_1221 : vector<1x1x16xf32> to vector<16xf32>
        %swap3A_1223 = arith.constant 6 : i32
        %swap3A_1224 = arith.index_cast %swap3A_1223 : i32 to index
        %swap3A_1225 = arith.index_cast %scan3A_1075 : i32 to index
        %swap3A_1226 = arith.constant 48 : index
        %swap3A_1227 = tpu.vector_load %arg7[%swap3A_1224, %swap3A_1225, %swap3A_1226] {strides = array<i32>} : memref<8x50x64xf32, #tpu.memory_space<vmem>>, vector<1x1x16xf32>,
        %swap3A_1228 = vector.shape_cast %swap3A_1227 : vector<1x1x16xf32> to vector<16xf32>
        %swap3A_1229 = vector.shape_cast %get3A_1222 : vector<16xf32> to vector<1x1x16xf32>
        tpu.vector_store %arg7[%swap3A_1224, %swap3A_1225, %swap3A_1226], %swap3A_1229 {strides = array<i32>} : memref<8x50x64xf32, #tpu.memory_space<vmem>>, vector<1x1x16xf32>,
        %get3A_1230 = arith.constant 7 : i32
        %get3A_1231 = arith.index_cast %get3A_1230 : i32 to index
        %get3A_1232 = arith.index_cast %scan3A_1075 : i32 to index
        %get3A_1233 = arith.constant 0 : index
        %get3A_1234 = tpu.vector_load %arg6[%get3A_1231, %get3A_1232, %get3A_1233] {strides = array<i32>} : memref<8x64x128xf32, #tpu.memory_space<vmem>>, vector<1x1x16xf32>,
        %get3A_1235 = vector.shape_cast %get3A_1234 : vector<1x1x16xf32> to vector<16xf32>
        %swap3A_1236 = arith.constant 7 : i32
        %swap3A_1237 = arith.index_cast %swap3A_1236 : i32 to index
        %swap3A_1238 = arith.index_cast %scan3A_1075 : i32 to index
        %swap3A_1239 = arith.constant 0 : index
        %swap3A_1240 = tpu.vector_load %arg7[%swap3A_1237, %swap3A_1238, %swap3A_1239] {strides = array<i32>} : memref<8x50x64xf32, #tpu.memory_space<vmem>>, vector<1x1x16xf32>,
        %swap3A_1241 = vector.shape_cast %swap3A_1240 : vector<1x1x16xf32> to vector<16xf32>
        %swap3A_1242 = vector.shape_cast %get3A_1235 : vector<16xf32> to vector<1x1x16xf32>
        tpu.vector_store %arg7[%swap3A_1237, %swap3A_1238, %swap3A_1239], %swap3A_1242 {strides = array<i32>} : memref<8x50x64xf32, #tpu.memory_space<vmem>>, vector<1x1x16xf32>,
        %get3A_1243 = arith.constant 7 : i32
        %get3A_1244 = arith.index_cast %get3A_1243 : i32 to index
        %get3A_1245 = arith.index_cast %scan3A_1075 : i32 to index
        %get3A_1246 = arith.constant 16 : index
        %get3A_1247 = tpu.vector_load %arg6[%get3A_1244, %get3A_1245, %get3A_1246] {strides = array<i32>} : memref<8x64x128xf32, #tpu.memory_space<vmem>>, vector<1x1x16xf32>,
        %get3A_1248 = vector.shape_cast %get3A_1247 : vector<1x1x16xf32> to vector<16xf32>
        %swap3A_1249 = arith.constant 7 : i32
        %swap3A_1250 = arith.index_cast %swap3A_1249 : i32 to index
        %swap3A_1251 = arith.index_cast %scan3A_1075 : i32 to index
        %swap3A_1252 = arith.constant 16 : index
        %swap3A_1253 = tpu.vector_load %arg7[%swap3A_1250, %swap3A_1251, %swap3A_1252] {strides = array<i32>} : memref<8x50x64xf32, #tpu.memory_space<vmem>>, vector<1x1x16xf32>,
        %swap3A_1254 = vector.shape_cast %swap3A_1253 : vector<1x1x16xf32> to vector<16xf32>
        %swap3A_1255 = vector.shape_cast %get3A_1248 : vector<16xf32> to vector<1x1x16xf32>
        tpu.vector_store %arg7[%swap3A_1250, %swap3A_1251, %swap3A_1252], %swap3A_1255 {strides = array<i32>} : memref<8x50x64xf32, #tpu.memory_space<vmem>>, vector<1x1x16xf32>,
        %get3A_1256 = arith.constant 7 : i32
        %get3A_1257 = arith.index_cast %get3A_1256 : i32 to index
        %get3A_1258 = arith.index_cast %scan3A_1075 : i32 to index
        %get3A_1259 = arith.constant 32 : index
        %get3A_1260 = tpu.vector_load %arg6[%get3A_1257, %get3A_1258, %get3A_1259] {strides = array<i32>} : memref<8x64x128xf32, #tpu.memory_space<vmem>>, vector<1x1x16xf32>,
        %get3A_1261 = vector.shape_cast %get3A_1260 : vector<1x1x16xf32> to vector<16xf32>
        %swap3A_1262 = arith.constant 7 : i32
        %swap3A_1263 = arith.index_cast %swap3A_1262 : i32 to index
        %swap3A_1264 = arith.index_cast %scan3A_1075 : i32 to index
        %swap3A_1265 = arith.constant 32 : index
        %swap3A_1266 = tpu.vector_load %arg7[%swap3A_1263, %swap3A_1264, %swap3A_1265] {strides = array<i32>} : memref<8x50x64xf32, #tpu.memory_space<vmem>>, vector<1x1x16xf32>,
        %swap3A_1267 = vector.shape_cast %swap3A_1266 : vector<1x1x16xf32> to vector<16xf32>
        %swap3A_1268 = vector.shape_cast %get3A_1261 : vector<16xf32> to vector<1x1x16xf32>
        tpu.vector_store %arg7[%swap3A_1263, %swap3A_1264, %swap3A_1265], %swap3A_1268 {strides = array<i32>} : memref<8x50x64xf32, #tpu.memory_space<vmem>>, vector<1x1x16xf32>,
        %get3A_1269 = arith.constant 7 : i32
        %get3A_1270 = arith.index_cast %get3A_1269 : i32 to index
        %get3A_1271 = arith.index_cast %scan3A_1075 : i32 to index
        %get3A_1272 = arith.constant 48 : index
        %get3A_1273 = tpu.vector_load %arg6[%get3A_1270, %get3A_1271, %get3A_1272] {strides = array<i32>} : memref<8x64x128xf32, #tpu.memory_space<vmem>>, vector<1x1x16xf32>,
        %get3A_1274 = vector.shape_cast %get3A_1273 : vector<1x1x16xf32> to vector<16xf32>
        %swap3A_1275 = arith.constant 7 : i32
        %swap3A_1276 = arith.index_cast %swap3A_1275 : i32 to index
        %swap3A_1277 = arith.index_cast %scan3A_1075 : i32 to index
        %swap3A_1278 = arith.constant 48 : index
        %swap3A_1279 = tpu.vector_load %arg7[%swap3A_1276, %swap3A_1277, %swap3A_1278] {strides = array<i32>} : memref<8x50x64xf32, #tpu.memory_space<vmem>>, vector<1x1x16xf32>,
        %swap3A_1280 = vector.shape_cast %swap3A_1279 : vector<1x1x16xf32> to vector<16xf32>
        %swap3A_1281 = vector.shape_cast %get3A_1274 : vector<16xf32> to vector<1x1x16xf32>
        tpu.vector_store %arg7[%swap3A_1276, %swap3A_1277, %swap3A_1278], %swap3A_1281 {strides = array<i32>} : memref<8x50x64xf32, #tpu.memory_space<vmem>>, vector<1x1x16xf32>,
      }
      %scan3A_1054 = arith.constant 50 : i32
      %mul3A_1055 = arith.constant 4 : i32
      %mul3A_1056 = arith.muli %add3A_976, %mul3A_1055 : i32
      %add3A_1057 = arith.addi %mul3A_2, %mul3A_1056 : i32
      %dma_start3A_1058 = arith.constant 1 : i32
      %dma_start3A_1059 = arith.constant 4 : i32
      %dma_start3A_1060 = arith.constant 0 : i32
      %dma_start3A_1061 = arith.constant 0 : i32
      %dma_start3A_1062 = tpu.memref_slice %arg7[%dma_start3A_1059, %dma_start3A_1060, %dma_start3A_1061] : memref<8x50x64xf32, #tpu.memory_space<vmem>> -> memref<4x50x64xf32, #tpu.memory_space<vmem>>
      %dma_start3A_1063 = arith.constant 0 : i32
      %dma_start3A_1064 = arith.constant 0 : i32
      %dma_start3A_1065 = tpu.memref_slice %arg4[%add3A_1057, %dma_start3A_1063, %dma_start3A_1064] : memref<16384x50x64xf32, #tpu.memory_space<hbm>> -> memref<4x50x64xf32, #tpu.memory_space<hbm>>
      %dma_start3A_1066 = tpu.memref_slice %arg9[%dma_start3A_1058] : memref<2x!tpu.dma_semaphore, #tpu.memory_space<semaphore_mem>> -> memref<1x!tpu.dma_semaphore, #tpu.memory_space<semaphore_mem>>
      %dma_start3A_1067 = tpu.memref_squeeze %dma_start3A_1066 : memref<1x!tpu.dma_semaphore, #tpu.memory_space<semaphore_mem>> -> memref<!tpu.dma_semaphore, #tpu.memory_space<semaphore_mem>>
      %dma_start3A_1068 = arith.constant 0 : i32
      %dma_start3A_1069 = arith.constant 0 : i32
      %dma_start3A_1070 = tpu.memref_slice %arg4[%add3A_1057, %dma_start3A_1068, %dma_start3A_1069] : memref<16384x50x64xf32, #tpu.memory_space<hbm>> -> memref<4x50x64xf32, #tpu.memory_space<hbm>>
      %dma_start3A_1071 = arith.constant 4 : i32
      %dma_start3A_1072 = arith.constant 0 : i32
      %dma_start3A_1073 = arith.constant 0 : i32
      %dma_start3A_1074 = tpu.memref_slice %arg7[%dma_start3A_1071, %dma_start3A_1072, %dma_start3A_1073] : memref<8x50x64xf32, #tpu.memory_space<vmem>> -> memref<4x50x64xf32, #tpu.memory_space<vmem>>
      tpu.enqueue_dma source(%dma_start3A_1074 : memref<4x50x64xf32, #tpu.memory_space<vmem>>) target(%dma_start3A_1070 : memref<4x50x64xf32, #tpu.memory_space<hbm>>) target_semaphore(%dma_start3A_1067 : memref<!tpu.dma_semaphore, #tpu.memory_space<semaphore_mem>>)
    }
    %scan3A_402 = arith.constant 62 : i32
    %dma_wait3A_403 = arith.constant 1 : i32
    %dma_wait3A_404 = arith.constant 4 : i32
    %dma_wait3A_405 = arith.constant 0 : i32
    %dma_wait3A_406 = arith.constant 0 : i32
    %dma_wait3A_407 = tpu.memref_slice %arg7[%dma_wait3A_404, %dma_wait3A_405, %dma_wait3A_406] : memref<8x50x64xf32, #tpu.memory_space<vmem>> -> memref<4x50x64xf32, #tpu.memory_space<vmem>>
    %dma_wait3A_408 = arith.constant 0 : i32
    %dma_wait3A_409 = arith.constant 0 : i32
    %dma_wait3A_410 = tpu.memref_slice %arg4[%mul3A_2, %dma_wait3A_408, %dma_wait3A_409] : memref<16384x50x64xf32, #tpu.memory_space<hbm>> -> memref<4x50x64xf32, #tpu.memory_space<hbm>>
    %dma_wait3A_411 = tpu.memref_slice %arg9[%dma_wait3A_403] : memref<2x!tpu.dma_semaphore, #tpu.memory_space<semaphore_mem>> -> memref<1x!tpu.dma_semaphore, #tpu.memory_space<semaphore_mem>>
    %dma_wait3A_412 = tpu.memref_squeeze %dma_wait3A_411 : memref<1x!tpu.dma_semaphore, #tpu.memory_space<semaphore_mem>> -> memref<!tpu.dma_semaphore, #tpu.memory_space<semaphore_mem>>
    %dma_wait3A_413 = arith.constant 4 : i32
    %dma_wait3A_414 = arith.constant 0 : i32
    %dma_wait3A_415 = arith.constant 0 : i32
    %dma_wait3A_416 = tpu.memref_slice %arg7[%dma_wait3A_413, %dma_wait3A_414, %dma_wait3A_415] : memref<8x50x64xf32, #tpu.memory_space<vmem>> -> memref<4x50x64xf32, #tpu.memory_space<vmem>>
    %dma_wait3A_417 = arith.constant 0 : i32
    %dma_wait3A_418 = arith.constant 0 : i32
    %dma_wait3A_419 = tpu.memref_slice %arg4[%mul3A_2, %dma_wait3A_417, %dma_wait3A_418] : memref<16384x50x64xf32, #tpu.memory_space<hbm>> -> memref<4x50x64xf32, #tpu.memory_space<hbm>>
    tpu.wait_dma2 semaphore(%dma_wait3A_412 : memref<!tpu.dma_semaphore, #tpu.memory_space<semaphore_mem>>) src(%dma_wait3A_419 : memref<4x50x64xf32, #tpu.memory_space<hbm>>) dst(%dma_wait3A_416 : memref<4x50x64xf32, #tpu.memory_space<vmem>>)
    %add3A_420 = arith.constant 508 : i32
    %add3A_421 = arith.addi %mul3A_2, %add3A_420 : i32
    "tpu.region"() ({
      %run_scoped3A = tpu.sem_alloc : memref<!tpu.dma_semaphore, #tpu.memory_space<semaphore_mem>>
      %dma_start3A_710 = arith.constant 4 : i32
      %dma_start3A_711 = arith.constant 0 : i32
      %dma_start3A_712 = tpu.memref_slice %arg5[%dma_start3A_710, %dma_start3A_711] : memref<8x64xi32, #tpu.memory_space<vmem>> -> memref<4x64xi32, #tpu.memory_space<vmem>>
      %dma_start3A_713 = arith.constant 0 : i32
      %dma_start3A_714 = tpu.memref_slice %arg2[%add3A_421, %dma_start3A_713] : memref<16384x64xi32, #tpu.memory_space<hbm>> -> memref<4x64xi32, #tpu.memory_space<hbm>>
      %dma_start3A_715 = arith.constant 4 : i32
      %dma_start3A_716 = arith.constant 0 : i32
      %dma_start3A_717 = tpu.memref_slice %arg5[%dma_start3A_715, %dma_start3A_716] : memref<8x64xi32, #tpu.memory_space<vmem>> -> memref<4x64xi32, #tpu.memory_space<vmem>>
      %dma_start3A_718 = arith.constant 0 : i32
      %dma_start3A_719 = tpu.memref_slice %arg2[%add3A_421, %dma_start3A_718] : memref<16384x64xi32, #tpu.memory_space<hbm>> -> memref<4x64xi32, #tpu.memory_space<hbm>>
      tpu.enqueue_dma source(%dma_start3A_719 : memref<4x64xi32, #tpu.memory_space<hbm>>) target(%dma_start3A_717 : memref<4x64xi32, #tpu.memory_space<vmem>>) target_semaphore(%run_scoped3A : memref<!tpu.dma_semaphore, #tpu.memory_space<semaphore_mem>>)
      %dma_wait3A_720 = arith.constant 4 : i32
      %dma_wait3A_721 = arith.constant 0 : i32
      %dma_wait3A_722 = tpu.memref_slice %arg5[%dma_wait3A_720, %dma_wait3A_721] : memref<8x64xi32, #tpu.memory_space<vmem>> -> memref<4x64xi32, #tpu.memory_space<vmem>>
      %dma_wait3A_723 = arith.constant 0 : i32
      %dma_wait3A_724 = tpu.memref_slice %arg2[%add3A_421, %dma_wait3A_723] : memref<16384x64xi32, #tpu.memory_space<hbm>> -> memref<4x64xi32, #tpu.memory_space<hbm>>
      %dma_wait3A_725 = arith.constant 4 : i32
      %dma_wait3A_726 = arith.constant 0 : i32
      %dma_wait3A_727 = tpu.memref_slice %arg5[%dma_wait3A_725, %dma_wait3A_726] : memref<8x64xi32, #tpu.memory_space<vmem>> -> memref<4x64xi32, #tpu.memory_space<vmem>>
      %dma_wait3A_728 = arith.constant 0 : i32
      %dma_wait3A_729 = tpu.memref_slice %arg2[%add3A_421, %dma_wait3A_728] : memref<16384x64xi32, #tpu.memory_space<hbm>> -> memref<4x64xi32, #tpu.memory_space<hbm>>
      tpu.wait_dma2 semaphore(%run_scoped3A : memref<!tpu.dma_semaphore, #tpu.memory_space<semaphore_mem>>) src(%dma_wait3A_729 : memref<4x64xi32, #tpu.memory_space<hbm>>) dst(%dma_wait3A_727 : memref<4x64xi32, #tpu.memory_space<vmem>>)
      tpu.yield
    }) : () -> ()
    %dma_start3A_422 = arith.constant 4 : i32
    %dma_start3A_423 = arith.constant 4 : i32
    %dma_start3A_424 = arith.constant 1 : i32
    %dma_start3A_425 = arith.constant 0 : i32
    %dma_start3A_426 = arith.constant 0 : i32
    %dma_start3A_427 = tpu.memref_slice %arg6[%dma_start3A_423, %dma_start3A_425, %dma_start3A_426] : memref<8x64x128xf32, #tpu.memory_space<vmem>> -> memref<1x64x128xf32, #tpu.memory_space<vmem>>
    %dma_start3A_428 = tpu.memref_squeeze %dma_start3A_427 : memref<1x64x128xf32, #tpu.memory_space<vmem>> -> memref<64x128xf32, #tpu.memory_space<vmem>>
    %dma_start3A_429 = arith.constant 0 : i32
    %dma_start3A_430 = tpu.memref_slice %arg5[%dma_start3A_422, %dma_start3A_429] : memref<8x64xi32, #tpu.memory_space<vmem>> -> memref<1x64xi32, #tpu.memory_space<vmem>>
    %dma_start3A_431 = tpu.memref_squeeze %dma_start3A_430 : memref<1x64xi32, #tpu.memory_space<vmem>> -> memref<64xi32, #tpu.memory_space<vmem>>
    %dma_start3A_432 = arith.constant 0 : i32
    %dma_start3A_433 = arith.constant 0 : i32
    %dma_start3A_434 = tpu.memref_slice %arg3[%dma_start3A_432, %dma_start3A_433] : memref<1000000x128xf32, #tpu.memory_space<hbm>> -> memref<1000000x128xf32, #tpu.memory_space<hbm>>
    %dma_start3A_435 = tpu.memref_slice %arg8[%dma_start3A_424] : memref<2x!tpu.dma_semaphore, #tpu.memory_space<semaphore_mem>> -> memref<1x!tpu.dma_semaphore, #tpu.memory_space<semaphore_mem>>
    %dma_start3A_436 = tpu.memref_squeeze %dma_start3A_435 : memref<1x!tpu.dma_semaphore, #tpu.memory_space<semaphore_mem>> -> memref<!tpu.dma_semaphore, #tpu.memory_space<semaphore_mem>>
    tpu.enqueue_indirect_dma source(%dma_start3A_434 : memref<1000000x128xf32, #tpu.memory_space<hbm>>) target(%dma_start3A_428 : memref<64x128xf32, #tpu.memory_space<vmem>>) offsets(%dma_start3A_431 : memref<64xi32, #tpu.memory_space<vmem>>) semaphore(%dma_start3A_436 : memref<!tpu.dma_semaphore, #tpu.memory_space<semaphore_mem>>)
    %dma_start3A_437 = arith.constant 5 : i32
    %dma_start3A_438 = arith.constant 5 : i32
    %dma_start3A_439 = arith.constant 1 : i32
    %dma_start3A_440 = arith.constant 0 : i32
    %dma_start3A_441 = arith.constant 0 : i32
    %dma_start3A_442 = tpu.memref_slice %arg6[%dma_start3A_438, %dma_start3A_440, %dma_start3A_441] : memref<8x64x128xf32, #tpu.memory_space<vmem>> -> memref<1x64x128xf32, #tpu.memory_space<vmem>>
    %dma_start3A_443 = tpu.memref_squeeze %dma_start3A_442 : memref<1x64x128xf32, #tpu.memory_space<vmem>> -> memref<64x128xf32, #tpu.memory_space<vmem>>
    %dma_start3A_444 = arith.constant 0 : i32
    %dma_start3A_445 = tpu.memref_slice %arg5[%dma_start3A_437, %dma_start3A_444] : memref<8x64xi32, #tpu.memory_space<vmem>> -> memref<1x64xi32, #tpu.memory_space<vmem>>
    %dma_start3A_446 = tpu.memref_squeeze %dma_start3A_445 : memref<1x64xi32, #tpu.memory_space<vmem>> -> memref<64xi32, #tpu.memory_space<vmem>>
    %dma_start3A_447 = arith.constant 0 : i32
    %dma_start3A_448 = arith.constant 0 : i32
    %dma_start3A_449 = tpu.memref_slice %arg3[%dma_start3A_447, %dma_start3A_448] : memref<1000000x128xf32, #tpu.memory_space<hbm>> -> memref<1000000x128xf32, #tpu.memory_space<hbm>>
    %dma_start3A_450 = tpu.memref_slice %arg8[%dma_start3A_439] : memref<2x!tpu.dma_semaphore, #tpu.memory_space<semaphore_mem>> -> memref<1x!tpu.dma_semaphore, #tpu.memory_space<semaphore_mem>>
    %dma_start3A_451 = tpu.memref_squeeze %dma_start3A_450 : memref<1x!tpu.dma_semaphore, #tpu.memory_space<semaphore_mem>> -> memref<!tpu.dma_semaphore, #tpu.memory_space<semaphore_mem>>
    tpu.enqueue_indirect_dma source(%dma_start3A_449 : memref<1000000x128xf32, #tpu.memory_space<hbm>>) target(%dma_start3A_443 : memref<64x128xf32, #tpu.memory_space<vmem>>) offsets(%dma_start3A_446 : memref<64xi32, #tpu.memory_space<vmem>>) semaphore(%dma_start3A_451 : memref<!tpu.dma_semaphore, #tpu.memory_space<semaphore_mem>>)
    %dma_start3A_452 = arith.constant 6 : i32
    %dma_start3A_453 = arith.constant 6 : i32
    %dma_start3A_454 = arith.constant 1 : i32
    %dma_start3A_455 = arith.constant 0 : i32
    %dma_start3A_456 = arith.constant 0 : i32
    %dma_start3A_457 = tpu.memref_slice %arg6[%dma_start3A_453, %dma_start3A_455, %dma_start3A_456] : memref<8x64x128xf32, #tpu.memory_space<vmem>> -> memref<1x64x128xf32, #tpu.memory_space<vmem>>
    %dma_start3A_458 = tpu.memref_squeeze %dma_start3A_457 : memref<1x64x128xf32, #tpu.memory_space<vmem>> -> memref<64x128xf32, #tpu.memory_space<vmem>>
    %dma_start3A_459 = arith.constant 0 : i32
    %dma_start3A_460 = tpu.memref_slice %arg5[%dma_start3A_452, %dma_start3A_459] : memref<8x64xi32, #tpu.memory_space<vmem>> -> memref<1x64xi32, #tpu.memory_space<vmem>>
    %dma_start3A_461 = tpu.memref_squeeze %dma_start3A_460 : memref<1x64xi32, #tpu.memory_space<vmem>> -> memref<64xi32, #tpu.memory_space<vmem>>
    %dma_start3A_462 = arith.constant 0 : i32
    %dma_start3A_463 = arith.constant 0 : i32
    %dma_start3A_464 = tpu.memref_slice %arg3[%dma_start3A_462, %dma_start3A_463] : memref<1000000x128xf32, #tpu.memory_space<hbm>> -> memref<1000000x128xf32, #tpu.memory_space<hbm>>
    %dma_start3A_465 = tpu.memref_slice %arg8[%dma_start3A_454] : memref<2x!tpu.dma_semaphore, #tpu.memory_space<semaphore_mem>> -> memref<1x!tpu.dma_semaphore, #tpu.memory_space<semaphore_mem>>
    %dma_start3A_466 = tpu.memref_squeeze %dma_start3A_465 : memref<1x!tpu.dma_semaphore, #tpu.memory_space<semaphore_mem>> -> memref<!tpu.dma_semaphore, #tpu.memory_space<semaphore_mem>>
    tpu.enqueue_indirect_dma source(%dma_start3A_464 : memref<1000000x128xf32, #tpu.memory_space<hbm>>) target(%dma_start3A_458 : memref<64x128xf32, #tpu.memory_space<vmem>>) offsets(%dma_start3A_461 : memref<64xi32, #tpu.memory_space<vmem>>) semaphore(%dma_start3A_466 : memref<!tpu.dma_semaphore, #tpu.memory_space<semaphore_mem>>)
    %dma_start3A_467 = arith.constant 7 : i32
    %dma_start3A_468 = arith.constant 7 : i32
    %dma_start3A_469 = arith.constant 1 : i32
    %dma_start3A_470 = arith.constant 0 : i32
    %dma_start3A_471 = arith.constant 0 : i32
    %dma_start3A_472 = tpu.memref_slice %arg6[%dma_start3A_468, %dma_start3A_470, %dma_start3A_471] : memref<8x64x128xf32, #tpu.memory_space<vmem>> -> memref<1x64x128xf32, #tpu.memory_space<vmem>>
    %dma_start3A_473 = tpu.memref_squeeze %dma_start3A_472 : memref<1x64x128xf32, #tpu.memory_space<vmem>> -> memref<64x128xf32, #tpu.memory_space<vmem>>
    %dma_start3A_474 = arith.constant 0 : i32
    %dma_start3A_475 = tpu.memref_slice %arg5[%dma_start3A_467, %dma_start3A_474] : memref<8x64xi32, #tpu.memory_space<vmem>> -> memref<1x64xi32, #tpu.memory_space<vmem>>
    %dma_start3A_476 = tpu.memref_squeeze %dma_start3A_475 : memref<1x64xi32, #tpu.memory_space<vmem>> -> memref<64xi32, #tpu.memory_space<vmem>>
    %dma_start3A_477 = arith.constant 0 : i32
    %dma_start3A_478 = arith.constant 0 : i32
    %dma_start3A_479 = tpu.memref_slice %arg3[%dma_start3A_477, %dma_start3A_478] : memref<1000000x128xf32, #tpu.memory_space<hbm>> -> memref<1000000x128xf32, #tpu.memory_space<hbm>>
    %dma_start3A_480 = tpu.memref_slice %arg8[%dma_start3A_469] : memref<2x!tpu.dma_semaphore, #tpu.memory_space<semaphore_mem>> -> memref<1x!tpu.dma_semaphore, #tpu.memory_space<semaphore_mem>>
    %dma_start3A_481 = tpu.memref_squeeze %dma_start3A_480 : memref<1x!tpu.dma_semaphore, #tpu.memory_space<semaphore_mem>> -> memref<!tpu.dma_semaphore, #tpu.memory_space<semaphore_mem>>
    tpu.enqueue_indirect_dma source(%dma_start3A_479 : memref<1000000x128xf32, #tpu.memory_space<hbm>>) target(%dma_start3A_473 : memref<64x128xf32, #tpu.memory_space<vmem>>) offsets(%dma_start3A_476 : memref<64xi32, #tpu.memory_space<vmem>>) semaphore(%dma_start3A_481 : memref<!tpu.dma_semaphore, #tpu.memory_space<semaphore_mem>>)
    %dma_wait3A_482 = arith.constant 0 : i32
    %dma_wait3A_483 = arith.constant 0 : i32
    %dma_wait3A_484 = arith.constant 0 : i32
    %dma_wait3A_485 = arith.constant 0 : i32
    %dma_wait3A_486 = tpu.memref_slice %arg6[%dma_wait3A_482, %dma_wait3A_484, %dma_wait3A_485] : memref<8x64x128xf32, #tpu.memory_space<vmem>> -> memref<1x64x128xf32, #tpu.memory_space<vmem>>
    %dma_wait3A_487 = tpu.memref_squeeze %dma_wait3A_486 : memref<1x64x128xf32, #tpu.memory_space<vmem>> -> memref<64x128xf32, #tpu.memory_space<vmem>>
    %dma_wait3A_488 = arith.constant 0 : i32
    %dma_wait3A_489 = arith.constant 0 : i32
    %dma_wait3A_490 = tpu.memref_slice %arg3[%dma_wait3A_488, %dma_wait3A_489] : memref<1000000x128xf32, #tpu.memory_space<hbm>> -> memref<64x128xf32, #tpu.memory_space<hbm>>
    %dma_wait3A_491 = tpu.memref_slice %arg8[%dma_wait3A_483] : memref<2x!tpu.dma_semaphore, #tpu.memory_space<semaphore_mem>> -> memref<1x!tpu.dma_semaphore, #tpu.memory_space<semaphore_mem>>
    %dma_wait3A_492 = tpu.memref_squeeze %dma_wait3A_491 : memref<1x!tpu.dma_semaphore, #tpu.memory_space<semaphore_mem>> -> memref<!tpu.dma_semaphore, #tpu.memory_space<semaphore_mem>>
    %dma_wait3A_493 = arith.constant 0 : i32
    %dma_wait3A_494 = arith.constant 0 : i32
    %dma_wait3A_495 = tpu.memref_slice %arg6[%dma_wait3A_482, %dma_wait3A_493, %dma_wait3A_494] : memref<8x64x128xf32, #tpu.memory_space<vmem>> -> memref<1x64x128xf32, #tpu.memory_space<vmem>>
    %dma_wait3A_496 = tpu.memref_squeeze %dma_wait3A_495 : memref<1x64x128xf32, #tpu.memory_space<vmem>> -> memref<64x128xf32, #tpu.memory_space<vmem>>
    %dma_wait3A_497 = arith.constant 0 : i32
    %dma_wait3A_498 = arith.constant 0 : i32
    %dma_wait3A_499 = tpu.memref_slice %arg3[%dma_wait3A_497, %dma_wait3A_498] : memref<1000000x128xf32, #tpu.memory_space<hbm>> -> memref<64x128xf32, #tpu.memory_space<hbm>>
    tpu.wait_dma2 semaphore(%dma_wait3A_492 : memref<!tpu.dma_semaphore, #tpu.memory_space<semaphore_mem>>) src(%dma_wait3A_499 : memref<64x128xf32, #tpu.memory_space<hbm>>) dst(%dma_wait3A_496 : memref<64x128xf32, #tpu.memory_space<vmem>>)
    %dma_wait3A_500 = arith.constant 1 : i32
    %dma_wait3A_501 = arith.constant 0 : i32
    %dma_wait3A_502 = arith.constant 0 : i32
    %dma_wait3A_503 = arith.constant 0 : i32
    %dma_wait3A_504 = tpu.memref_slice %arg6[%dma_wait3A_500, %dma_wait3A_502, %dma_wait3A_503] : memref<8x64x128xf32, #tpu.memory_space<vmem>> -> memref<1x64x128xf32, #tpu.memory_space<vmem>>
    %dma_wait3A_505 = tpu.memref_squeeze %dma_wait3A_504 : memref<1x64x128xf32, #tpu.memory_space<vmem>> -> memref<64x128xf32, #tpu.memory_space<vmem>>
    %dma_wait3A_506 = arith.constant 0 : i32
    %dma_wait3A_507 = arith.constant 0 : i32
    %dma_wait3A_508 = tpu.memref_slice %arg3[%dma_wait3A_506, %dma_wait3A_507] : memref<1000000x128xf32, #tpu.memory_space<hbm>> -> memref<64x128xf32, #tpu.memory_space<hbm>>
    %dma_wait3A_509 = tpu.memref_slice %arg8[%dma_wait3A_501] : memref<2x!tpu.dma_semaphore, #tpu.memory_space<semaphore_mem>> -> memref<1x!tpu.dma_semaphore, #tpu.memory_space<semaphore_mem>>
    %dma_wait3A_510 = tpu.memref_squeeze %dma_wait3A_509 : memref<1x!tpu.dma_semaphore, #tpu.memory_space<semaphore_mem>> -> memref<!tpu.dma_semaphore, #tpu.memory_space<semaphore_mem>>
    %dma_wait3A_511 = arith.constant 0 : i32
    %dma_wait3A_512 = arith.constant 0 : i32
    %dma_wait3A_513 = tpu.memref_slice %arg6[%dma_wait3A_500, %dma_wait3A_511, %dma_wait3A_512] : memref<8x64x128xf32, #tpu.memory_space<vmem>> -> memref<1x64x128xf32, #tpu.memory_space<vmem>>
    %dma_wait3A_514 = tpu.memref_squeeze %dma_wait3A_513 : memref<1x64x128xf32, #tpu.memory_space<vmem>> -> memref<64x128xf32, #tpu.memory_space<vmem>>
    %dma_wait3A_515 = arith.constant 0 : i32
    %dma_wait3A_516 = arith.constant 0 : i32
    %dma_wait3A_517 = tpu.memref_slice %arg3[%dma_wait3A_515, %dma_wait3A_516] : memref<1000000x128xf32, #tpu.memory_space<hbm>> -> memref<64x128xf32, #tpu.memory_space<hbm>>
    tpu.wait_dma2 semaphore(%dma_wait3A_510 : memref<!tpu.dma_semaphore, #tpu.memory_space<semaphore_mem>>) src(%dma_wait3A_517 : memref<64x128xf32, #tpu.memory_space<hbm>>) dst(%dma_wait3A_514 : memref<64x128xf32, #tpu.memory_space<vmem>>)
    %dma_wait3A_518 = arith.constant 2 : i32
    %dma_wait3A_519 = arith.constant 0 : i32
    %dma_wait3A_520 = arith.constant 0 : i32
    %dma_wait3A_521 = arith.constant 0 : i32
    %dma_wait3A_522 = tpu.memref_slice %arg6[%dma_wait3A_518, %dma_wait3A_520, %dma_wait3A_521] : memref<8x64x128xf32, #tpu.memory_space<vmem>> -> memref<1x64x128xf32, #tpu.memory_space<vmem>>
    %dma_wait3A_523 = tpu.memref_squeeze %dma_wait3A_522 : memref<1x64x128xf32, #tpu.memory_space<vmem>> -> memref<64x128xf32, #tpu.memory_space<vmem>>
    %dma_wait3A_524 = arith.constant 0 : i32
    %dma_wait3A_525 = arith.constant 0 : i32
    %dma_wait3A_526 = tpu.memref_slice %arg3[%dma_wait3A_524, %dma_wait3A_525] : memref<1000000x128xf32, #tpu.memory_space<hbm>> -> memref<64x128xf32, #tpu.memory_space<hbm>>
    %dma_wait3A_527 = tpu.memref_slice %arg8[%dma_wait3A_519] : memref<2x!tpu.dma_semaphore, #tpu.memory_space<semaphore_mem>> -> memref<1x!tpu.dma_semaphore, #tpu.memory_space<semaphore_mem>>
    %dma_wait3A_528 = tpu.memref_squeeze %dma_wait3A_527 : memref<1x!tpu.dma_semaphore, #tpu.memory_space<semaphore_mem>> -> memref<!tpu.dma_semaphore, #tpu.memory_space<semaphore_mem>>
    %dma_wait3A_529 = arith.constant 0 : i32
    %dma_wait3A_530 = arith.constant 0 : i32
    %dma_wait3A_531 = tpu.memref_slice %arg6[%dma_wait3A_518, %dma_wait3A_529, %dma_wait3A_530] : memref<8x64x128xf32, #tpu.memory_space<vmem>> -> memref<1x64x128xf32, #tpu.memory_space<vmem>>
    %dma_wait3A_532 = tpu.memref_squeeze %dma_wait3A_531 : memref<1x64x128xf32, #tpu.memory_space<vmem>> -> memref<64x128xf32, #tpu.memory_space<vmem>>
    %dma_wait3A_533 = arith.constant 0 : i32
    %dma_wait3A_534 = arith.constant 0 : i32
    %dma_wait3A_535 = tpu.memref_slice %arg3[%dma_wait3A_533, %dma_wait3A_534] : memref<1000000x128xf32, #tpu.memory_space<hbm>> -> memref<64x128xf32, #tpu.memory_space<hbm>>
    tpu.wait_dma2 semaphore(%dma_wait3A_528 : memref<!tpu.dma_semaphore, #tpu.memory_space<semaphore_mem>>) src(%dma_wait3A_535 : memref<64x128xf32, #tpu.memory_space<hbm>>) dst(%dma_wait3A_532 : memref<64x128xf32, #tpu.memory_space<vmem>>)
    %dma_wait3A_536 = arith.constant 3 : i32
    %dma_wait3A_537 = arith.constant 0 : i32
    %dma_wait3A_538 = arith.constant 0 : i32
    %dma_wait3A_539 = arith.constant 0 : i32
    %dma_wait3A_540 = tpu.memref_slice %arg6[%dma_wait3A_536, %dma_wait3A_538, %dma_wait3A_539] : memref<8x64x128xf32, #tpu.memory_space<vmem>> -> memref<1x64x128xf32, #tpu.memory_space<vmem>>
    %dma_wait3A_541 = tpu.memref_squeeze %dma_wait3A_540 : memref<1x64x128xf32, #tpu.memory_space<vmem>> -> memref<64x128xf32, #tpu.memory_space<vmem>>
    %dma_wait3A_542 = arith.constant 0 : i32
    %dma_wait3A_543 = arith.constant 0 : i32
    %dma_wait3A_544 = tpu.memref_slice %arg3[%dma_wait3A_542, %dma_wait3A_543] : memref<1000000x128xf32, #tpu.memory_space<hbm>> -> memref<64x128xf32, #tpu.memory_space<hbm>>
    %dma_wait3A_545 = tpu.memref_slice %arg8[%dma_wait3A_537] : memref<2x!tpu.dma_semaphore, #tpu.memory_space<semaphore_mem>> -> memref<1x!tpu.dma_semaphore, #tpu.memory_space<semaphore_mem>>
    %dma_wait3A_546 = tpu.memref_squeeze %dma_wait3A_545 : memref<1x!tpu.dma_semaphore, #tpu.memory_space<semaphore_mem>> -> memref<!tpu.dma_semaphore, #tpu.memory_space<semaphore_mem>>
    %dma_wait3A_547 = arith.constant 0 : i32
    %dma_wait3A_548 = arith.constant 0 : i32
    %dma_wait3A_549 = tpu.memref_slice %arg6[%dma_wait3A_536, %dma_wait3A_547, %dma_wait3A_548] : memref<8x64x128xf32, #tpu.memory_space<vmem>> -> memref<1x64x128xf32, #tpu.memory_space<vmem>>
    %dma_wait3A_550 = tpu.memref_squeeze %dma_wait3A_549 : memref<1x64x128xf32, #tpu.memory_space<vmem>> -> memref<64x128xf32, #tpu.memory_space<vmem>>
    %dma_wait3A_551 = arith.constant 0 : i32
    %dma_wait3A_552 = arith.constant 0 : i32
    %dma_wait3A_553 = tpu.memref_slice %arg3[%dma_wait3A_551, %dma_wait3A_552] : memref<1000000x128xf32, #tpu.memory_space<hbm>> -> memref<64x128xf32, #tpu.memory_space<hbm>>
    tpu.wait_dma2 semaphore(%dma_wait3A_546 : memref<!tpu.dma_semaphore, #tpu.memory_space<semaphore_mem>>) src(%dma_wait3A_553 : memref<64x128xf32, #tpu.memory_space<hbm>>) dst(%dma_wait3A_550 : memref<64x128xf32, #tpu.memory_space<vmem>>)
    %scan3A_554 = arith.constant 0 : i32
    %scan3A_555 = arith.constant 0 : i32
    %scan3A_556 = arith.constant 50 : i32
    %scan3A_557 = arith.addi %scan3A_555, %scan3A_556 : i32
    %scan3A_558 = arith.constant 1 : i32
    scf.for %scan3A_710 = %scan3A_555 to %scan3A_557 step %scan3A_558  : i32 {
      %get3A = arith.constant 0 : i32
      %get3A_711 = arith.index_cast %get3A : i32 to index
      %get3A_712 = arith.index_cast %scan3A_710 : i32 to index
      %get3A_713 = arith.constant 0 : index
      %get3A_714 = tpu.vector_load %arg6[%get3A_711, %get3A_712, %get3A_713] {strides = array<i32>} : memref<8x64x128xf32, #tpu.memory_space<vmem>>, vector<1x1x16xf32>,
      %get3A_715 = vector.shape_cast %get3A_714 : vector<1x1x16xf32> to vector<16xf32>
      %swap3A = arith.constant 0 : i32
      %swap3A_716 = arith.index_cast %swap3A : i32 to index
      %swap3A_717 = arith.index_cast %scan3A_710 : i32 to index
      %swap3A_718 = arith.constant 0 : index
      %swap3A_719 = tpu.vector_load %arg7[%swap3A_716, %swap3A_717, %swap3A_718] {strides = array<i32>} : memref<8x50x64xf32, #tpu.memory_space<vmem>>, vector<1x1x16xf32>,
      %swap3A_720 = vector.shape_cast %swap3A_719 : vector<1x1x16xf32> to vector<16xf32>
      %swap3A_721 = vector.shape_cast %get3A_715 : vector<16xf32> to vector<1x1x16xf32>
      tpu.vector_store %arg7[%swap3A_716, %swap3A_717, %swap3A_718], %swap3A_721 {strides = array<i32>} : memref<8x50x64xf32, #tpu.memory_space<vmem>>, vector<1x1x16xf32>,
      %get3A_722 = arith.constant 0 : i32
      %get3A_723 = arith.index_cast %get3A_722 : i32 to index
      %get3A_724 = arith.index_cast %scan3A_710 : i32 to index
      %get3A_725 = arith.constant 16 : index
      %get3A_726 = tpu.vector_load %arg6[%get3A_723, %get3A_724, %get3A_725] {strides = array<i32>} : memref<8x64x128xf32, #tpu.memory_space<vmem>>, vector<1x1x16xf32>,
      %get3A_727 = vector.shape_cast %get3A_726 : vector<1x1x16xf32> to vector<16xf32>
      %swap3A_728 = arith.constant 0 : i32
      %swap3A_729 = arith.index_cast %swap3A_728 : i32 to index
      %swap3A_730 = arith.index_cast %scan3A_710 : i32 to index
      %swap3A_731 = arith.constant 16 : index
      %swap3A_732 = tpu.vector_load %arg7[%swap3A_729, %swap3A_730, %swap3A_731] {strides = array<i32>} : memref<8x50x64xf32, #tpu.memory_space<vmem>>, vector<1x1x16xf32>,
      %swap3A_733 = vector.shape_cast %swap3A_732 : vector<1x1x16xf32> to vector<16xf32>
      %swap3A_734 = vector.shape_cast %get3A_727 : vector<16xf32> to vector<1x1x16xf32>
      tpu.vector_store %arg7[%swap3A_729, %swap3A_730, %swap3A_731], %swap3A_734 {strides = array<i32>} : memref<8x50x64xf32, #tpu.memory_space<vmem>>, vector<1x1x16xf32>,
      %get3A_735 = arith.constant 0 : i32
      %get3A_736 = arith.index_cast %get3A_735 : i32 to index
      %get3A_737 = arith.index_cast %scan3A_710 : i32 to index
      %get3A_738 = arith.constant 32 : index
      %get3A_739 = tpu.vector_load %arg6[%get3A_736, %get3A_737, %get3A_738] {strides = array<i32>} : memref<8x64x128xf32, #tpu.memory_space<vmem>>, vector<1x1x16xf32>,
      %get3A_740 = vector.shape_cast %get3A_739 : vector<1x1x16xf32> to vector<16xf32>
      %swap3A_741 = arith.constant 0 : i32
      %swap3A_742 = arith.index_cast %swap3A_741 : i32 to index
      %swap3A_743 = arith.index_cast %scan3A_710 : i32 to index
      %swap3A_744 = arith.constant 32 : index
      %swap3A_745 = tpu.vector_load %arg7[%swap3A_742, %swap3A_743, %swap3A_744] {strides = array<i32>} : memref<8x50x64xf32, #tpu.memory_space<vmem>>, vector<1x1x16xf32>,
      %swap3A_746 = vector.shape_cast %swap3A_745 : vector<1x1x16xf32> to vector<16xf32>
      %swap3A_747 = vector.shape_cast %get3A_740 : vector<16xf32> to vector<1x1x16xf32>
      tpu.vector_store %arg7[%swap3A_742, %swap3A_743, %swap3A_744], %swap3A_747 {strides = array<i32>} : memref<8x50x64xf32, #tpu.memory_space<vmem>>, vector<1x1x16xf32>,
      %get3A_748 = arith.constant 0 : i32
      %get3A_749 = arith.index_cast %get3A_748 : i32 to index
      %get3A_750 = arith.index_cast %scan3A_710 : i32 to index
      %get3A_751 = arith.constant 48 : index
      %get3A_752 = tpu.vector_load %arg6[%get3A_749, %get3A_750, %get3A_751] {strides = array<i32>} : memref<8x64x128xf32, #tpu.memory_space<vmem>>, vector<1x1x16xf32>,
      %get3A_753 = vector.shape_cast %get3A_752 : vector<1x1x16xf32> to vector<16xf32>
      %swap3A_754 = arith.constant 0 : i32
      %swap3A_755 = arith.index_cast %swap3A_754 : i32 to index
      %swap3A_756 = arith.index_cast %scan3A_710 : i32 to index
      %swap3A_757 = arith.constant 48 : index
      %swap3A_758 = tpu.vector_load %arg7[%swap3A_755, %swap3A_756, %swap3A_757] {strides = array<i32>} : memref<8x50x64xf32, #tpu.memory_space<vmem>>, vector<1x1x16xf32>,
      %swap3A_759 = vector.shape_cast %swap3A_758 : vector<1x1x16xf32> to vector<16xf32>
      %swap3A_760 = vector.shape_cast %get3A_753 : vector<16xf32> to vector<1x1x16xf32>
      tpu.vector_store %arg7[%swap3A_755, %swap3A_756, %swap3A_757], %swap3A_760 {strides = array<i32>} : memref<8x50x64xf32, #tpu.memory_space<vmem>>, vector<1x1x16xf32>,
      %get3A_761 = arith.constant 1 : i32
      %get3A_762 = arith.index_cast %get3A_761 : i32 to index
      %get3A_763 = arith.index_cast %scan3A_710 : i32 to index
      %get3A_764 = arith.constant 0 : index
      %get3A_765 = tpu.vector_load %arg6[%get3A_762, %get3A_763, %get3A_764] {strides = array<i32>} : memref<8x64x128xf32, #tpu.memory_space<vmem>>, vector<1x1x16xf32>,
      %get3A_766 = vector.shape_cast %get3A_765 : vector<1x1x16xf32> to vector<16xf32>
      %swap3A_767 = arith.constant 1 : i32
      %swap3A_768 = arith.index_cast %swap3A_767 : i32 to index
      %swap3A_769 = arith.index_cast %scan3A_710 : i32 to index
      %swap3A_770 = arith.constant 0 : index
      %swap3A_771 = tpu.vector_load %arg7[%swap3A_768, %swap3A_769, %swap3A_770] {strides = array<i32>} : memref<8x50x64xf32, #tpu.memory_space<vmem>>, vector<1x1x16xf32>,
      %swap3A_772 = vector.shape_cast %swap3A_771 : vector<1x1x16xf32> to vector<16xf32>
      %swap3A_773 = vector.shape_cast %get3A_766 : vector<16xf32> to vector<1x1x16xf32>
      tpu.vector_store %arg7[%swap3A_768, %swap3A_769, %swap3A_770], %swap3A_773 {strides = array<i32>} : memref<8x50x64xf32, #tpu.memory_space<vmem>>, vector<1x1x16xf32>,
      %get3A_774 = arith.constant 1 : i32
      %get3A_775 = arith.index_cast %get3A_774 : i32 to index
      %get3A_776 = arith.index_cast %scan3A_710 : i32 to index
      %get3A_777 = arith.constant 16 : index
      %get3A_778 = tpu.vector_load %arg6[%get3A_775, %get3A_776, %get3A_777] {strides = array<i32>} : memref<8x64x128xf32, #tpu.memory_space<vmem>>, vector<1x1x16xf32>,
      %get3A_779 = vector.shape_cast %get3A_778 : vector<1x1x16xf32> to vector<16xf32>
      %swap3A_780 = arith.constant 1 : i32
      %swap3A_781 = arith.index_cast %swap3A_780 : i32 to index
      %swap3A_782 = arith.index_cast %scan3A_710 : i32 to index
      %swap3A_783 = arith.constant 16 : index
      %swap3A_784 = tpu.vector_load %arg7[%swap3A_781, %swap3A_782, %swap3A_783] {strides = array<i32>} : memref<8x50x64xf32, #tpu.memory_space<vmem>>, vector<1x1x16xf32>,
      %swap3A_785 = vector.shape_cast %swap3A_784 : vector<1x1x16xf32> to vector<16xf32>
      %swap3A_786 = vector.shape_cast %get3A_779 : vector<16xf32> to vector<1x1x16xf32>
      tpu.vector_store %arg7[%swap3A_781, %swap3A_782, %swap3A_783], %swap3A_786 {strides = array<i32>} : memref<8x50x64xf32, #tpu.memory_space<vmem>>, vector<1x1x16xf32>,
      %get3A_787 = arith.constant 1 : i32
      %get3A_788 = arith.index_cast %get3A_787 : i32 to index
      %get3A_789 = arith.index_cast %scan3A_710 : i32 to index
      %get3A_790 = arith.constant 32 : index
      %get3A_791 = tpu.vector_load %arg6[%get3A_788, %get3A_789, %get3A_790] {strides = array<i32>} : memref<8x64x128xf32, #tpu.memory_space<vmem>>, vector<1x1x16xf32>,
      %get3A_792 = vector.shape_cast %get3A_791 : vector<1x1x16xf32> to vector<16xf32>
      %swap3A_793 = arith.constant 1 : i32
      %swap3A_794 = arith.index_cast %swap3A_793 : i32 to index
      %swap3A_795 = arith.index_cast %scan3A_710 : i32 to index
      %swap3A_796 = arith.constant 32 : index
      %swap3A_797 = tpu.vector_load %arg7[%swap3A_794, %swap3A_795, %swap3A_796] {strides = array<i32>} : memref<8x50x64xf32, #tpu.memory_space<vmem>>, vector<1x1x16xf32>,
      %swap3A_798 = vector.shape_cast %swap3A_797 : vector<1x1x16xf32> to vector<16xf32>
      %swap3A_799 = vector.shape_cast %get3A_792 : vector<16xf32> to vector<1x1x16xf32>
      tpu.vector_store %arg7[%swap3A_794, %swap3A_795, %swap3A_796], %swap3A_799 {strides = array<i32>} : memref<8x50x64xf32, #tpu.memory_space<vmem>>, vector<1x1x16xf32>,
      %get3A_800 = arith.constant 1 : i32
      %get3A_801 = arith.index_cast %get3A_800 : i32 to index
      %get3A_802 = arith.index_cast %scan3A_710 : i32 to index
      %get3A_803 = arith.constant 48 : index
      %get3A_804 = tpu.vector_load %arg6[%get3A_801, %get3A_802, %get3A_803] {strides = array<i32>} : memref<8x64x128xf32, #tpu.memory_space<vmem>>, vector<1x1x16xf32>,
      %get3A_805 = vector.shape_cast %get3A_804 : vector<1x1x16xf32> to vector<16xf32>
      %swap3A_806 = arith.constant 1 : i32
      %swap3A_807 = arith.index_cast %swap3A_806 : i32 to index
      %swap3A_808 = arith.index_cast %scan3A_710 : i32 to index
      %swap3A_809 = arith.constant 48 : index
      %swap3A_810 = tpu.vector_load %arg7[%swap3A_807, %swap3A_808, %swap3A_809] {strides = array<i32>} : memref<8x50x64xf32, #tpu.memory_space<vmem>>, vector<1x1x16xf32>,
      %swap3A_811 = vector.shape_cast %swap3A_810 : vector<1x1x16xf32> to vector<16xf32>
      %swap3A_812 = vector.shape_cast %get3A_805 : vector<16xf32> to vector<1x1x16xf32>
      tpu.vector_store %arg7[%swap3A_807, %swap3A_808, %swap3A_809], %swap3A_812 {strides = array<i32>} : memref<8x50x64xf32, #tpu.memory_space<vmem>>, vector<1x1x16xf32>,
      %get3A_813 = arith.constant 2 : i32
      %get3A_814 = arith.index_cast %get3A_813 : i32 to index
      %get3A_815 = arith.index_cast %scan3A_710 : i32 to index
      %get3A_816 = arith.constant 0 : index
      %get3A_817 = tpu.vector_load %arg6[%get3A_814, %get3A_815, %get3A_816] {strides = array<i32>} : memref<8x64x128xf32, #tpu.memory_space<vmem>>, vector<1x1x16xf32>,
      %get3A_818 = vector.shape_cast %get3A_817 : vector<1x1x16xf32> to vector<16xf32>
      %swap3A_819 = arith.constant 2 : i32
      %swap3A_820 = arith.index_cast %swap3A_819 : i32 to index
      %swap3A_821 = arith.index_cast %scan3A_710 : i32 to index
      %swap3A_822 = arith.constant 0 : index
      %swap3A_823 = tpu.vector_load %arg7[%swap3A_820, %swap3A_821, %swap3A_822] {strides = array<i32>} : memref<8x50x64xf32, #tpu.memory_space<vmem>>, vector<1x1x16xf32>,
      %swap3A_824 = vector.shape_cast %swap3A_823 : vector<1x1x16xf32> to vector<16xf32>
      %swap3A_825 = vector.shape_cast %get3A_818 : vector<16xf32> to vector<1x1x16xf32>
      tpu.vector_store %arg7[%swap3A_820, %swap3A_821, %swap3A_822], %swap3A_825 {strides = array<i32>} : memref<8x50x64xf32, #tpu.memory_space<vmem>>, vector<1x1x16xf32>,
      %get3A_826 = arith.constant 2 : i32
      %get3A_827 = arith.index_cast %get3A_826 : i32 to index
      %get3A_828 = arith.index_cast %scan3A_710 : i32 to index
      %get3A_829 = arith.constant 16 : index
      %get3A_830 = tpu.vector_load %arg6[%get3A_827, %get3A_828, %get3A_829] {strides = array<i32>} : memref<8x64x128xf32, #tpu.memory_space<vmem>>, vector<1x1x16xf32>,
      %get3A_831 = vector.shape_cast %get3A_830 : vector<1x1x16xf32> to vector<16xf32>
      %swap3A_832 = arith.constant 2 : i32
      %swap3A_833 = arith.index_cast %swap3A_832 : i32 to index
      %swap3A_834 = arith.index_cast %scan3A_710 : i32 to index
      %swap3A_835 = arith.constant 16 : index
      %swap3A_836 = tpu.vector_load %arg7[%swap3A_833, %swap3A_834, %swap3A_835] {strides = array<i32>} : memref<8x50x64xf32, #tpu.memory_space<vmem>>, vector<1x1x16xf32>,
      %swap3A_837 = vector.shape_cast %swap3A_836 : vector<1x1x16xf32> to vector<16xf32>
      %swap3A_838 = vector.shape_cast %get3A_831 : vector<16xf32> to vector<1x1x16xf32>
      tpu.vector_store %arg7[%swap3A_833, %swap3A_834, %swap3A_835], %swap3A_838 {strides = array<i32>} : memref<8x50x64xf32, #tpu.memory_space<vmem>>, vector<1x1x16xf32>,
      %get3A_839 = arith.constant 2 : i32
      %get3A_840 = arith.index_cast %get3A_839 : i32 to index
      %get3A_841 = arith.index_cast %scan3A_710 : i32 to index
      %get3A_842 = arith.constant 32 : index
      %get3A_843 = tpu.vector_load %arg6[%get3A_840, %get3A_841, %get3A_842] {strides = array<i32>} : memref<8x64x128xf32, #tpu.memory_space<vmem>>, vector<1x1x16xf32>,
      %get3A_844 = vector.shape_cast %get3A_843 : vector<1x1x16xf32> to vector<16xf32>
      %swap3A_845 = arith.constant 2 : i32
      %swap3A_846 = arith.index_cast %swap3A_845 : i32 to index
      %swap3A_847 = arith.index_cast %scan3A_710 : i32 to index
      %swap3A_848 = arith.constant 32 : index
      %swap3A_849 = tpu.vector_load %arg7[%swap3A_846, %swap3A_847, %swap3A_848] {strides = array<i32>} : memref<8x50x64xf32, #tpu.memory_space<vmem>>, vector<1x1x16xf32>,
      %swap3A_850 = vector.shape_cast %swap3A_849 : vector<1x1x16xf32> to vector<16xf32>
      %swap3A_851 = vector.shape_cast %get3A_844 : vector<16xf32> to vector<1x1x16xf32>
      tpu.vector_store %arg7[%swap3A_846, %swap3A_847, %swap3A_848], %swap3A_851 {strides = array<i32>} : memref<8x50x64xf32, #tpu.memory_space<vmem>>, vector<1x1x16xf32>,
      %get3A_852 = arith.constant 2 : i32
      %get3A_853 = arith.index_cast %get3A_852 : i32 to index
      %get3A_854 = arith.index_cast %scan3A_710 : i32 to index
      %get3A_855 = arith.constant 48 : index
      %get3A_856 = tpu.vector_load %arg6[%get3A_853, %get3A_854, %get3A_855] {strides = array<i32>} : memref<8x64x128xf32, #tpu.memory_space<vmem>>, vector<1x1x16xf32>,
      %get3A_857 = vector.shape_cast %get3A_856 : vector<1x1x16xf32> to vector<16xf32>
      %swap3A_858 = arith.constant 2 : i32
      %swap3A_859 = arith.index_cast %swap3A_858 : i32 to index
      %swap3A_860 = arith.index_cast %scan3A_710 : i32 to index
      %swap3A_861 = arith.constant 48 : index
      %swap3A_862 = tpu.vector_load %arg7[%swap3A_859, %swap3A_860, %swap3A_861] {strides = array<i32>} : memref<8x50x64xf32, #tpu.memory_space<vmem>>, vector<1x1x16xf32>,
      %swap3A_863 = vector.shape_cast %swap3A_862 : vector<1x1x16xf32> to vector<16xf32>
      %swap3A_864 = vector.shape_cast %get3A_857 : vector<16xf32> to vector<1x1x16xf32>
      tpu.vector_store %arg7[%swap3A_859, %swap3A_860, %swap3A_861], %swap3A_864 {strides = array<i32>} : memref<8x50x64xf32, #tpu.memory_space<vmem>>, vector<1x1x16xf32>,
      %get3A_865 = arith.constant 3 : i32
      %get3A_866 = arith.index_cast %get3A_865 : i32 to index
      %get3A_867 = arith.index_cast %scan3A_710 : i32 to index
      %get3A_868 = arith.constant 0 : index
      %get3A_869 = tpu.vector_load %arg6[%get3A_866, %get3A_867, %get3A_868] {strides = array<i32>} : memref<8x64x128xf32, #tpu.memory_space<vmem>>, vector<1x1x16xf32>,
      %get3A_870 = vector.shape_cast %get3A_869 : vector<1x1x16xf32> to vector<16xf32>
      %swap3A_871 = arith.constant 3 : i32
      %swap3A_872 = arith.index_cast %swap3A_871 : i32 to index
      %swap3A_873 = arith.index_cast %scan3A_710 : i32 to index
      %swap3A_874 = arith.constant 0 : index
      %swap3A_875 = tpu.vector_load %arg7[%swap3A_872, %swap3A_873, %swap3A_874] {strides = array<i32>} : memref<8x50x64xf32, #tpu.memory_space<vmem>>, vector<1x1x16xf32>,
      %swap3A_876 = vector.shape_cast %swap3A_875 : vector<1x1x16xf32> to vector<16xf32>
      %swap3A_877 = vector.shape_cast %get3A_870 : vector<16xf32> to vector<1x1x16xf32>
      tpu.vector_store %arg7[%swap3A_872, %swap3A_873, %swap3A_874], %swap3A_877 {strides = array<i32>} : memref<8x50x64xf32, #tpu.memory_space<vmem>>, vector<1x1x16xf32>,
      %get3A_878 = arith.constant 3 : i32
      %get3A_879 = arith.index_cast %get3A_878 : i32 to index
      %get3A_880 = arith.index_cast %scan3A_710 : i32 to index
      %get3A_881 = arith.constant 16 : index
      %get3A_882 = tpu.vector_load %arg6[%get3A_879, %get3A_880, %get3A_881] {strides = array<i32>} : memref<8x64x128xf32, #tpu.memory_space<vmem>>, vector<1x1x16xf32>,
      %get3A_883 = vector.shape_cast %get3A_882 : vector<1x1x16xf32> to vector<16xf32>
      %swap3A_884 = arith.constant 3 : i32
      %swap3A_885 = arith.index_cast %swap3A_884 : i32 to index
      %swap3A_886 = arith.index_cast %scan3A_710 : i32 to index
      %swap3A_887 = arith.constant 16 : index
      %swap3A_888 = tpu.vector_load %arg7[%swap3A_885, %swap3A_886, %swap3A_887] {strides = array<i32>} : memref<8x50x64xf32, #tpu.memory_space<vmem>>, vector<1x1x16xf32>,
      %swap3A_889 = vector.shape_cast %swap3A_888 : vector<1x1x16xf32> to vector<16xf32>
      %swap3A_890 = vector.shape_cast %get3A_883 : vector<16xf32> to vector<1x1x16xf32>
      tpu.vector_store %arg7[%swap3A_885, %swap3A_886, %swap3A_887], %swap3A_890 {strides = array<i32>} : memref<8x50x64xf32, #tpu.memory_space<vmem>>, vector<1x1x16xf32>,
      %get3A_891 = arith.constant 3 : i32
      %get3A_892 = arith.index_cast %get3A_891 : i32 to index
      %get3A_893 = arith.index_cast %scan3A_710 : i32 to index
      %get3A_894 = arith.constant 32 : index
      %get3A_895 = tpu.vector_load %arg6[%get3A_892, %get3A_893, %get3A_894] {strides = array<i32>} : memref<8x64x128xf32, #tpu.memory_space<vmem>>, vector<1x1x16xf32>,
      %get3A_896 = vector.shape_cast %get3A_895 : vector<1x1x16xf32> to vector<16xf32>
      %swap3A_897 = arith.constant 3 : i32
      %swap3A_898 = arith.index_cast %swap3A_897 : i32 to index
      %swap3A_899 = arith.index_cast %scan3A_710 : i32 to index
      %swap3A_900 = arith.constant 32 : index
      %swap3A_901 = tpu.vector_load %arg7[%swap3A_898, %swap3A_899, %swap3A_900] {strides = array<i32>} : memref<8x50x64xf32, #tpu.memory_space<vmem>>, vector<1x1x16xf32>,
      %swap3A_902 = vector.shape_cast %swap3A_901 : vector<1x1x16xf32> to vector<16xf32>
      %swap3A_903 = vector.shape_cast %get3A_896 : vector<16xf32> to vector<1x1x16xf32>
      tpu.vector_store %arg7[%swap3A_898, %swap3A_899, %swap3A_900], %swap3A_903 {strides = array<i32>} : memref<8x50x64xf32, #tpu.memory_space<vmem>>, vector<1x1x16xf32>,
      %get3A_904 = arith.constant 3 : i32
      %get3A_905 = arith.index_cast %get3A_904 : i32 to index
      %get3A_906 = arith.index_cast %scan3A_710 : i32 to index
      %get3A_907 = arith.constant 48 : index
      %get3A_908 = tpu.vector_load %arg6[%get3A_905, %get3A_906, %get3A_907] {strides = array<i32>} : memref<8x64x128xf32, #tpu.memory_space<vmem>>, vector<1x1x16xf32>,
      %get3A_909 = vector.shape_cast %get3A_908 : vector<1x1x16xf32> to vector<16xf32>
      %swap3A_910 = arith.constant 3 : i32
      %swap3A_911 = arith.index_cast %swap3A_910 : i32 to index
      %swap3A_912 = arith.index_cast %scan3A_710 : i32 to index
      %swap3A_913 = arith.constant 48 : index
      %swap3A_914 = tpu.vector_load %arg7[%swap3A_911, %swap3A_912, %swap3A_913] {strides = array<i32>} : memref<8x50x64xf32, #tpu.memory_space<vmem>>, vector<1x1x16xf32>,
      %swap3A_915 = vector.shape_cast %swap3A_914 : vector<1x1x16xf32> to vector<16xf32>
      %swap3A_916 = vector.shape_cast %get3A_909 : vector<16xf32> to vector<1x1x16xf32>
      tpu.vector_store %arg7[%swap3A_911, %swap3A_912, %swap3A_913], %swap3A_916 {strides = array<i32>} : memref<8x50x64xf32, #tpu.memory_space<vmem>>, vector<1x1x16xf32>,
    }
    %scan3A_559 = arith.constant 50 : i32
    %add3A_560 = arith.constant 504 : i32
    %add3A_561 = arith.addi %mul3A_2, %add3A_560 : i32
    %dma_start3A_562 = arith.constant 0 : i32
    %dma_start3A_563 = arith.constant 0 : i32
    %dma_start3A_564 = arith.constant 0 : i32
    %dma_start3A_565 = arith.constant 0 : i32
    %dma_start3A_566 = tpu.memref_slice %arg7[%dma_start3A_563, %dma_start3A_564, %dma_start3A_565] : memref<8x50x64xf32, #tpu.memory_space<vmem>> -> memref<4x50x64xf32, #tpu.memory_space<vmem>>
    %dma_start3A_567 = arith.constant 0 : i32
    %dma_start3A_568 = arith.constant 0 : i32
    %dma_start3A_569 = tpu.memref_slice %arg4[%add3A_561, %dma_start3A_567, %dma_start3A_568] : memref<16384x50x64xf32, #tpu.memory_space<hbm>> -> memref<4x50x64xf32, #tpu.memory_space<hbm>>
    %dma_start3A_570 = tpu.memref_slice %arg9[%dma_start3A_562] : memref<2x!tpu.dma_semaphore, #tpu.memory_space<semaphore_mem>> -> memref<1x!tpu.dma_semaphore, #tpu.memory_space<semaphore_mem>>
    %dma_start3A_571 = tpu.memref_squeeze %dma_start3A_570 : memref<1x!tpu.dma_semaphore, #tpu.memory_space<semaphore_mem>> -> memref<!tpu.dma_semaphore, #tpu.memory_space<semaphore_mem>>
    %dma_start3A_572 = arith.constant 0 : i32
    %dma_start3A_573 = arith.constant 0 : i32
    %dma_start3A_574 = tpu.memref_slice %arg4[%add3A_561, %dma_start3A_572, %dma_start3A_573] : memref<16384x50x64xf32, #tpu.memory_space<hbm>> -> memref<4x50x64xf32, #tpu.memory_space<hbm>>
    %dma_start3A_575 = arith.constant 0 : i32
    %dma_start3A_576 = arith.constant 0 : i32
    %dma_start3A_577 = arith.constant 0 : i32
    %dma_start3A_578 = tpu.memref_slice %arg7[%dma_start3A_575, %dma_start3A_576, %dma_start3A_577] : memref<8x50x64xf32, #tpu.memory_space<vmem>> -> memref<4x50x64xf32, #tpu.memory_space<vmem>>
    tpu.enqueue_dma source(%dma_start3A_578 : memref<4x50x64xf32, #tpu.memory_space<vmem>>) target(%dma_start3A_574 : memref<4x50x64xf32, #tpu.memory_space<hbm>>) target_semaphore(%dma_start3A_571 : memref<!tpu.dma_semaphore, #tpu.memory_space<semaphore_mem>>)
    %dma_wait3A_579 = arith.constant 4 : i32
    %dma_wait3A_580 = arith.constant 1 : i32
    %dma_wait3A_581 = arith.constant 0 : i32
    %dma_wait3A_582 = arith.constant 0 : i32
    %dma_wait3A_583 = tpu.memref_slice %arg6[%dma_wait3A_579, %dma_wait3A_581, %dma_wait3A_582] : memref<8x64x128xf32, #tpu.memory_space<vmem>> -> memref<1x64x128xf32, #tpu.memory_space<vmem>>
    %dma_wait3A_584 = tpu.memref_squeeze %dma_wait3A_583 : memref<1x64x128xf32, #tpu.memory_space<vmem>> -> memref<64x128xf32, #tpu.memory_space<vmem>>
    %dma_wait3A_585 = arith.constant 0 : i32
    %dma_wait3A_586 = arith.constant 0 : i32
    %dma_wait3A_587 = tpu.memref_slice %arg3[%dma_wait3A_585, %dma_wait3A_586] : memref<1000000x128xf32, #tpu.memory_space<hbm>> -> memref<64x128xf32, #tpu.memory_space<hbm>>
    %dma_wait3A_588 = tpu.memref_slice %arg8[%dma_wait3A_580] : memref<2x!tpu.dma_semaphore, #tpu.memory_space<semaphore_mem>> -> memref<1x!tpu.dma_semaphore, #tpu.memory_space<semaphore_mem>>
    %dma_wait3A_589 = tpu.memref_squeeze %dma_wait3A_588 : memref<1x!tpu.dma_semaphore, #tpu.memory_space<semaphore_mem>> -> memref<!tpu.dma_semaphore, #tpu.memory_space<semaphore_mem>>
    %dma_wait3A_590 = arith.constant 0 : i32
    %dma_wait3A_591 = arith.constant 0 : i32
    %dma_wait3A_592 = tpu.memref_slice %arg6[%dma_wait3A_579, %dma_wait3A_590, %dma_wait3A_591] : memref<8x64x128xf32, #tpu.memory_space<vmem>> -> memref<1x64x128xf32, #tpu.memory_space<vmem>>
    %dma_wait3A_593 = tpu.memref_squeeze %dma_wait3A_592 : memref<1x64x128xf32, #tpu.memory_space<vmem>> -> memref<64x128xf32, #tpu.memory_space<vmem>>
    %dma_wait3A_594 = arith.constant 0 : i32
    %dma_wait3A_595 = arith.constant 0 : i32
    %dma_wait3A_596 = tpu.memref_slice %arg3[%dma_wait3A_594, %dma_wait3A_595] : memref<1000000x128xf32, #tpu.memory_space<hbm>> -> memref<64x128xf32, #tpu.memory_space<hbm>>
    tpu.wait_dma2 semaphore(%dma_wait3A_589 : memref<!tpu.dma_semaphore, #tpu.memory_space<semaphore_mem>>) src(%dma_wait3A_596 : memref<64x128xf32, #tpu.memory_space<hbm>>) dst(%dma_wait3A_593 : memref<64x128xf32, #tpu.memory_space<vmem>>)
    %dma_wait3A_597 = arith.constant 5 : i32
    %dma_wait3A_598 = arith.constant 1 : i32
    %dma_wait3A_599 = arith.constant 0 : i32
    %dma_wait3A_600 = arith.constant 0 : i32
    %dma_wait3A_601 = tpu.memref_slice %arg6[%dma_wait3A_597, %dma_wait3A_599, %dma_wait3A_600] : memref<8x64x128xf32, #tpu.memory_space<vmem>> -> memref<1x64x128xf32, #tpu.memory_space<vmem>>
    %dma_wait3A_602 = tpu.memref_squeeze %dma_wait3A_601 : memref<1x64x128xf32, #tpu.memory_space<vmem>> -> memref<64x128xf32, #tpu.memory_space<vmem>>
    %dma_wait3A_603 = arith.constant 0 : i32
    %dma_wait3A_604 = arith.constant 0 : i32
    %dma_wait3A_605 = tpu.memref_slice %arg3[%dma_wait3A_603, %dma_wait3A_604] : memref<1000000x128xf32, #tpu.memory_space<hbm>> -> memref<64x128xf32, #tpu.memory_space<hbm>>
    %dma_wait3A_606 = tpu.memref_slice %arg8[%dma_wait3A_598] : memref<2x!tpu.dma_semaphore, #tpu.memory_space<semaphore_mem>> -> memref<1x!tpu.dma_semaphore, #tpu.memory_space<semaphore_mem>>
    %dma_wait3A_607 = tpu.memref_squeeze %dma_wait3A_606 : memref<1x!tpu.dma_semaphore, #tpu.memory_space<semaphore_mem>> -> memref<!tpu.dma_semaphore, #tpu.memory_space<semaphore_mem>>
    %dma_wait3A_608 = arith.constant 0 : i32
    %dma_wait3A_609 = arith.constant 0 : i32
    %dma_wait3A_610 = tpu.memref_slice %arg6[%dma_wait3A_597, %dma_wait3A_608, %dma_wait3A_609] : memref<8x64x128xf32, #tpu.memory_space<vmem>> -> memref<1x64x128xf32, #tpu.memory_space<vmem>>
    %dma_wait3A_611 = tpu.memref_squeeze %dma_wait3A_610 : memref<1x64x128xf32, #tpu.memory_space<vmem>> -> memref<64x128xf32, #tpu.memory_space<vmem>>
    %dma_wait3A_612 = arith.constant 0 : i32
    %dma_wait3A_613 = arith.constant 0 : i32
    %dma_wait3A_614 = tpu.memref_slice %arg3[%dma_wait3A_612, %dma_wait3A_613] : memref<1000000x128xf32, #tpu.memory_space<hbm>> -> memref<64x128xf32, #tpu.memory_space<hbm>>
    tpu.wait_dma2 semaphore(%dma_wait3A_607 : memref<!tpu.dma_semaphore, #tpu.memory_space<semaphore_mem>>) src(%dma_wait3A_614 : memref<64x128xf32, #tpu.memory_space<hbm>>) dst(%dma_wait3A_611 : memref<64x128xf32, #tpu.memory_space<vmem>>)
    %dma_wait3A_615 = arith.constant 6 : i32
    %dma_wait3A_616 = arith.constant 1 : i32
    %dma_wait3A_617 = arith.constant 0 : i32
    %dma_wait3A_618 = arith.constant 0 : i32
    %dma_wait3A_619 = tpu.memref_slice %arg6[%dma_wait3A_615, %dma_wait3A_617, %dma_wait3A_618] : memref<8x64x128xf32, #tpu.memory_space<vmem>> -> memref<1x64x128xf32, #tpu.memory_space<vmem>>
    %dma_wait3A_620 = tpu.memref_squeeze %dma_wait3A_619 : memref<1x64x128xf32, #tpu.memory_space<vmem>> -> memref<64x128xf32, #tpu.memory_space<vmem>>
    %dma_wait3A_621 = arith.constant 0 : i32
    %dma_wait3A_622 = arith.constant 0 : i32
    %dma_wait3A_623 = tpu.memref_slice %arg3[%dma_wait3A_621, %dma_wait3A_622] : memref<1000000x128xf32, #tpu.memory_space<hbm>> -> memref<64x128xf32, #tpu.memory_space<hbm>>
    %dma_wait3A_624 = tpu.memref_slice %arg8[%dma_wait3A_616] : memref<2x!tpu.dma_semaphore, #tpu.memory_space<semaphore_mem>> -> memref<1x!tpu.dma_semaphore, #tpu.memory_space<semaphore_mem>>
    %dma_wait3A_625 = tpu.memref_squeeze %dma_wait3A_624 : memref<1x!tpu.dma_semaphore, #tpu.memory_space<semaphore_mem>> -> memref<!tpu.dma_semaphore, #tpu.memory_space<semaphore_mem>>
    %dma_wait3A_626 = arith.constant 0 : i32
    %dma_wait3A_627 = arith.constant 0 : i32
    %dma_wait3A_628 = tpu.memref_slice %arg6[%dma_wait3A_615, %dma_wait3A_626, %dma_wait3A_627] : memref<8x64x128xf32, #tpu.memory_space<vmem>> -> memref<1x64x128xf32, #tpu.memory_space<vmem>>
    %dma_wait3A_629 = tpu.memref_squeeze %dma_wait3A_628 : memref<1x64x128xf32, #tpu.memory_space<vmem>> -> memref<64x128xf32, #tpu.memory_space<vmem>>
    %dma_wait3A_630 = arith.constant 0 : i32
    %dma_wait3A_631 = arith.constant 0 : i32
    %dma_wait3A_632 = tpu.memref_slice %arg3[%dma_wait3A_630, %dma_wait3A_631] : memref<1000000x128xf32, #tpu.memory_space<hbm>> -> memref<64x128xf32, #tpu.memory_space<hbm>>
    tpu.wait_dma2 semaphore(%dma_wait3A_625 : memref<!tpu.dma_semaphore, #tpu.memory_space<semaphore_mem>>) src(%dma_wait3A_632 : memref<64x128xf32, #tpu.memory_space<hbm>>) dst(%dma_wait3A_629 : memref<64x128xf32, #tpu.memory_space<vmem>>)
    %dma_wait3A_633 = arith.constant 7 : i32
    %dma_wait3A_634 = arith.constant 1 : i32
    %dma_wait3A_635 = arith.constant 0 : i32
    %dma_wait3A_636 = arith.constant 0 : i32
    %dma_wait3A_637 = tpu.memref_slice %arg6[%dma_wait3A_633, %dma_wait3A_635, %dma_wait3A_636] : memref<8x64x128xf32, #tpu.memory_space<vmem>> -> memref<1x64x128xf32, #tpu.memory_space<vmem>>
    %dma_wait3A_638 = tpu.memref_squeeze %dma_wait3A_637 : memref<1x64x128xf32, #tpu.memory_space<vmem>> -> memref<64x128xf32, #tpu.memory_space<vmem>>
    %dma_wait3A_639 = arith.constant 0 : i32
    %dma_wait3A_640 = arith.constant 0 : i32
    %dma_wait3A_641 = tpu.memref_slice %arg3[%dma_wait3A_639, %dma_wait3A_640] : memref<1000000x128xf32, #tpu.memory_space<hbm>> -> memref<64x128xf32, #tpu.memory_space<hbm>>
    %dma_wait3A_642 = tpu.memref_slice %arg8[%dma_wait3A_634] : memref<2x!tpu.dma_semaphore, #tpu.memory_space<semaphore_mem>> -> memref<1x!tpu.dma_semaphore, #tpu.memory_space<semaphore_mem>>
    %dma_wait3A_643 = tpu.memref_squeeze %dma_wait3A_642 : memref<1x!tpu.dma_semaphore, #tpu.memory_space<semaphore_mem>> -> memref<!tpu.dma_semaphore, #tpu.memory_space<semaphore_mem>>
    %dma_wait3A_644 = arith.constant 0 : i32
    %dma_wait3A_645 = arith.constant 0 : i32
    %dma_wait3A_646 = tpu.memref_slice %arg6[%dma_wait3A_633, %dma_wait3A_644, %dma_wait3A_645] : memref<8x64x128xf32, #tpu.memory_space<vmem>> -> memref<1x64x128xf32, #tpu.memory_space<vmem>>
    %dma_wait3A_647 = tpu.memref_squeeze %dma_wait3A_646 : memref<1x64x128xf32, #tpu.memory_space<vmem>> -> memref<64x128xf32, #tpu.memory_space<vmem>>
    %dma_wait3A_648 = arith.constant 0 : i32
    %dma_wait3A_649 = arith.constant 0 : i32
    %dma_wait3A_650 = tpu.memref_slice %arg3[%dma_wait3A_648, %dma_wait3A_649] : memref<1000000x128xf32, #tpu.memory_space<hbm>> -> memref<64x128xf32, #tpu.memory_space<hbm>>
    tpu.wait_dma2 semaphore(%dma_wait3A_643 : memref<!tpu.dma_semaphore, #tpu.memory_space<semaphore_mem>>) src(%dma_wait3A_650 : memref<64x128xf32, #tpu.memory_space<hbm>>) dst(%dma_wait3A_647 : memref<64x128xf32, #tpu.memory_space<vmem>>)
    %scan3A_651 = arith.constant 0 : i32
    %scan3A_652 = arith.constant 0 : i32
    %scan3A_653 = arith.constant 50 : i32
    %scan3A_654 = arith.addi %scan3A_652, %scan3A_653 : i32
    %scan3A_655 = arith.constant 1 : i32
    scf.for %scan3A_710 = %scan3A_652 to %scan3A_654 step %scan3A_655  : i32 {
      %get3A = arith.constant 4 : i32
      %get3A_711 = arith.index_cast %get3A : i32 to index
      %get3A_712 = arith.index_cast %scan3A_710 : i32 to index
      %get3A_713 = arith.constant 0 : index
      %get3A_714 = tpu.vector_load %arg6[%get3A_711, %get3A_712, %get3A_713] {strides = array<i32>} : memref<8x64x128xf32, #tpu.memory_space<vmem>>, vector<1x1x16xf32>,
      %get3A_715 = vector.shape_cast %get3A_714 : vector<1x1x16xf32> to vector<16xf32>
      %swap3A = arith.constant 4 : i32
      %swap3A_716 = arith.index_cast %swap3A : i32 to index
      %swap3A_717 = arith.index_cast %scan3A_710 : i32 to index
      %swap3A_718 = arith.constant 0 : index
      %swap3A_719 = tpu.vector_load %arg7[%swap3A_716, %swap3A_717, %swap3A_718] {strides = array<i32>} : memref<8x50x64xf32, #tpu.memory_space<vmem>>, vector<1x1x16xf32>,
      %swap3A_720 = vector.shape_cast %swap3A_719 : vector<1x1x16xf32> to vector<16xf32>
      %swap3A_721 = vector.shape_cast %get3A_715 : vector<16xf32> to vector<1x1x16xf32>
      tpu.vector_store %arg7[%swap3A_716, %swap3A_717, %swap3A_718], %swap3A_721 {strides = array<i32>} : memref<8x50x64xf32, #tpu.memory_space<vmem>>, vector<1x1x16xf32>,
      %get3A_722 = arith.constant 4 : i32
      %get3A_723 = arith.index_cast %get3A_722 : i32 to index
      %get3A_724 = arith.index_cast %scan3A_710 : i32 to index
      %get3A_725 = arith.constant 16 : index
      %get3A_726 = tpu.vector_load %arg6[%get3A_723, %get3A_724, %get3A_725] {strides = array<i32>} : memref<8x64x128xf32, #tpu.memory_space<vmem>>, vector<1x1x16xf32>,
      %get3A_727 = vector.shape_cast %get3A_726 : vector<1x1x16xf32> to vector<16xf32>
      %swap3A_728 = arith.constant 4 : i32
      %swap3A_729 = arith.index_cast %swap3A_728 : i32 to index
      %swap3A_730 = arith.index_cast %scan3A_710 : i32 to index
      %swap3A_731 = arith.constant 16 : index
      %swap3A_732 = tpu.vector_load %arg7[%swap3A_729, %swap3A_730, %swap3A_731] {strides = array<i32>} : memref<8x50x64xf32, #tpu.memory_space<vmem>>, vector<1x1x16xf32>,
      %swap3A_733 = vector.shape_cast %swap3A_732 : vector<1x1x16xf32> to vector<16xf32>
      %swap3A_734 = vector.shape_cast %get3A_727 : vector<16xf32> to vector<1x1x16xf32>
      tpu.vector_store %arg7[%swap3A_729, %swap3A_730, %swap3A_731], %swap3A_734 {strides = array<i32>} : memref<8x50x64xf32, #tpu.memory_space<vmem>>, vector<1x1x16xf32>,
      %get3A_735 = arith.constant 4 : i32
      %get3A_736 = arith.index_cast %get3A_735 : i32 to index
      %get3A_737 = arith.index_cast %scan3A_710 : i32 to index
      %get3A_738 = arith.constant 32 : index
      %get3A_739 = tpu.vector_load %arg6[%get3A_736, %get3A_737, %get3A_738] {strides = array<i32>} : memref<8x64x128xf32, #tpu.memory_space<vmem>>, vector<1x1x16xf32>,
      %get3A_740 = vector.shape_cast %get3A_739 : vector<1x1x16xf32> to vector<16xf32>
      %swap3A_741 = arith.constant 4 : i32
      %swap3A_742 = arith.index_cast %swap3A_741 : i32 to index
      %swap3A_743 = arith.index_cast %scan3A_710 : i32 to index
      %swap3A_744 = arith.constant 32 : index
      %swap3A_745 = tpu.vector_load %arg7[%swap3A_742, %swap3A_743, %swap3A_744] {strides = array<i32>} : memref<8x50x64xf32, #tpu.memory_space<vmem>>, vector<1x1x16xf32>,
      %swap3A_746 = vector.shape_cast %swap3A_745 : vector<1x1x16xf32> to vector<16xf32>
      %swap3A_747 = vector.shape_cast %get3A_740 : vector<16xf32> to vector<1x1x16xf32>
      tpu.vector_store %arg7[%swap3A_742, %swap3A_743, %swap3A_744], %swap3A_747 {strides = array<i32>} : memref<8x50x64xf32, #tpu.memory_space<vmem>>, vector<1x1x16xf32>,
      %get3A_748 = arith.constant 4 : i32
      %get3A_749 = arith.index_cast %get3A_748 : i32 to index
      %get3A_750 = arith.index_cast %scan3A_710 : i32 to index
      %get3A_751 = arith.constant 48 : index
      %get3A_752 = tpu.vector_load %arg6[%get3A_749, %get3A_750, %get3A_751] {strides = array<i32>} : memref<8x64x128xf32, #tpu.memory_space<vmem>>, vector<1x1x16xf32>,
      %get3A_753 = vector.shape_cast %get3A_752 : vector<1x1x16xf32> to vector<16xf32>
      %swap3A_754 = arith.constant 4 : i32
      %swap3A_755 = arith.index_cast %swap3A_754 : i32 to index
      %swap3A_756 = arith.index_cast %scan3A_710 : i32 to index
      %swap3A_757 = arith.constant 48 : index
      %swap3A_758 = tpu.vector_load %arg7[%swap3A_755, %swap3A_756, %swap3A_757] {strides = array<i32>} : memref<8x50x64xf32, #tpu.memory_space<vmem>>, vector<1x1x16xf32>,
      %swap3A_759 = vector.shape_cast %swap3A_758 : vector<1x1x16xf32> to vector<16xf32>
      %swap3A_760 = vector.shape_cast %get3A_753 : vector<16xf32> to vector<1x1x16xf32>
      tpu.vector_store %arg7[%swap3A_755, %swap3A_756, %swap3A_757], %swap3A_760 {strides = array<i32>} : memref<8x50x64xf32, #tpu.memory_space<vmem>>, vector<1x1x16xf32>,
      %get3A_761 = arith.constant 5 : i32
      %get3A_762 = arith.index_cast %get3A_761 : i32 to index
      %get3A_763 = arith.index_cast %scan3A_710 : i32 to index
      %get3A_764 = arith.constant 0 : index
      %get3A_765 = tpu.vector_load %arg6[%get3A_762, %get3A_763, %get3A_764] {strides = array<i32>} : memref<8x64x128xf32, #tpu.memory_space<vmem>>, vector<1x1x16xf32>,
      %get3A_766 = vector.shape_cast %get3A_765 : vector<1x1x16xf32> to vector<16xf32>
      %swap3A_767 = arith.constant 5 : i32
      %swap3A_768 = arith.index_cast %swap3A_767 : i32 to index
      %swap3A_769 = arith.index_cast %scan3A_710 : i32 to index
      %swap3A_770 = arith.constant 0 : index
      %swap3A_771 = tpu.vector_load %arg7[%swap3A_768, %swap3A_769, %swap3A_770] {strides = array<i32>} : memref<8x50x64xf32, #tpu.memory_space<vmem>>, vector<1x1x16xf32>,
      %swap3A_772 = vector.shape_cast %swap3A_771 : vector<1x1x16xf32> to vector<16xf32>
      %swap3A_773 = vector.shape_cast %get3A_766 : vector<16xf32> to vector<1x1x16xf32>
      tpu.vector_store %arg7[%swap3A_768, %swap3A_769, %swap3A_770], %swap3A_773 {strides = array<i32>} : memref<8x50x64xf32, #tpu.memory_space<vmem>>, vector<1x1x16xf32>,
      %get3A_774 = arith.constant 5 : i32
      %get3A_775 = arith.index_cast %get3A_774 : i32 to index
      %get3A_776 = arith.index_cast %scan3A_710 : i32 to index
      %get3A_777 = arith.constant 16 : index
      %get3A_778 = tpu.vector_load %arg6[%get3A_775, %get3A_776, %get3A_777] {strides = array<i32>} : memref<8x64x128xf32, #tpu.memory_space<vmem>>, vector<1x1x16xf32>,
      %get3A_779 = vector.shape_cast %get3A_778 : vector<1x1x16xf32> to vector<16xf32>
      %swap3A_780 = arith.constant 5 : i32
      %swap3A_781 = arith.index_cast %swap3A_780 : i32 to index
      %swap3A_782 = arith.index_cast %scan3A_710 : i32 to index
      %swap3A_783 = arith.constant 16 : index
      %swap3A_784 = tpu.vector_load %arg7[%swap3A_781, %swap3A_782, %swap3A_783] {strides = array<i32>} : memref<8x50x64xf32, #tpu.memory_space<vmem>>, vector<1x1x16xf32>,
      %swap3A_785 = vector.shape_cast %swap3A_784 : vector<1x1x16xf32> to vector<16xf32>
      %swap3A_786 = vector.shape_cast %get3A_779 : vector<16xf32> to vector<1x1x16xf32>
      tpu.vector_store %arg7[%swap3A_781, %swap3A_782, %swap3A_783], %swap3A_786 {strides = array<i32>} : memref<8x50x64xf32, #tpu.memory_space<vmem>>, vector<1x1x16xf32>,
      %get3A_787 = arith.constant 5 : i32
      %get3A_788 = arith.index_cast %get3A_787 : i32 to index
      %get3A_789 = arith.index_cast %scan3A_710 : i32 to index
      %get3A_790 = arith.constant 32 : index
      %get3A_791 = tpu.vector_load %arg6[%get3A_788, %get3A_789, %get3A_790] {strides = array<i32>} : memref<8x64x128xf32, #tpu.memory_space<vmem>>, vector<1x1x16xf32>,
      %get3A_792 = vector.shape_cast %get3A_791 : vector<1x1x16xf32> to vector<16xf32>
      %swap3A_793 = arith.constant 5 : i32
      %swap3A_794 = arith.index_cast %swap3A_793 : i32 to index
      %swap3A_795 = arith.index_cast %scan3A_710 : i32 to index
      %swap3A_796 = arith.constant 32 : index
      %swap3A_797 = tpu.vector_load %arg7[%swap3A_794, %swap3A_795, %swap3A_796] {strides = array<i32>} : memref<8x50x64xf32, #tpu.memory_space<vmem>>, vector<1x1x16xf32>,
      %swap3A_798 = vector.shape_cast %swap3A_797 : vector<1x1x16xf32> to vector<16xf32>
      %swap3A_799 = vector.shape_cast %get3A_792 : vector<16xf32> to vector<1x1x16xf32>
      tpu.vector_store %arg7[%swap3A_794, %swap3A_795, %swap3A_796], %swap3A_799 {strides = array<i32>} : memref<8x50x64xf32, #tpu.memory_space<vmem>>, vector<1x1x16xf32>,
      %get3A_800 = arith.constant 5 : i32
      %get3A_801 = arith.index_cast %get3A_800 : i32 to index
      %get3A_802 = arith.index_cast %scan3A_710 : i32 to index
      %get3A_803 = arith.constant 48 : index
      %get3A_804 = tpu.vector_load %arg6[%get3A_801, %get3A_802, %get3A_803] {strides = array<i32>} : memref<8x64x128xf32, #tpu.memory_space<vmem>>, vector<1x1x16xf32>,
      %get3A_805 = vector.shape_cast %get3A_804 : vector<1x1x16xf32> to vector<16xf32>
      %swap3A_806 = arith.constant 5 : i32
      %swap3A_807 = arith.index_cast %swap3A_806 : i32 to index
      %swap3A_808 = arith.index_cast %scan3A_710 : i32 to index
      %swap3A_809 = arith.constant 48 : index
      %swap3A_810 = tpu.vector_load %arg7[%swap3A_807, %swap3A_808, %swap3A_809] {strides = array<i32>} : memref<8x50x64xf32, #tpu.memory_space<vmem>>, vector<1x1x16xf32>,
      %swap3A_811 = vector.shape_cast %swap3A_810 : vector<1x1x16xf32> to vector<16xf32>
      %swap3A_812 = vector.shape_cast %get3A_805 : vector<16xf32> to vector<1x1x16xf32>
      tpu.vector_store %arg7[%swap3A_807, %swap3A_808, %swap3A_809], %swap3A_812 {strides = array<i32>} : memref<8x50x64xf32, #tpu.memory_space<vmem>>, vector<1x1x16xf32>,
      %get3A_813 = arith.constant 6 : i32
      %get3A_814 = arith.index_cast %get3A_813 : i32 to index
      %get3A_815 = arith.index_cast %scan3A_710 : i32 to index
      %get3A_816 = arith.constant 0 : index
      %get3A_817 = tpu.vector_load %arg6[%get3A_814, %get3A_815, %get3A_816] {strides = array<i32>} : memref<8x64x128xf32, #tpu.memory_space<vmem>>, vector<1x1x16xf32>,
      %get3A_818 = vector.shape_cast %get3A_817 : vector<1x1x16xf32> to vector<16xf32>
      %swap3A_819 = arith.constant 6 : i32
      %swap3A_820 = arith.index_cast %swap3A_819 : i32 to index
      %swap3A_821 = arith.index_cast %scan3A_710 : i32 to index
      %swap3A_822 = arith.constant 0 : index
      %swap3A_823 = tpu.vector_load %arg7[%swap3A_820, %swap3A_821, %swap3A_822] {strides = array<i32>} : memref<8x50x64xf32, #tpu.memory_space<vmem>>, vector<1x1x16xf32>,
      %swap3A_824 = vector.shape_cast %swap3A_823 : vector<1x1x16xf32> to vector<16xf32>
      %swap3A_825 = vector.shape_cast %get3A_818 : vector<16xf32> to vector<1x1x16xf32>
      tpu.vector_store %arg7[%swap3A_820, %swap3A_821, %swap3A_822], %swap3A_825 {strides = array<i32>} : memref<8x50x64xf32, #tpu.memory_space<vmem>>, vector<1x1x16xf32>,
      %get3A_826 = arith.constant 6 : i32
      %get3A_827 = arith.index_cast %get3A_826 : i32 to index
      %get3A_828 = arith.index_cast %scan3A_710 : i32 to index
      %get3A_829 = arith.constant 16 : index
      %get3A_830 = tpu.vector_load %arg6[%get3A_827, %get3A_828, %get3A_829] {strides = array<i32>} : memref<8x64x128xf32, #tpu.memory_space<vmem>>, vector<1x1x16xf32>,
      %get3A_831 = vector.shape_cast %get3A_830 : vector<1x1x16xf32> to vector<16xf32>
      %swap3A_832 = arith.constant 6 : i32
      %swap3A_833 = arith.index_cast %swap3A_832 : i32 to index
      %swap3A_834 = arith.index_cast %scan3A_710 : i32 to index
      %swap3A_835 = arith.constant 16 : index
      %swap3A_836 = tpu.vector_load %arg7[%swap3A_833, %swap3A_834, %swap3A_835] {strides = array<i32>} : memref<8x50x64xf32, #tpu.memory_space<vmem>>, vector<1x1x16xf32>,
      %swap3A_837 = vector.shape_cast %swap3A_836 : vector<1x1x16xf32> to vector<16xf32>
      %swap3A_838 = vector.shape_cast %get3A_831 : vector<16xf32> to vector<1x1x16xf32>
      tpu.vector_store %arg7[%swap3A_833, %swap3A_834, %swap3A_835], %swap3A_838 {strides = array<i32>} : memref<8x50x64xf32, #tpu.memory_space<vmem>>, vector<1x1x16xf32>,
      %get3A_839 = arith.constant 6 : i32
      %get3A_840 = arith.index_cast %get3A_839 : i32 to index
      %get3A_841 = arith.index_cast %scan3A_710 : i32 to index
      %get3A_842 = arith.constant 32 : index
      %get3A_843 = tpu.vector_load %arg6[%get3A_840, %get3A_841, %get3A_842] {strides = array<i32>} : memref<8x64x128xf32, #tpu.memory_space<vmem>>, vector<1x1x16xf32>,
      %get3A_844 = vector.shape_cast %get3A_843 : vector<1x1x16xf32> to vector<16xf32>
      %swap3A_845 = arith.constant 6 : i32
      %swap3A_846 = arith.index_cast %swap3A_845 : i32 to index
      %swap3A_847 = arith.index_cast %scan3A_710 : i32 to index
      %swap3A_848 = arith.constant 32 : index
      %swap3A_849 = tpu.vector_load %arg7[%swap3A_846, %swap3A_847, %swap3A_848] {strides = array<i32>} : memref<8x50x64xf32, #tpu.memory_space<vmem>>, vector<1x1x16xf32>,
      %swap3A_850 = vector.shape_cast %swap3A_849 : vector<1x1x16xf32> to vector<16xf32>
      %swap3A_851 = vector.shape_cast %get3A_844 : vector<16xf32> to vector<1x1x16xf32>
      tpu.vector_store %arg7[%swap3A_846, %swap3A_847, %swap3A_848], %swap3A_851 {strides = array<i32>} : memref<8x50x64xf32, #tpu.memory_space<vmem>>, vector<1x1x16xf32>,
      %get3A_852 = arith.constant 6 : i32
      %get3A_853 = arith.index_cast %get3A_852 : i32 to index
      %get3A_854 = arith.index_cast %scan3A_710 : i32 to index
      %get3A_855 = arith.constant 48 : index
      %get3A_856 = tpu.vector_load %arg6[%get3A_853, %get3A_854, %get3A_855] {strides = array<i32>} : memref<8x64x128xf32, #tpu.memory_space<vmem>>, vector<1x1x16xf32>,
      %get3A_857 = vector.shape_cast %get3A_856 : vector<1x1x16xf32> to vector<16xf32>
      %swap3A_858 = arith.constant 6 : i32
      %swap3A_859 = arith.index_cast %swap3A_858 : i32 to index
      %swap3A_860 = arith.index_cast %scan3A_710 : i32 to index
      %swap3A_861 = arith.constant 48 : index
      %swap3A_862 = tpu.vector_load %arg7[%swap3A_859, %swap3A_860, %swap3A_861] {strides = array<i32>} : memref<8x50x64xf32, #tpu.memory_space<vmem>>, vector<1x1x16xf32>,
      %swap3A_863 = vector.shape_cast %swap3A_862 : vector<1x1x16xf32> to vector<16xf32>
      %swap3A_864 = vector.shape_cast %get3A_857 : vector<16xf32> to vector<1x1x16xf32>
      tpu.vector_store %arg7[%swap3A_859, %swap3A_860, %swap3A_861], %swap3A_864 {strides = array<i32>} : memref<8x50x64xf32, #tpu.memory_space<vmem>>, vector<1x1x16xf32>,
      %get3A_865 = arith.constant 7 : i32
      %get3A_866 = arith.index_cast %get3A_865 : i32 to index
      %get3A_867 = arith.index_cast %scan3A_710 : i32 to index
      %get3A_868 = arith.constant 0 : index
      %get3A_869 = tpu.vector_load %arg6[%get3A_866, %get3A_867, %get3A_868] {strides = array<i32>} : memref<8x64x128xf32, #tpu.memory_space<vmem>>, vector<1x1x16xf32>,
      %get3A_870 = vector.shape_cast %get3A_869 : vector<1x1x16xf32> to vector<16xf32>
      %swap3A_871 = arith.constant 7 : i32
      %swap3A_872 = arith.index_cast %swap3A_871 : i32 to index
      %swap3A_873 = arith.index_cast %scan3A_710 : i32 to index
      %swap3A_874 = arith.constant 0 : index
      %swap3A_875 = tpu.vector_load %arg7[%swap3A_872, %swap3A_873, %swap3A_874] {strides = array<i32>} : memref<8x50x64xf32, #tpu.memory_space<vmem>>, vector<1x1x16xf32>,
      %swap3A_876 = vector.shape_cast %swap3A_875 : vector<1x1x16xf32> to vector<16xf32>
      %swap3A_877 = vector.shape_cast %get3A_870 : vector<16xf32> to vector<1x1x16xf32>
      tpu.vector_store %arg7[%swap3A_872, %swap3A_873, %swap3A_874], %swap3A_877 {strides = array<i32>} : memref<8x50x64xf32, #tpu.memory_space<vmem>>, vector<1x1x16xf32>,
      %get3A_878 = arith.constant 7 : i32
      %get3A_879 = arith.index_cast %get3A_878 : i32 to index
      %get3A_880 = arith.index_cast %scan3A_710 : i32 to index
      %get3A_881 = arith.constant 16 : index
      %get3A_882 = tpu.vector_load %arg6[%get3A_879, %get3A_880, %get3A_881] {strides = array<i32>} : memref<8x64x128xf32, #tpu.memory_space<vmem>>, vector<1x1x16xf32>,
      %get3A_883 = vector.shape_cast %get3A_882 : vector<1x1x16xf32> to vector<16xf32>
      %swap3A_884 = arith.constant 7 : i32
      %swap3A_885 = arith.index_cast %swap3A_884 : i32 to index
      %swap3A_886 = arith.index_cast %scan3A_710 : i32 to index
      %swap3A_887 = arith.constant 16 : index
      %swap3A_888 = tpu.vector_load %arg7[%swap3A_885, %swap3A_886, %swap3A_887] {strides = array<i32>} : memref<8x50x64xf32, #tpu.memory_space<vmem>>, vector<1x1x16xf32>,
      %swap3A_889 = vector.shape_cast %swap3A_888 : vector<1x1x16xf32> to vector<16xf32>
      %swap3A_890 = vector.shape_cast %get3A_883 : vector<16xf32> to vector<1x1x16xf32>
      tpu.vector_store %arg7[%swap3A_885, %swap3A_886, %swap3A_887], %swap3A_890 {strides = array<i32>} : memref<8x50x64xf32, #tpu.memory_space<vmem>>, vector<1x1x16xf32>,
      %get3A_891 = arith.constant 7 : i32
      %get3A_892 = arith.index_cast %get3A_891 : i32 to index
      %get3A_893 = arith.index_cast %scan3A_710 : i32 to index
      %get3A_894 = arith.constant 32 : index
      %get3A_895 = tpu.vector_load %arg6[%get3A_892, %get3A_893, %get3A_894] {strides = array<i32>} : memref<8x64x128xf32, #tpu.memory_space<vmem>>, vector<1x1x16xf32>,
      %get3A_896 = vector.shape_cast %get3A_895 : vector<1x1x16xf32> to vector<16xf32>
      %swap3A_897 = arith.constant 7 : i32
      %swap3A_898 = arith.index_cast %swap3A_897 : i32 to index
      %swap3A_899 = arith.index_cast %scan3A_710 : i32 to index
      %swap3A_900 = arith.constant 32 : index
      %swap3A_901 = tpu.vector_load %arg7[%swap3A_898, %swap3A_899, %swap3A_900] {strides = array<i32>} : memref<8x50x64xf32, #tpu.memory_space<vmem>>, vector<1x1x16xf32>,
      %swap3A_902 = vector.shape_cast %swap3A_901 : vector<1x1x16xf32> to vector<16xf32>
      %swap3A_903 = vector.shape_cast %get3A_896 : vector<16xf32> to vector<1x1x16xf32>
      tpu.vector_store %arg7[%swap3A_898, %swap3A_899, %swap3A_900], %swap3A_903 {strides = array<i32>} : memref<8x50x64xf32, #tpu.memory_space<vmem>>, vector<1x1x16xf32>,
      %get3A_904 = arith.constant 7 : i32
      %get3A_905 = arith.index_cast %get3A_904 : i32 to index
      %get3A_906 = arith.index_cast %scan3A_710 : i32 to index
      %get3A_907 = arith.constant 48 : index
      %get3A_908 = tpu.vector_load %arg6[%get3A_905, %get3A_906, %get3A_907] {strides = array<i32>} : memref<8x64x128xf32, #tpu.memory_space<vmem>>, vector<1x1x16xf32>,
      %get3A_909 = vector.shape_cast %get3A_908 : vector<1x1x16xf32> to vector<16xf32>
      %swap3A_910 = arith.constant 7 : i32
      %swap3A_911 = arith.index_cast %swap3A_910 : i32 to index
      %swap3A_912 = arith.index_cast %scan3A_710 : i32 to index
      %swap3A_913 = arith.constant 48 : index
      %swap3A_914 = tpu.vector_load %arg7[%swap3A_911, %swap3A_912, %swap3A_913] {strides = array<i32>} : memref<8x50x64xf32, #tpu.memory_space<vmem>>, vector<1x1x16xf32>,
      %swap3A_915 = vector.shape_cast %swap3A_914 : vector<1x1x16xf32> to vector<16xf32>
      %swap3A_916 = vector.shape_cast %get3A_909 : vector<16xf32> to vector<1x1x16xf32>
      tpu.vector_store %arg7[%swap3A_911, %swap3A_912, %swap3A_913], %swap3A_916 {strides = array<i32>} : memref<8x50x64xf32, #tpu.memory_space<vmem>>, vector<1x1x16xf32>,
    }
    %scan3A_656 = arith.constant 50 : i32
    %add3A_657 = arith.constant 508 : i32
    %add3A_658 = arith.addi %mul3A_2, %add3A_657 : i32
    %dma_start3A_659 = arith.constant 1 : i32
    %dma_start3A_660 = arith.constant 4 : i32
    %dma_start3A_661 = arith.constant 0 : i32
    %dma_start3A_662 = arith.constant 0 : i32
    %dma_start3A_663 = tpu.memref_slice %arg7[%dma_start3A_660, %dma_start3A_661, %dma_start3A_662] : memref<8x50x64xf32, #tpu.memory_space<vmem>> -> memref<4x50x64xf32, #tpu.memory_space<vmem>>
    %dma_start3A_664 = arith.constant 0 : i32
    %dma_start3A_665 = arith.constant 0 : i32
    %dma_start3A_666 = tpu.memref_slice %arg4[%add3A_658, %dma_start3A_664, %dma_start3A_665] : memref<16384x50x64xf32, #tpu.memory_space<hbm>> -> memref<4x50x64xf32, #tpu.memory_space<hbm>>
    %dma_start3A_667 = tpu.memref_slice %arg9[%dma_start3A_659] : memref<2x!tpu.dma_semaphore, #tpu.memory_space<semaphore_mem>> -> memref<1x!tpu.dma_semaphore, #tpu.memory_space<semaphore_mem>>
    %dma_start3A_668 = tpu.memref_squeeze %dma_start3A_667 : memref<1x!tpu.dma_semaphore, #tpu.memory_space<semaphore_mem>> -> memref<!tpu.dma_semaphore, #tpu.memory_space<semaphore_mem>>
    %dma_start3A_669 = arith.constant 0 : i32
    %dma_start3A_670 = arith.constant 0 : i32
    %dma_start3A_671 = tpu.memref_slice %arg4[%add3A_658, %dma_start3A_669, %dma_start3A_670] : memref<16384x50x64xf32, #tpu.memory_space<hbm>> -> memref<4x50x64xf32, #tpu.memory_space<hbm>>
    %dma_start3A_672 = arith.constant 4 : i32
    %dma_start3A_673 = arith.constant 0 : i32
    %dma_start3A_674 = arith.constant 0 : i32
    %dma_start3A_675 = tpu.memref_slice %arg7[%dma_start3A_672, %dma_start3A_673, %dma_start3A_674] : memref<8x50x64xf32, #tpu.memory_space<vmem>> -> memref<4x50x64xf32, #tpu.memory_space<vmem>>
    tpu.enqueue_dma source(%dma_start3A_675 : memref<4x50x64xf32, #tpu.memory_space<vmem>>) target(%dma_start3A_671 : memref<4x50x64xf32, #tpu.memory_space<hbm>>) target_semaphore(%dma_start3A_668 : memref<!tpu.dma_semaphore, #tpu.memory_space<semaphore_mem>>)
    %dma_wait3A_676 = arith.constant 0 : i32
    %dma_wait3A_677 = arith.constant 0 : i32
    %dma_wait3A_678 = arith.constant 0 : i32
    %dma_wait3A_679 = arith.constant 0 : i32
    %dma_wait3A_680 = tpu.memref_slice %arg7[%dma_wait3A_677, %dma_wait3A_678, %dma_wait3A_679] : memref<8x50x64xf32, #tpu.memory_space<vmem>> -> memref<4x50x64xf32, #tpu.memory_space<vmem>>
    %dma_wait3A_681 = arith.constant 0 : i32
    %dma_wait3A_682 = arith.constant 0 : i32
    %dma_wait3A_683 = tpu.memref_slice %arg4[%mul3A_2, %dma_wait3A_681, %dma_wait3A_682] : memref<16384x50x64xf32, #tpu.memory_space<hbm>> -> memref<4x50x64xf32, #tpu.memory_space<hbm>>
    %dma_wait3A_684 = tpu.memref_slice %arg9[%dma_wait3A_676] : memref<2x!tpu.dma_semaphore, #tpu.memory_space<semaphore_mem>> -> memref<1x!tpu.dma_semaphore, #tpu.memory_space<semaphore_mem>>
    %dma_wait3A_685 = tpu.memref_squeeze %dma_wait3A_684 : memref<1x!tpu.dma_semaphore, #tpu.memory_space<semaphore_mem>> -> memref<!tpu.dma_semaphore, #tpu.memory_space<semaphore_mem>>
    %dma_wait3A_686 = arith.constant 0 : i32
    %dma_wait3A_687 = arith.constant 0 : i32
    %dma_wait3A_688 = arith.constant 0 : i32
    %dma_wait3A_689 = tpu.memref_slice %arg7[%dma_wait3A_686, %dma_wait3A_687, %dma_wait3A_688] : memref<8x50x64xf32, #tpu.memory_space<vmem>> -> memref<4x50x64xf32, #tpu.memory_space<vmem>>
    %dma_wait3A_690 = arith.constant 0 : i32
    %dma_wait3A_691 = arith.constant 0 : i32
    %dma_wait3A_692 = tpu.memref_slice %arg4[%mul3A_2, %dma_wait3A_690, %dma_wait3A_691] : memref<16384x50x64xf32, #tpu.memory_space<hbm>> -> memref<4x50x64xf32, #tpu.memory_space<hbm>>
    tpu.wait_dma2 semaphore(%dma_wait3A_685 : memref<!tpu.dma_semaphore, #tpu.memory_space<semaphore_mem>>) src(%dma_wait3A_692 : memref<4x50x64xf32, #tpu.memory_space<hbm>>) dst(%dma_wait3A_689 : memref<4x50x64xf32, #tpu.memory_space<vmem>>)
    %dma_wait3A_693 = arith.constant 1 : i32
    %dma_wait3A_694 = arith.constant 4 : i32
    %dma_wait3A_695 = arith.constant 0 : i32
    %dma_wait3A_696 = arith.constant 0 : i32
    %dma_wait3A_697 = tpu.memref_slice %arg7[%dma_wait3A_694, %dma_wait3A_695, %dma_wait3A_696] : memref<8x50x64xf32, #tpu.memory_space<vmem>> -> memref<4x50x64xf32, #tpu.memory_space<vmem>>
    %dma_wait3A_698 = arith.constant 0 : i32
    %dma_wait3A_699 = arith.constant 0 : i32
    %dma_wait3A_700 = tpu.memref_slice %arg4[%mul3A_2, %dma_wait3A_698, %dma_wait3A_699] : memref<16384x50x64xf32, #tpu.memory_space<hbm>> -> memref<4x50x64xf32, #tpu.memory_space<hbm>>
    %dma_wait3A_701 = tpu.memref_slice %arg9[%dma_wait3A_693] : memref<2x!tpu.dma_semaphore, #tpu.memory_space<semaphore_mem>> -> memref<1x!tpu.dma_semaphore, #tpu.memory_space<semaphore_mem>>
    %dma_wait3A_702 = tpu.memref_squeeze %dma_wait3A_701 : memref<1x!tpu.dma_semaphore, #tpu.memory_space<semaphore_mem>> -> memref<!tpu.dma_semaphore, #tpu.memory_space<semaphore_mem>>
    %dma_wait3A_703 = arith.constant 4 : i32
    %dma_wait3A_704 = arith.constant 0 : i32
    %dma_wait3A_705 = arith.constant 0 : i32
    %dma_wait3A_706 = tpu.memref_slice %arg7[%dma_wait3A_703, %dma_wait3A_704, %dma_wait3A_705] : memref<8x50x64xf32, #tpu.memory_space<vmem>> -> memref<4x50x64xf32, #tpu.memory_space<vmem>>
    %dma_wait3A_707 = arith.constant 0 : i32
    %dma_wait3A_708 = arith.constant 0 : i32
    %dma_wait3A_709 = tpu.memref_slice %arg4[%mul3A_2, %dma_wait3A_707, %dma_wait3A_708] : memref<16384x50x64xf32, #tpu.memory_space<hbm>> -> memref<4x50x64xf32, #tpu.memory_space<hbm>>
    tpu.wait_dma2 semaphore(%dma_wait3A_702 : memref<!tpu.dma_semaphore, #tpu.memory_space<semaphore_mem>>) src(%dma_wait3A_709 : memref<4x50x64xf32, #tpu.memory_space<hbm>>) dst(%dma_wait3A_706 : memref<4x50x64xf32, #tpu.memory_space<vmem>>)
    return
  }
}

</mosaic_0001>

<sc_bundles>
// kernel: kernel.3.cloned.1.call-start
scs
__scs_entry_jumppad:
0x0: {  	(pc) =	sbr.rel $0x88, $3  }
0x1: {  	(tag) =	ssettag $0x0;
	lr =	simm.s32 $0x1  }
0x2: {  	[smem:$0x3F9F] =	sst lr;
	_ =	strace $0xD0000000  }
0x3: {  	_ = 	snop  }
0x4: {  	_ = 	snop  }
0x5: {  	_ = 	snop  }
0x6: {  	_ = 	snop  }
0x7: {  	_ = 	snop  }
__scs_overlays_trampoline_lowered:
0x8: {  	[smem:$0x3FAE] =	sst s0  }
0x9: {  	[smem:$0x3FAF] =	sst s1  }
0xa: {  	[smem:$0x3FB0] =	sst s2  }
0xb: {  	[smem:$0x3FB1] =	sst s3  }
0xc: {  	[smem:$0x3FB2] =	sst s4  }
0xd: {  	[smem:$0x3FB3] =	sst s5  }
0xe: {  	[smem:$0x3FB4] =	sst s6  }
0xf: {  	[smem:$0x3FB5] =	sst s7  }
0x10: {  	[smem:$0x3FB6] =	sst s8  }
0x11: {  	[smem:$0x3FB7] =	sst s9;
	s0 =	simm.s32 @!p0 $0x0  }
0x12: {  	s1 =	sld [smem:$0x3F9D];
	s0 =	simm.s32 @p0 $0x1  }
0x13: {  	[smem:$0x3FB8] =	sst s0;
	s0 =	simm.s32 @!p1 $0x0  }
0x14: {  	s2 =	sld [smem:$0x3F9C];
	s0 =	simm.s32 @p1 $0x1  }
0x15: {  	[smem:$0x3FB9] =	sst s0;
	s0 =	simm.s32 @!p2 $0x0  }
0x16: {  	s3 =	sld [smem:$0x3FDB];
	s0 =	simm.s32 @p2 $0x1  }
0x17: {  	s4 =	simm.s32 $0x1BF5;
	[smem:$0x3FBB] =	sst s0  }
0x18: {  	s0 =	sld [smem:$0x3F9E];
	_ =	swait.ge [sflag:s4], $0x0  }
0x19: {  	s7 =	sld [smem:$0x3F9F]  }
0x1a: {  	s8 =	sadd.s32 $0xFFFFE003, lr  }
0x1b: {  	s9 =	sadd.s32 $0xFFFFFEF7, lr;
	s5 =	simm.s32 $0xFFFFFFFF;
	p2 =	slt.u32 s8, $0xFFFFF086  }
0x1c: {  	p1 =	slt.u32 s9, $0xF7A;
	s5 =	simm.s32 @!p2 $0x0  }
0x1d: {  	s5 =	simm.s32 @p1 $0x1;
	p0 =	seq.s32 s7, s2  }
0x1e: {  	s7 =	smul.u32 @!p0 $0xF7A, s2;
	p2 =	seq.s32 @!p0 s5, $0x0  }
0x1f: {  	s9 =	smul.u32 $0xF7A, s1;
	s8 =	simm.s32 @!p0 $0x1BF5;
	p2 =	por !p2, p0  }
0x20: {  	[sflag:s8] =	ssyncset.s32 @!p0 $0xFFFFF086;
	s6 =	sadd.s32 @!p0 s3, s7;
	s7 =	simm.s32 @!p0 $0x108  }
0x21: {  	s3 =	sadd.s32 s3, s9;
	s6 =	sadd.s32 @!p0 $0x88, s6;
	s7 =	simm.s32 @p2 $0x1082  }
0x22: {  	[simem:s7], [sflag:s8] =	dma.local @!p0 [hbm:s6], $0xF7A  }
0x23: {  	s9 =	sor.u32 $0xD0000000, s2;
	s6 =	simm.s32 $0x108;
	_ =	swait.ge @!p0 [sflag:s8], $0x0  }
0x24: {  	s3 =	sadd.s32 $0x88, s3;
	s6 =	simm.s32 @!p1 $0x1082;
	[sflag:s4] =	ssyncset.s32 $0xFFFFF086  }
0x25: {  	[simem:s6], [sflag:s4] =	dma.local [hbm:s3], $0xF7A  }
0x26: {  	[smem:$0x3F9F] =	sst s1;
	(tag) =	ssettag s2;
	_ =	strace s9  }
0x27: {  	s1 =	sld [smem:$0x3FAF]  }
0x28: {  	s2 =	sld [smem:$0x3FB0]  }
0x29: {  	s4 =	sld [smem:$0x3FB2]  }
0x2a: {  	p0 =	seq.s32 s5, $0x0;
	s5 =	sld [smem:$0x3FB3]  }
0x2b: {  	s6 =	sld [smem:$0x3FB4]  }
0x2c: {  	s7 =	sld [smem:$0x3FB5]  }
0x2d: {  	s3 =	simm.s32 $0x108;
	s8 =	sld [smem:$0x3FB6]  }
0x2e: {  	s3 =	simm.s32 @!p0 $0x1082;
	s9 =	sld [smem:$0x3FB7]  }
0x2f: {  	lr =	sadd.s32 s0, s3;
	s0 =	sld [smem:$0x3FAE]  }
0x30: {  	s3 =	sld [smem:$0x3FB1]  }
0x31: {  	[smem:$0x3FBA] =	sst s10  }
0x32: {  	s10 =	sld [smem:$0x3FB8];
	_ =	sdelay $0x3  }
0x33: {  	p0 =	seq.s32 s10, $0x1;
	s10 =	sld [smem:$0x3FBA];
	_ =	sdelay $0x3  }
0x34: {  	[smem:$0x3FBA] =	sst s10  }
0x35: {  	s10 =	sld [smem:$0x3FB9];
	_ =	sdelay $0x3  }
0x36: {  	p1 =	seq.s32 s10, $0x1;
	s10 =	sld [smem:$0x3FBA];
	_ =	sdelay $0x3  }
0x37: {  	[smem:$0x3FBA] =	sst s10  }
0x38: {  	s10 =	sld [smem:$0x3FBB]  }
0x39: {  	_ = 	snop;
	(pc) =	sbr.ind lr, $3  }
0x3a: {  	_ = 	snop  }
0x3b: {  	_ = 	snop  }
0x3c: {  	p2 =	seq.s32 s10, $0x1;
	s10 =	sld [smem:$0x3FBA]  }
0x3d: {  	_ =	shalt  }
0x3e: {  	_ =	shalt  }
0x3f: {  	_ =	shalt  }
0x40: {  	_ =	shalt  }
0x41: {  	_ =	shalt  }
0x42: {  	_ =	shalt  }
0x43: {  	_ =	shalt  }
0x44: {  	_ =	shalt  }
0x45: {  	_ =	shalt  }
0x46: {  	_ =	shalt  }
0x47: {  	_ =	shalt  }
0x48: {  	_ =	shalt  }
0x49: {  	_ =	shalt  }
0x4a: {  	_ =	shalt  }
0x4b: {  	_ =	shalt  }
0x4c: {  	_ =	shalt  }
0x4d: {  	_ =	shalt  }
0x4e: {  	_ =	shalt  }
0x4f: {  	_ =	shalt  }
0x50: {  	_ =	shalt  }
0x51: {  	_ =	shalt  }
0x52: {  	_ =	shalt  }
0x53: {  	_ =	shalt  }
0x54: {  	_ =	shalt  }
0x55: {  	_ =	shalt  }
0x56: {  	_ =	shalt  }
0x57: {  	_ =	shalt  }
0x58: {  	_ =	shalt  }
0x59: {  	_ =	shalt  }
0x5a: {  	_ =	shalt  }
0x5b: {  	_ =	shalt  }
0x5c: {  	_ =	shalt  }
0x5d: {  	_ =	shalt  }
0x5e: {  	_ =	shalt  }
0x5f: {  	_ =	shalt  }
0x60: {  	_ =	shalt  }
0x61: {  	_ =	shalt  }
0x62: {  	_ =	shalt  }
0x63: {  	_ =	shalt  }
0x64: {  	_ =	shalt  }
0x65: {  	_ =	shalt  }
0x66: {  	_ =	shalt  }
0x67: {  	_ =	shalt  }
0x68: {  	_ =	shalt  }
0x69: {  	_ =	shalt  }
0x6a: {  	_ =	shalt  }
0x6b: {  	_ =	shalt  }
0x6c: {  	_ =	shalt  }
0x6d: {  	_ =	shalt  }
0x6e: {  	_ =	shalt  }
0x6f: {  	_ =	shalt  }
0x70: {  	_ =	shalt  }
0x71: {  	_ =	shalt  }
0x72: {  	_ =	shalt  }
0x73: {  	_ =	shalt  }
0x74: {  	_ =	shalt  }
0x75: {  	_ =	shalt  }
0x76: {  	_ =	shalt  }
0x77: {  	_ =	shalt  }
0x78: {  	_ =	shalt  }
0x79: {  	_ =	shalt  }
0x7a: {  	_ =	shalt  }
0x7b: {  	_ =	shalt  }
0x7c: {  	_ =	shalt  }
0x7d: {  	_ =	shalt  }
0x7e: {  	_ =	shalt  }
0x7f: {  	_ =	shalt  }
0x80: {  	_ =	shalt  }
0x81: {  	_ =	shalt  }
0x82: {  	_ =	shalt  }
0x83: {  	_ =	shalt  }
0x84: {  	_ =	shalt  }
0x85: {  	_ =	shalt  }
0x86: {  	_ =	shalt  }
0x87: {  	_ =	shalt  }
.Lfunc_end0:
.L_simem_size_0:
called_computation_lowered:
.L_overlay_start_0:
0x88: {  	s2 =	sld [smem:$0x3FD9]  }
0x89: {  	s3 =	sld [smem:$0x3FFE];
	_ =	sdelay $0x1  }
0x8a: {  	s1 =	srdreg.scid  }
0x8b: {  	s0 =	sand.u32 $0x1, s1  }
0x8c: {  	s17 =	sshll.u32 s0, $0xA;
	s2 =	sadd.s32 s3, s2  }
0x8d: {  	s2 =	sadd.s32 s2, s17  }
0x8e: {  	[smem:$0x3FC6] =	sst s2  }
0x8f: {  	_ = 	snop  }
0x90: {  	s2 =	sld [smem:$0x3FD0];
	(tm) =	ssettm $0x1  }
0x91: {  	s18 =	sld [smem:$0x3FFB];
	_ =	sdelay $0x3  }
0x92: {  	_ =	strace s18  }
0x93: {  	s3 =	sld [smem:$0x3FFC];
	_ =	sdelay $0x3  }
0x94: {  	_ =	strace s3  }
0x95: {  	s3 =	sld [smem:$0x3FFD];
	_ =	sdelay $0x3  }
0x96: {  	_ =	strace s3  }
0x97: {  	_ =	strace $0x8FFFFFFF  }
0x98: {  	s19 =	sld [smem:$0x3FDB];
	_ =	sdelay $0x1  }
0x99: {  	s4 =	simm.s32 $_scs_section_size  }
0x9a: {  	s5 =	simm.s32 $_size__tile_overlayer_lowered;
	s6 =	simm.s32 $_tile_overlayer_lowered  }
0x9b: {  	s22 =	simm.s32 $0x1BFF;
	s21 =	sshll.u32 s6, $0x1;
	s3 =	sadd.s32 s4, s19  }
0x9c: {  	s7 =	simm.s32 $0x0;
	s20 =	sshll.u32 s5, $0x1;
	s5 =	sadd.s32 s21, s3  }
0x9d: {  	[timem:s7], [sflag:s22] =	dma.local [hbm:s5], s20  }
0x9e: {  	_ =	swait.ge [sflag:s22], s20  }
0x9f: {  	s4 =	ssub.s32 $0x0, s20;
	[sflag:s22] =	ssyncset.done $0x0  }
0xa0: {  	[sflag:s22] =	ssyncadd.s32 s4;
	_ =	sdelay $0x1  }
0xa1: {  	s23 =	simm.s32 $0x1B8B  }
0xa2: {  	_ =	swait.ge [sflag:s23], $0x1  }
0xa3: {  	[sflag:s23] =	ssyncset.done $0x0  }
0xa4: {  	s25 =	simm.s32 $0x1B8E;
	s24 =	sld [smem:$0x3FFE];
	[sflag:s23] =	ssyncadd.s32 $0xFFFFFFFF  }
0xa5: {  	s26 =	simm.s32 $execute0_lowered;
	[smem:$0x3FD2] =	sst s25  }
0xa6: {  	s5 =	sshll.u32 s26, $0x1;
	_ =	strace $0x80000046;
	[dreg:$0x1] =	wrdreg $0xFFFFFFFF  }
0xa7: {  	s28 =	simm.s32 $_size_execute0_lowered;
	s3 =	sadd.s32 s3, s5;
	[dreg:$0x0] =	wrdreg $0x0  }
0xa8: {  	s5 =	sshll.u32 s28, $0x1;
	[dreg:$0x2] =	wrdreg s3  }
0xa9: {  	[dreg:$0x3] =	wrdreg s5  }
0xaa: {  	[dreg:$0x4] =	wrdreg $0xC0  }
0xab: {  	_ =	task [dreg:s7], $0x5FFFF  }
0xac: {  	[dreg:$0x1] =	wrdreg $0xFFFFFFFF  }
0xad: {  	[dreg:$0x0] =	wrdreg $0x60  }
0xae: {  	[dreg:$0x2] =	wrdreg s2  }
0xaf: {  	[dreg:$0x3] =	wrdreg s24  }
0xb0: {  	[dreg:$0x4] =	wrdreg $0x9  }
0xb1: {  	_ =	task.clear_ibuf [dreg:s7], $0x5FFFF;
	_ =	strace $0x90000046  }
0xb2: {  	s29 =	simm.s32 $0x9;
	_ =	strace $0x80000048  }
0xb3: {  	_ =	swait.ge [sflag:s29], $0x1  }
0xb4: {  	[sflag:s29] =	ssyncadd.s32 $0xFFFFFFFF  }
0xb5: {  	_ =	strace $0x90000048  }
0xb6: {  	_ =	sfence  }
0xb7: {  	s30 =	sld [smem:$0x0];
	_ =	sdelay $0x2  }
0xb8: {  	s31 =	sshll.u32 s1, $0xD;
	s1 =	sshrl.u32 s1, $0x2  }
0xb9: {  	s3 =	sand.u32 $0x4000, s31;
	s1 =	sadd.s32 s1, s30  }
0xba: {  	s0 =	sor.u32 s3, s0;
	s1 =	sshll.u32 s1, $0x11  }
0xbb: {  	s0 =	sor.u32 s1, s0  }
0xbc: {  	s0 =	sadd.s32 $0x8F2B, s0  }
0xbd: {  	[sflag:s0] =	ssyncadd.remote.s32 $0x1  }
0xbe: {  	_ =	sfence.sel $0xFFFF  }
0xbf: {  	[dreg:$0x0] =	wrdreg $0xFFFFFFFF;
	(pc) =	sbr.abs _section_cstart, $3  }
0xc0: {  	[dreg:$0x1] =	wrdreg $0xFFFFFFFF  }
0xc1: {  	_ =	task.clear_ibuf [dreg:s7], $0x2FFFF;
	_ =	strace $0x9FFFFFFF  }
0xc2: {  	(tm) =	ssettm $0x7FFFFFFF  }
0xc3: {  	_ =	shalt  }
tec
execute0_lowered:
.L_overlay_start_1:
0x0: {  	(tag) =	ssettag $0x1  }
0x1: {  	s1 =	rddreg [dreg:$0x0]  }
0x2: {  	s0 =	rddreg [dreg:$0x1];
	s3 =	simm.s32 $0x0  }
0x3: {  	s2 =	srdreg.scid;
	s5 =	stileid.u32;
	s18 =	simm.s32 $0x5  }
0x4: {  	s19 =	simm.s32 $0x40;
	s28 =	simm.s32 $0x200;
	s10 =	simm.s32 $0xE400  }
0x5: {  	s13 =	simm.s32 $0x1;
	s16 =	simm.s32 $0x10400;
	s11 =	simm.s32 $0x13C00  }
0x6: {  	s14 =	simm.s32 $0x3;
	s15 =	simm.s32 $0x2;
	s20 =	simm.s32 $0x17400  }
0x7: {  	s21 =	simm.s32 $0x19000;
	s22 =	simm.s32 $0x1AC00;
	s23 =	simm.s32 $0x1C800  }
0x8: {  	[smem:$0x7FF] =	sst s3;
	s2 =	sand.u32 $0x1, s2;
	s4 =	sadd.s32 $0xF42C00, s0  }
0x9: {  	s6 =	sshll.u32 s5, $0xA;
	s5 =	sadd.s32 $0x800, s0;
	s7 =	sshll.u32 s2, $0x9  }
0xa: {  	_ =	strace $0x80000047;
	s24 =	ssub.s32 $0x2, s2;
	s6 =	sor.u32 s7, s6  }
0xb: {  	s2 =	sshrl.u32 s24, $0x1;
	s7 =	sshll.u32 s6, $0x4;
	s8 =	smul.u32 $0x380, s6  }
0xc: {  	s0 =	ssub.s32 s24, s2;
	s25 =	smul.u32 $0x1C00, s6;
	s29 =	sor.u32 $0x1FC, s6  }
0xd: {  	s12 =	sor.u32 $0x8, s6;
	s17 =	sor.u32 $0x4, s6;
	s7 =	sadd.s32 s1, s7  }
0xe: {  	s24 =	simm.s32 $0x4;
	s0 =	smax.u32 s0, $0x1;
	[dreg:$0x3] =	wrdreg s7  }
0xf: {  	s30 =	sshll.u32 s29, $0x4;
	s9 =	sadd.s32 $0x40, s7;
	[dreg:$0xb] =	wrdreg s0  }
0x10: {  	s8 =	sadd.s32 s5, s8;
	s7 =	sadd.s32 $0x80, s7;
	[dreg:$0x4] =	wrdreg s9  }
0x11: {  	s2 =	sshrl.u32 s25, $0x3;
	s25 =	simm.s32 $0x0;
	[dreg:$0x6] =	wrdreg s7  }
0x12: {  	[dreg:$0x5] =	wrdreg s8;
	s26 =	sadd.s32 $0xE00, s8;
	s2 =	sadd.s32 s5, s2  }
0x13: {  	s7 =	smul.u32 $0x380, s29;
	s8 =	sadd.s32 s1, s30;
	[dreg:$0x7] =	wrdreg s26  }
0x14: {  	s9 =	simm.s32 $0x15800;
	[dreg:$0x8] =	wrdreg s8;
	s2 =	sadd.s32 $0x6E400, s2  }
0x15: {  	s8 =	simm.s32 $0x380;
	[dreg:$0x9] =	wrdreg s2;
	s31 =	sadd.s32 s5, s7  }
0x16: {  	s2 =	simm.s32 $0xC400;
	s7 =	simm.s32 $0x12000;
	[dreg:$0xa] =	wrdreg s31  }
.LBB2_1:
0x17: {  	[dreg:$0xc] =	wrdreg s25  }
0x18: {  	s0 =	rddreg [dreg:$0x3]  }
0x19: {  	[tilespmem:s3], [sflag:$0x5] =	stream.linear.gather [hbm4b:s0+s3], $0x200, $0x38;
	[tilespmem:$0x1E400] =	vst v63  }
0x1a: {  	_ =	swait.ge [sflag:s18], $0x200  }
0x1b: {  	[sflag:s18] =	ssyncset.done $0x0  }
0x1c: {  	s31 =	simm.s32 $0x400;
	[sflag:s18] =	ssyncadd.s32 $0xFFFFFE00  }
0x1d: {  	[tilespmem:s31], [sflag:$0x1] =	stream.indirect.gather [hbm4b:s4+s19], $0x80, s3, s19, $0xb8;
	[tilespmem:$0x1E400] =	vst v63  }
0x1e: {  	s25 =	simm.s32 $0x80;
	s26 =	simm.s32 $0x2400  }
0x1f: {  	[tilespmem:s26], [sflag:$0x1] =	stream.indirect.gather [hbm4b:s4+s19], $0x80, s25, s19, $0xb8;
	[tilespmem:$0x1E400] =	vst v63  }
0x20: {  	s30 =	simm.s32 $0x100;
	s31 =	simm.s32 $0x4400  }
0x21: {  	[tilespmem:s31], [sflag:$0x1] =	stream.indirect.gather [hbm4b:s4+s19], $0x80, s30, s19, $0xb8;
	[tilespmem:$0x1E400] =	vst v63  }
0x22: {  	s26 =	simm.s32 $0x180;
	s30 =	simm.s32 $0x6400  }
0x23: {  	[tilespmem:s30], [sflag:$0x1] =	stream.indirect.gather [hbm4b:s4+s19], $0x80, s26, s19, $0xb8;
	[tilespmem:$0x1E400] =	vst v63  }
0x24: {  	s31 =	rddreg [dreg:$0x4]  }
0x25: {  	[tilespmem:s28], [sflag:$0x5] =	stream.linear.gather [hbm4b:s31+s3], $0x200, $0x38;
	[tilespmem:$0x1E400] =	vst v63  }
0x26: {  	_ =	swait.ge [sflag:s18], $0x200  }
0x27: {  	[sflag:s18] =	ssyncset.done $0x0  }
0x28: {  	s25 =	simm.s32 $0x8400;
	[sflag:s18] =	ssyncadd.s32 $0xFFFFFE00  }
0x29: {  	[tilespmem:s25], [sflag:$0x2] =	stream.indirect.gather [hbm4b:s4+s19], $0x80, s28, s19, $0xb8;
	[tilespmem:$0x1E400] =	vst v63  }
0x2a: {  	s26 =	simm.s32 $0x280;
	s30 =	simm.s32 $0xA400  }
0x2b: {  	[tilespmem:s30], [sflag:$0x2] =	stream.indirect.gather [hbm4b:s4+s19], $0x80, s26, s19, $0xb8;
	[tilespmem:$0x1E400] =	vst v63  }
0x2c: {  	s31 =	simm.s32 $0x300  }
0x2d: {  	[tilespmem:s2], [sflag:$0x2] =	stream.indirect.gather [hbm4b:s4+s19], $0x80, s31, s19, $0xb8;
	[tilespmem:$0x1E400] =	vst v63  }
0x2e: {  	_ = 	snop  }
0x2f: {  	[tilespmem:s10], [sflag:$0x2] =	stream.indirect.gather [hbm4b:s4+s19], $0x80, s8, s19, $0xb8;
	[tilespmem:$0x1E400] =	vst v63  }
0x30: {  	_ =	swait.ge [sflag:s13], $0x2000  }
0x31: {  	[sflag:s13] =	ssyncset.done $0x0  }
0x32: {  	[sflag:s13] =	ssyncadd.s32 $0xFFFFE000  }
0x33: {  	_ =	swait.ge [sflag:s13], $0x2000  }
0x34: {  	[sflag:s13] =	ssyncset.done $0x0  }
0x35: {  	[sflag:s13] =	ssyncadd.s32 $0xFFFFE000  }
0x36: {  	_ =	swait.ge [sflag:s13], $0x2000  }
0x37: {  	[sflag:s13] =	ssyncset.done $0x0  }
0x38: {  	[sflag:s13] =	ssyncadd.s32 $0xFFFFE000  }
0x39: {  	_ =	swait.ge [sflag:s13], $0x2000  }
0x3a: {  	[sflag:s13] =	ssyncset.done $0x0  }
0x3b: {  	s25 =	simm.s32 $0x0;
	[sflag:s13] =	ssyncadd.s32 $0xFFFFE000  }
0x3c: {  	v0 =	vld [tilespmem:s25+$0x6430]  }
0x3d: {  	v1 =	vld [tilespmem:s25+$0x400]  }
0x3e: {  	v2 =	vld [tilespmem:s25+$0x410]  }
0x3f: {  	v3 =	vld [tilespmem:s25+$0x420]  }
0x40: {  	v4 =	vld [tilespmem:s25+$0x430]  }
0x41: {  	v5 =	vld [tilespmem:s25+$0x2400];
	[tilespmem:s25+$0x15830] =	vst v0  }
0x42: {  	[tilespmem:s25+$0x10400] =	vst v1;
	v0 =	vld [tilespmem:s25+$0x2410]  }
0x43: {  	[tilespmem:s25+$0x10410] =	vst v2;
	v1 =	vld [tilespmem:s25+$0x2420]  }
0x44: {  	[tilespmem:s25+$0x10420] =	vst v3;
	v2 =	vld [tilespmem:s25+$0x2430]  }
0x45: {  	[tilespmem:s25+$0x10430] =	vst v4;
	v3 =	vld [tilespmem:s25+$0x4400]  }
0x46: {  	[tilespmem:s25+$0x12000] =	vst v5;
	v4 =	vld [tilespmem:s25+$0x4410]  }
0x47: {  	[tilespmem:s25+$0x12010] =	vst v0;
	v0 =	vld [tilespmem:s25+$0x4420]  }
0x48: {  	[tilespmem:s25+$0x12020] =	vst v1;
	v1 =	vld [tilespmem:s25+$0x4430]  }
0x49: {  	[tilespmem:s25+$0x12030] =	vst v2;
	v2 =	vld [tilespmem:s25+$0x6400]  }
0x4a: {  	[tilespmem:s25+$0x13C00] =	vst v3;
	v3 =	vld [tilespmem:s25+$0x6410]  }
0x4b: {  	s29 =	simm.s32 $0x400;
	s26 =	simm.s32 $0x80;
	[tilespmem:s25+$0x13C10] =	vst v4;
	v4 =	vld [tilespmem:s25+$0x6420]  }
.LBB2_2:
0x4c: {  	p0 =	sne.s32 s29, $0x6200;
	v5 =	vld [tilespmem:s26+$0x6430];
	[tilespmem:s25+$0x13C20] =	vst v0  }
0x4d: {  	v0 =	vld [tilespmem:s26+$0x400];
	[tilespmem:s25+$0x13C30] =	vst v1  }
0x4e: {  	v1 =	vld [tilespmem:s26+$0x410];
	[tilespmem:s25+$0x15800] =	vst v2  }
0x4f: {  	v2 =	vld [tilespmem:s26+$0x420];
	[tilespmem:s25+$0x15810] =	vst v3  }
0x50: {  	v3 =	vld [tilespmem:s26+$0x430];
	[tilespmem:s25+$0x15820] =	vst v4;
	s25 =	smov.u32 s26  }
0x51: {  	v4 =	vld [tilespmem:s25+$0x2400];
	[tilespmem:s25+$0x15830] =	vst v5  }
0x52: {  	[tilespmem:s25+$0x10400] =	vst v0;
	v0 =	vld [tilespmem:s25+$0x2410]  }
0x53: {  	[tilespmem:s25+$0x10410] =	vst v1;
	v1 =	vld [tilespmem:s25+$0x2420]  }
0x54: {  	[tilespmem:s25+$0x10420] =	vst v2;
	v2 =	vld [tilespmem:s25+$0x2430]  }
0x55: {  	[tilespmem:s25+$0x10430] =	vst v3;
	v3 =	vld [tilespmem:s25+$0x4400]  }
0x56: {  	[tilespmem:s25+$0x12000] =	vst v4;
	v4 =	vld [tilespmem:s25+$0x4410]  }
.Ltmp0:
0x57: {  	[tilespmem:s25+$0x12010] =	vst v0;
	v0 =	vld [tilespmem:s25+$0x4420];
	(pc) =	sbr.rel @p0 .LBB2_2-.Ltmp0, $4  }
0x58: {  	[tilespmem:s25+$0x12020] =	vst v1;
	v1 =	vld [tilespmem:s25+$0x4430]  }
0x59: {  	[tilespmem:s25+$0x12030] =	vst v2;
	v2 =	vld [tilespmem:s25+$0x6400]  }
0x5a: {  	[tilespmem:s25+$0x13C00] =	vst v3;
	v3 =	vld [tilespmem:s25+$0x6410]  }
0x5b: {  	s26 =	sshra.s32 s29, $0x2;
	s29 =	sadd.s32 $0x200, s29;
	[tilespmem:s25+$0x13C10] =	vst v4;
	v4 =	vld [tilespmem:s25+$0x6420]  }
0x5c: {  	v5 =	vld [tilespmem:s26+$0x6430];
	[tilespmem:s25+$0x13C20] =	vst v0  }
0x5d: {  	v0 =	vld [tilespmem:s26+$0x400];
	[tilespmem:s25+$0x13C30] =	vst v1  }
0x5e: {  	v1 =	vld [tilespmem:s26+$0x410];
	[tilespmem:s25+$0x15800] =	vst v2  }
0x5f: {  	v2 =	vld [tilespmem:s26+$0x420];
	[tilespmem:s25+$0x15810] =	vst v3  }
0x60: {  	v3 =	vld [tilespmem:s26+$0x430];
	[tilespmem:s25+$0x15820] =	vst v4  }
0x61: {  	v4 =	vld [tilespmem:s26+$0x2400];
	[tilespmem:s26+$0x15830] =	vst v5  }
0x62: {  	[tilespmem:s26+$0x10400] =	vst v0;
	v0 =	vld [tilespmem:s26+$0x2410]  }
0x63: {  	[tilespmem:s26+$0x10410] =	vst v1;
	v1 =	vld [tilespmem:s26+$0x2420]  }
0x64: {  	[tilespmem:s26+$0x10420] =	vst v2;
	v2 =	vld [tilespmem:s26+$0x2430]  }
0x65: {  	[tilespmem:s26+$0x10430] =	vst v3;
	v3 =	vld [tilespmem:s26+$0x4400]  }
0x66: {  	[tilespmem:s26+$0x12000] =	vst v4;
	v4 =	vld [tilespmem:s26+$0x4410]  }
0x67: {  	[tilespmem:s26+$0x12010] =	vst v0;
	v0 =	vld [tilespmem:s26+$0x4420]  }
0x68: {  	[tilespmem:s26+$0x12020] =	vst v1;
	v1 =	vld [tilespmem:s26+$0x4430]  }
0x69: {  	[tilespmem:s26+$0x12030] =	vst v2;
	v2 =	vld [tilespmem:s26+$0x6400]  }
0x6a: {  	[tilespmem:s26+$0x13C00] =	vst v3;
	v3 =	vld [tilespmem:s26+$0x6410]  }
0x6b: {  	[tilespmem:s26+$0x13C10] =	vst v4;
	v4 =	vld [tilespmem:s26+$0x6420]  }
0x6c: {  	[tilespmem:s26+$0x13C20] =	vst v0  }
0x6d: {  	[tilespmem:s26+$0x13C30] =	vst v1  }
0x6e: {  	[tilespmem:s26+$0x15800] =	vst v2  }
0x6f: {  	[tilespmem:s26+$0x15810] =	vst v3  }
0x70: {  	s0 =	simm.s32 $0x0;
	[tilespmem:s26+$0x15820] =	vst v4;
	s26 =	rddreg [dreg:$0x5]  }
0x71: {  	[hbm4b:s26+s0] =	stream.linear.scatter [tilespmem:s16], [sflag:$0x3], $0x1900, $0x38;
	[tilespmem:$0x1E400] =	vst v63  }
0x72: {  	s30 =	sadd.s32 $0x380, s26  }
0x73: {  	[hbm4b:s30+s0] =	stream.linear.scatter [tilespmem:s7], [sflag:$0x3], $0x1900, $0x38;
	[tilespmem:$0x1E400] =	vst v63  }
0x74: {  	s31 =	sadd.s32 $0x700, s26  }
0x75: {  	[hbm4b:s31+s0] =	stream.linear.scatter [tilespmem:s11], [sflag:$0x3], $0x1900, $0x38;
	[tilespmem:$0x1E400] =	vst v63  }
0x76: {  	s30 =	sadd.s32 $0xA80, s26  }
0x77: {  	[hbm4b:s30+s0] =	stream.linear.scatter [tilespmem:s9], [sflag:$0x3], $0x1900, $0x38;
	[tilespmem:$0x1E400] =	vst v63  }
0x78: {  	_ =	swait.ge [sflag:s14], $0x6400  }
0x79: {  	[sflag:s14] =	ssyncset.done $0x0  }
0x7a: {  	s31 =	rddreg [dreg:$0x6];
	[sflag:s14] =	ssyncadd.s32 $0xFFFF9C00  }
0x7b: {  	[tilespmem:s0], [sflag:$0x5] =	stream.linear.gather [hbm4b:s31+s0], $0x200, $0x38;
	[tilespmem:$0x1E400] =	vst v63  }
0x7c: {  	_ =	swait.ge [sflag:s18], $0x200  }
0x7d: {  	[sflag:s18] =	ssyncset.done $0x0  }
0x7e: {  	s26 =	simm.s32 $0x400;
	[sflag:s18] =	ssyncadd.s32 $0xFFFFFE00  }
0x7f: {  	[tilespmem:s26], [sflag:$0x1] =	stream.indirect.gather [hbm4b:s4+s19], $0x80, s0, s19, $0xb8;
	[tilespmem:$0x1E400] =	vst v63  }
0x80: {  	s30 =	simm.s32 $0x80;
	s31 =	simm.s32 $0x2400  }
0x81: {  	[tilespmem:s31], [sflag:$0x1] =	stream.indirect.gather [hbm4b:s4+s19], $0x80, s30, s19, $0xb8;
	[tilespmem:$0x1E400] =	vst v63  }
0x82: {  	s25 =	simm.s32 $0x100;
	s26 =	simm.s32 $0x4400  }
0x83: {  	[tilespmem:s26], [sflag:$0x1] =	stream.indirect.gather [hbm4b:s4+s19], $0x80, s25, s19, $0xb8;
	[tilespmem:$0x1E400] =	vst v63  }
0x84: {  	s30 =	simm.s32 $0x180;
	s31 =	simm.s32 $0x6400  }
0x85: {  	[tilespmem:s31], [sflag:$0x1] =	stream.indirect.gather [hbm4b:s4+s19], $0x80, s30, s19, $0xb8;
	[tilespmem:$0x1E400] =	vst v63  }
0x86: {  	_ =	swait.ge [sflag:s15], $0x2000  }
0x87: {  	[sflag:s15] =	ssyncset.done $0x0  }
0x88: {  	[sflag:s15] =	ssyncadd.s32 $0xFFFFE000  }
0x89: {  	_ =	swait.ge [sflag:s15], $0x2000  }
0x8a: {  	[sflag:s15] =	ssyncset.done $0x0  }
0x8b: {  	[sflag:s15] =	ssyncadd.s32 $0xFFFFE000  }
0x8c: {  	_ =	swait.ge [sflag:s15], $0x2000  }
0x8d: {  	[sflag:s15] =	ssyncset.done $0x0  }
0x8e: {  	[sflag:s15] =	ssyncadd.s32 $0xFFFFE000  }
0x8f: {  	_ =	swait.ge [sflag:s15], $0x2000  }
0x90: {  	[sflag:s15] =	ssyncset.done $0x0  }
0x91: {  	s25 =	simm.s32 $0x0;
	[sflag:s15] =	ssyncadd.s32 $0xFFFFE000  }
0x92: {  	v0 =	vld [tilespmem:s25+$0xE430]  }
0x93: {  	v1 =	vld [tilespmem:s25+$0x8400]  }
0x94: {  	v2 =	vld [tilespmem:s25+$0x8410]  }
0x95: {  	v3 =	vld [tilespmem:s25+$0x8420]  }
0x96: {  	v4 =	vld [tilespmem:s25+$0x8430]  }
0x97: {  	v5 =	vld [tilespmem:s25+$0xA400];
	[tilespmem:s25+$0x1C830] =	vst v0  }
0x98: {  	[tilespmem:s25+$0x17400] =	vst v1;
	v0 =	vld [tilespmem:s25+$0xA410]  }
0x99: {  	[tilespmem:s25+$0x17410] =	vst v2;
	v1 =	vld [tilespmem:s25+$0xA420]  }
0x9a: {  	[tilespmem:s25+$0x17420] =	vst v3;
	v2 =	vld [tilespmem:s25+$0xA430]  }
0x9b: {  	[tilespmem:s25+$0x17430] =	vst v4;
	v3 =	vld [tilespmem:s25+$0xC400]  }
0x9c: {  	[tilespmem:s25+$0x19000] =	vst v5;
	v4 =	vld [tilespmem:s25+$0xC410]  }
0x9d: {  	[tilespmem:s25+$0x19010] =	vst v0;
	v0 =	vld [tilespmem:s25+$0xC420]  }
0x9e: {  	[tilespmem:s25+$0x19020] =	vst v1;
	v1 =	vld [tilespmem:s25+$0xC430]  }
0x9f: {  	[tilespmem:s25+$0x19030] =	vst v2;
	v2 =	vld [tilespmem:s25+$0xE400]  }
0xa0: {  	[tilespmem:s25+$0x1AC00] =	vst v3;
	v3 =	vld [tilespmem:s25+$0xE410]  }
0xa1: {  	s29 =	simm.s32 $0x400;
	s26 =	simm.s32 $0x80;
	[tilespmem:s25+$0x1AC10] =	vst v4;
	v4 =	vld [tilespmem:s25+$0xE420]  }
.LBB2_4:
0xa2: {  	p0 =	sne.s32 s29, $0x6200;
	v5 =	vld [tilespmem:s26+$0xE430];
	[tilespmem:s25+$0x1AC20] =	vst v0  }
0xa3: {  	v0 =	vld [tilespmem:s26+$0x8400];
	[tilespmem:s25+$0x1AC30] =	vst v1  }
0xa4: {  	v1 =	vld [tilespmem:s26+$0x8410];
	[tilespmem:s25+$0x1C800] =	vst v2  }
0xa5: {  	v2 =	vld [tilespmem:s26+$0x8420];
	[tilespmem:s25+$0x1C810] =	vst v3  }
0xa6: {  	v3 =	vld [tilespmem:s26+$0x8430];
	[tilespmem:s25+$0x1C820] =	vst v4;
	s25 =	smov.u32 s26  }
0xa7: {  	v4 =	vld [tilespmem:s25+$0xA400];
	[tilespmem:s25+$0x1C830] =	vst v5  }
0xa8: {  	[tilespmem:s25+$0x17400] =	vst v0;
	v0 =	vld [tilespmem:s25+$0xA410]  }
0xa9: {  	[tilespmem:s25+$0x17410] =	vst v1;
	v1 =	vld [tilespmem:s25+$0xA420]  }
0xaa: {  	[tilespmem:s25+$0x17420] =	vst v2;
	v2 =	vld [tilespmem:s25+$0xA430]  }
0xab: {  	[tilespmem:s25+$0x17430] =	vst v3;
	v3 =	vld [tilespmem:s25+$0xC400]  }
0xac: {  	[tilespmem:s25+$0x19000] =	vst v4;
	v4 =	vld [tilespmem:s25+$0xC410]  }
.Ltmp1:
0xad: {  	[tilespmem:s25+$0x19010] =	vst v0;
	v0 =	vld [tilespmem:s25+$0xC420];
	(pc) =	sbr.rel @p0 .LBB2_4-.Ltmp1, $4  }
0xae: {  	[tilespmem:s25+$0x19020] =	vst v1;
	v1 =	vld [tilespmem:s25+$0xC430]  }
0xaf: {  	[tilespmem:s25+$0x19030] =	vst v2;
	v2 =	vld [tilespmem:s25+$0xE400]  }
0xb0: {  	[tilespmem:s25+$0x1AC00] =	vst v3;
	v3 =	vld [tilespmem:s25+$0xE410]  }
0xb1: {  	s26 =	sshra.s32 s29, $0x2;
	s29 =	sadd.s32 $0x200, s29;
	[tilespmem:s25+$0x1AC10] =	vst v4;
	v4 =	vld [tilespmem:s25+$0xE420]  }
0xb2: {  	v5 =	vld [tilespmem:s26+$0xE430];
	[tilespmem:s25+$0x1AC20] =	vst v0  }
0xb3: {  	v0 =	vld [tilespmem:s26+$0x8400];
	[tilespmem:s25+$0x1AC30] =	vst v1  }
0xb4: {  	v1 =	vld [tilespmem:s26+$0x8410];
	[tilespmem:s25+$0x1C800] =	vst v2  }
0xb5: {  	v2 =	vld [tilespmem:s26+$0x8420];
	[tilespmem:s25+$0x1C810] =	vst v3  }
0xb6: {  	v3 =	vld [tilespmem:s26+$0x8430];
	[tilespmem:s25+$0x1C820] =	vst v4  }
0xb7: {  	v4 =	vld [tilespmem:s26+$0xA400];
	[tilespmem:s26+$0x1C830] =	vst v5  }
0xb8: {  	v54 =	vld [tilespmem:s26+$0xA410];
	[tilespmem:s26+$0x17400] =	vst v0  }
0xb9: {  	v55 =	vld [tilespmem:s26+$0xA420];
	[tilespmem:s26+$0x17410] =	vst v1  }
0xba: {  	v56 =	vld [tilespmem:s26+$0xA430];
	[tilespmem:s26+$0x17420] =	vst v2  }
0xbb: {  	v57 =	vld [tilespmem:s26+$0xC400];
	[tilespmem:s26+$0x17430] =	vst v3  }
0xbc: {  	v58 =	vld [tilespmem:s26+$0xC410];
	[tilespmem:s26+$0x19000] =	vst v4  }
0xbd: {  	v59 =	vld [tilespmem:s26+$0xC420];
	[tilespmem:s26+$0x19010] =	vst v54  }
0xbe: {  	v60 =	vld [tilespmem:s26+$0xC430];
	[tilespmem:s26+$0x19020] =	vst v55  }
0xbf: {  	v61 =	vld [tilespmem:s26+$0xE400];
	[tilespmem:s26+$0x19030] =	vst v56  }
0xc0: {  	v62 =	vld [tilespmem:s26+$0xE410];
	[tilespmem:s26+$0x1AC00] =	vst v57  }
0xc1: {  	v63 =	vld [tilespmem:s26+$0xE420];
	[tilespmem:s26+$0x1AC10] =	vst v58  }
0xc2: {  	[tilespmem:s26+$0x1AC20] =	vst v59  }
0xc3: {  	[tilespmem:s26+$0x1AC30] =	vst v60  }
0xc4: {  	[tilespmem:s26+$0x1C800] =	vst v61  }
0xc5: {  	[tilespmem:s26+$0x1C810] =	vst v62  }
0xc6: {  	s29 =	rddreg [dreg:$0x7];
	[tilespmem:s26+$0x1C820] =	vst v63  }
0xc7: {  	[hbm4b:s29+s3] =	stream.linear.scatter [tilespmem:s20], [sflag:$0x4], $0x1900, $0x38;
	[tilespmem:$0x1E400] =	vst v63  }
0xc8: {  	s0 =	sadd.s32 $0x380, s29  }
0xc9: {  	[hbm4b:s0+s3] =	stream.linear.scatter [tilespmem:s21], [sflag:$0x4], $0x1900, $0x38;
	[tilespmem:$0x1E400] =	vst v63  }
0xca: {  	s30 =	sadd.s32 $0x700, s29  }
0xcb: {  	[hbm4b:s30+s3] =	stream.linear.scatter [tilespmem:s22], [sflag:$0x4], $0x1900, $0x38;
	[tilespmem:$0x1E400] =	vst v63  }
0xcc: {  	s31 =	sadd.s32 $0xA80, s29;
	s25 =	simm.s32 $0x1  }
0xcd: {  	[hbm4b:s31+s3] =	stream.linear.scatter [tilespmem:s23], [sflag:$0x4], $0x1900, $0x38;
	[tilespmem:$0x1E400] =	vst v63  }
.LBB2_6:
0xce: {  	s29 =	sshll.u32 s25, $0x3  }
0xcf: {  	_ =	swait.ge [sflag:s24], $0x6400;
	s26 =	sor.u32 s17, s29  }
0xd0: {  	[sflag:s24] =	ssyncset.done $0x0;
	s0 =	sshll.u32 s26, $0x4  }
0xd1: {  	s30 =	simm.s32 $0x0;
	[sflag:s24] =	ssyncadd.s32 $0xFFFF9C00;
	s0 =	sadd.s32 s1, s0  }
0xd2: {  	[tilespmem:s28], [sflag:$0x5] =	stream.linear.gather [hbm4b:s0+s30], $0x200, $0x38;
	[tilespmem:$0x1E400] =	vst v63  }
0xd3: {  	_ =	swait.ge [sflag:s18], $0x200  }
0xd4: {  	[sflag:s18] =	ssyncset.done $0x0  }
0xd5: {  	s0 =	simm.s32 $0x8400;
	[sflag:s18] =	ssyncadd.s32 $0xFFFFFE00  }
0xd6: {  	[tilespmem:s0], [sflag:$0x2] =	stream.indirect.gather [hbm4b:s4+s19], $0x80, s28, s19, $0xb8;
	[tilespmem:$0x1E400] =	vst v63  }
0xd7: {  	s30 =	simm.s32 $0xA400;
	s0 =	simm.s32 $0x280  }
0xd8: {  	[tilespmem:s30], [sflag:$0x2] =	stream.indirect.gather [hbm4b:s4+s19], $0x80, s0, s19, $0xb8;
	[tilespmem:$0x1E400] =	vst v63  }
0xd9: {  	s0 =	simm.s32 $0x300  }
0xda: {  	[tilespmem:s2], [sflag:$0x2] =	stream.indirect.gather [hbm4b:s4+s19], $0x80, s0, s19, $0xb8;
	[tilespmem:$0x1E400] =	vst v63  }
0xdb: {  	_ = 	snop  }
0xdc: {  	[tilespmem:s10], [sflag:$0x2] =	stream.indirect.gather [hbm4b:s4+s19], $0x80, s8, s19, $0xb8;
	[tilespmem:$0x1E400] =	vst v63  }
0xdd: {  	_ =	swait.ge [sflag:s13], $0x2000  }
0xde: {  	[sflag:s13] =	ssyncset.done $0x0  }
0xdf: {  	[sflag:s13] =	ssyncadd.s32 $0xFFFFE000  }
0xe0: {  	_ =	swait.ge [sflag:s13], $0x2000  }
0xe1: {  	[sflag:s13] =	ssyncset.done $0x0  }
0xe2: {  	[sflag:s13] =	ssyncadd.s32 $0xFFFFE000  }
0xe3: {  	_ =	swait.ge [sflag:s13], $0x2000  }
0xe4: {  	[sflag:s13] =	ssyncset.done $0x0  }
0xe5: {  	[sflag:s13] =	ssyncadd.s32 $0xFFFFE000  }
0xe6: {  	_ =	swait.ge [sflag:s13], $0x2000  }
0xe7: {  	[sflag:s13] =	ssyncset.done $0x0  }
0xe8: {  	s30 =	simm.s32 $0x0;
	[sflag:s13] =	ssyncadd.s32 $0xFFFFE000  }
0xe9: {  	v0 =	vld [tilespmem:s30+$0x6430]  }
0xea: {  	v1 =	vld [tilespmem:s30+$0x400]  }
0xeb: {  	v2 =	vld [tilespmem:s30+$0x410]  }
0xec: {  	v3 =	vld [tilespmem:s30+$0x420]  }
0xed: {  	v4 =	vld [tilespmem:s30+$0x430]  }
0xee: {  	v5 =	vld [tilespmem:s30+$0x2400];
	[tilespmem:s30+$0x15830] =	vst v0  }
0xef: {  	[tilespmem:s30+$0x10400] =	vst v1;
	v0 =	vld [tilespmem:s30+$0x2410]  }
0xf0: {  	[tilespmem:s30+$0x10410] =	vst v2;
	v1 =	vld [tilespmem:s30+$0x2420]  }
0xf1: {  	[tilespmem:s30+$0x10420] =	vst v3;
	v2 =	vld [tilespmem:s30+$0x2430]  }
0xf2: {  	[tilespmem:s30+$0x10430] =	vst v4;
	v3 =	vld [tilespmem:s30+$0x4400]  }
0xf3: {  	[tilespmem:s30+$0x12000] =	vst v5;
	v4 =	vld [tilespmem:s30+$0x4410]  }
0xf4: {  	[tilespmem:s30+$0x12010] =	vst v0;
	v0 =	vld [tilespmem:s30+$0x4420]  }
0xf5: {  	[tilespmem:s30+$0x12020] =	vst v1;
	v1 =	vld [tilespmem:s30+$0x4430]  }
0xf6: {  	[tilespmem:s30+$0x12030] =	vst v2;
	v2 =	vld [tilespmem:s30+$0x6400]  }
0xf7: {  	[tilespmem:s30+$0x13C00] =	vst v3;
	v3 =	vld [tilespmem:s30+$0x6410]  }
0xf8: {  	s31 =	simm.s32 $0x80;
	s0 =	simm.s32 $0x400;
	[tilespmem:s30+$0x13C10] =	vst v4;
	v4 =	vld [tilespmem:s30+$0x6420]  }
.LBB2_7:
0xf9: {  	p0 =	sne.s32 s0, $0x6200;
	v5 =	vld [tilespmem:s31+$0x6430];
	[tilespmem:s30+$0x13C20] =	vst v0  }
0xfa: {  	v0 =	vld [tilespmem:s31+$0x400];
	[tilespmem:s30+$0x13C30] =	vst v1  }
0xfb: {  	v1 =	vld [tilespmem:s31+$0x410];
	[tilespmem:s30+$0x15800] =	vst v2  }
0xfc: {  	v2 =	vld [tilespmem:s31+$0x420];
	[tilespmem:s30+$0x15810] =	vst v3  }
0xfd: {  	v3 =	vld [tilespmem:s31+$0x430];
	[tilespmem:s30+$0x15820] =	vst v4;
	s30 =	smov.u32 s31  }
0xfe: {  	v4 =	vld [tilespmem:s30+$0x2400];
	[tilespmem:s30+$0x15830] =	vst v5  }
0xff: {  	[tilespmem:s30+$0x10400] =	vst v0;
	v0 =	vld [tilespmem:s30+$0x2410]  }
0x100: {  	[tilespmem:s30+$0x10410] =	vst v1;
	v1 =	vld [tilespmem:s30+$0x2420]  }
0x101: {  	[tilespmem:s30+$0x10420] =	vst v2;
	v2 =	vld [tilespmem:s30+$0x2430]  }
0x102: {  	[tilespmem:s30+$0x10430] =	vst v3;
	v3 =	vld [tilespmem:s30+$0x4400]  }
0x103: {  	[tilespmem:s30+$0x12000] =	vst v4;
	v4 =	vld [tilespmem:s30+$0x4410]  }
.Ltmp2:
0x104: {  	[tilespmem:s30+$0x12010] =	vst v0;
	v0 =	vld [tilespmem:s30+$0x4420];
	(pc) =	sbr.rel @p0 .LBB2_7-.Ltmp2, $4  }
0x105: {  	[tilespmem:s30+$0x12020] =	vst v1;
	v1 =	vld [tilespmem:s30+$0x4430]  }
0x106: {  	[tilespmem:s30+$0x12030] =	vst v2;
	v2 =	vld [tilespmem:s30+$0x6400]  }
0x107: {  	[tilespmem:s30+$0x13C00] =	vst v3;
	v3 =	vld [tilespmem:s30+$0x6410]  }
0x108: {  	s31 =	sshra.s32 s0, $0x2;
	s0 =	sadd.s32 $0x200, s0;
	[tilespmem:s30+$0x13C10] =	vst v4;
	v4 =	vld [tilespmem:s30+$0x6420]  }
0x109: {  	v5 =	vld [tilespmem:s31+$0x6430];
	[tilespmem:s30+$0x13C20] =	vst v0  }
0x10a: {  	v0 =	vld [tilespmem:s31+$0x400];
	[tilespmem:s30+$0x13C30] =	vst v1  }
0x10b: {  	v1 =	vld [tilespmem:s31+$0x410];
	[tilespmem:s30+$0x15800] =	vst v2  }
0x10c: {  	v2 =	vld [tilespmem:s31+$0x420];
	[tilespmem:s30+$0x15810] =	vst v3  }
0x10d: {  	v3 =	vld [tilespmem:s31+$0x430];
	[tilespmem:s30+$0x15820] =	vst v4  }
0x10e: {  	v4 =	vld [tilespmem:s31+$0x2400];
	[tilespmem:s31+$0x15830] =	vst v5  }
0x10f: {  	[tilespmem:s31+$0x10400] =	vst v0;
	v0 =	vld [tilespmem:s31+$0x2410]  }
0x110: {  	[tilespmem:s31+$0x10410] =	vst v1;
	v1 =	vld [tilespmem:s31+$0x2420]  }
0x111: {  	[tilespmem:s31+$0x10420] =	vst v2;
	v2 =	vld [tilespmem:s31+$0x2430]  }
0x112: {  	[tilespmem:s31+$0x10430] =	vst v3;
	v3 =	vld [tilespmem:s31+$0x4400]  }
0x113: {  	[tilespmem:s31+$0x12000] =	vst v4;
	v4 =	vld [tilespmem:s31+$0x4410]  }
0x114: {  	[tilespmem:s31+$0x12010] =	vst v0;
	v0 =	vld [tilespmem:s31+$0x4420]  }
0x115: {  	[tilespmem:s31+$0x12020] =	vst v1;
	v1 =	vld [tilespmem:s31+$0x4430]  }
0x116: {  	[tilespmem:s31+$0x12030] =	vst v2;
	v2 =	vld [tilespmem:s31+$0x6400]  }
0x117: {  	[tilespmem:s31+$0x13C00] =	vst v3;
	v3 =	vld [tilespmem:s31+$0x6410]  }
0x118: {  	[tilespmem:s31+$0x13C10] =	vst v4;
	v4 =	vld [tilespmem:s31+$0x6420]  }
0x119: {  	[tilespmem:s31+$0x13C20] =	vst v0  }
0x11a: {  	s0 =	sadd.s32 s6, s29;
	[tilespmem:s31+$0x13C30] =	vst v1  }
0x11b: {  	s0 =	smul.u32 $0x380, s0;
	[tilespmem:s31+$0x15800] =	vst v2  }
0x11c: {  	[tilespmem:s31+$0x15810] =	vst v3  }
0x11d: {  	s0 =	sadd.s32 s5, s0;
	s30 =	simm.s32 $0x0;
	[tilespmem:s31+$0x15820] =	vst v4  }
0x11e: {  	[hbm4b:s0+s30] =	stream.linear.scatter [tilespmem:s16], [sflag:$0x3], $0x1900, $0x38;
	[tilespmem:$0x1E400] =	vst v63  }
0x11f: {  	s31 =	sadd.s32 $0x380, s0  }
0x120: {  	[hbm4b:s31+s30] =	stream.linear.scatter [tilespmem:s7], [sflag:$0x3], $0x1900, $0x38;
	[tilespmem:$0x1E400] =	vst v63  }
0x121: {  	s31 =	sadd.s32 $0x700, s0  }
0x122: {  	[hbm4b:s31+s30] =	stream.linear.scatter [tilespmem:s11], [sflag:$0x3], $0x1900, $0x38;
	[tilespmem:$0x1E400] =	vst v63  }
0x123: {  	s0 =	sadd.s32 $0xA80, s0  }
0x124: {  	[hbm4b:s0+s30] =	stream.linear.scatter [tilespmem:s9], [sflag:$0x3], $0x1900, $0x38;
	[tilespmem:$0x1E400] =	vst v63  }
0x125: {  	s31 =	sadd.s32 s29, s12;
	_ =	swait.ge [sflag:s14], $0x6400  }
0x126: {  	s0 =	sshll.u32 s31, $0x4;
	[sflag:s14] =	ssyncset.done $0x0  }
0x127: {  	s0 =	sadd.s32 s1, s0;
	[sflag:s14] =	ssyncadd.s32 $0xFFFF9C00  }
0x128: {  	[tilespmem:s30], [sflag:$0x5] =	stream.linear.gather [hbm4b:s0+s30], $0x200, $0x38;
	[tilespmem:$0x1E400] =	vst v63  }
0x129: {  	_ =	swait.ge [sflag:s18], $0x200  }
0x12a: {  	[sflag:s18] =	ssyncset.done $0x0  }
0x12b: {  	s31 =	simm.s32 $0x400;
	[sflag:s18] =	ssyncadd.s32 $0xFFFFFE00  }
0x12c: {  	[tilespmem:s31], [sflag:$0x1] =	stream.indirect.gather [hbm4b:s4+s19], $0x80, s30, s19, $0xb8;
	[tilespmem:$0x1E400] =	vst v63  }
0x12d: {  	s29 =	simm.s32 $0x2400;
	s31 =	simm.s32 $0x80  }
0x12e: {  	[tilespmem:s29], [sflag:$0x1] =	stream.indirect.gather [hbm4b:s4+s19], $0x80, s31, s19, $0xb8;
	[tilespmem:$0x1E400] =	vst v63  }
0x12f: {  	s31 =	simm.s32 $0x100;
	s29 =	simm.s32 $0x4400  }
0x130: {  	[tilespmem:s29], [sflag:$0x1] =	stream.indirect.gather [hbm4b:s4+s19], $0x80, s31, s19, $0xb8;
	[tilespmem:$0x1E400] =	vst v63  }
0x131: {  	s31 =	simm.s32 $0x180;
	s29 =	simm.s32 $0x6400  }
0x132: {  	[tilespmem:s29], [sflag:$0x1] =	stream.indirect.gather [hbm4b:s4+s19], $0x80, s31, s19, $0xb8;
	[tilespmem:$0x1E400] =	vst v63  }
0x133: {  	_ =	swait.ge [sflag:s15], $0x2000  }
0x134: {  	[sflag:s15] =	ssyncset.done $0x0  }
0x135: {  	[sflag:s15] =	ssyncadd.s32 $0xFFFFE000  }
0x136: {  	_ =	swait.ge [sflag:s15], $0x2000  }
0x137: {  	[sflag:s15] =	ssyncset.done $0x0  }
0x138: {  	[sflag:s15] =	ssyncadd.s32 $0xFFFFE000  }
0x139: {  	_ =	swait.ge [sflag:s15], $0x2000  }
0x13a: {  	[sflag:s15] =	ssyncset.done $0x0  }
0x13b: {  	[sflag:s15] =	ssyncadd.s32 $0xFFFFE000  }
0x13c: {  	_ =	swait.ge [sflag:s15], $0x2000  }
0x13d: {  	[sflag:s15] =	ssyncset.done $0x0  }
0x13e: {  	s29 =	simm.s32 $0x0;
	[sflag:s15] =	ssyncadd.s32 $0xFFFFE000  }
0x13f: {  	v0 =	vld [tilespmem:s29+$0xE430]  }
0x140: {  	v1 =	vld [tilespmem:s29+$0x8400]  }
0x141: {  	v2 =	vld [tilespmem:s29+$0x8410]  }
0x142: {  	v3 =	vld [tilespmem:s29+$0x8420]  }
0x143: {  	v4 =	vld [tilespmem:s29+$0x8430]  }
0x144: {  	v5 =	vld [tilespmem:s29+$0xA400];
	[tilespmem:s29+$0x1C830] =	vst v0  }
0x145: {  	[tilespmem:s29+$0x17400] =	vst v1;
	v0 =	vld [tilespmem:s29+$0xA410]  }
0x146: {  	[tilespmem:s29+$0x17410] =	vst v2;
	v1 =	vld [tilespmem:s29+$0xA420]  }
0x147: {  	[tilespmem:s29+$0x17420] =	vst v3;
	v2 =	vld [tilespmem:s29+$0xA430]  }
0x148: {  	[tilespmem:s29+$0x17430] =	vst v4;
	v3 =	vld [tilespmem:s29+$0xC400]  }
0x149: {  	[tilespmem:s29+$0x19000] =	vst v5;
	v4 =	vld [tilespmem:s29+$0xC410]  }
0x14a: {  	[tilespmem:s29+$0x19010] =	vst v0;
	v0 =	vld [tilespmem:s29+$0xC420]  }
0x14b: {  	[tilespmem:s29+$0x19020] =	vst v1;
	v1 =	vld [tilespmem:s29+$0xC430]  }
0x14c: {  	[tilespmem:s29+$0x19030] =	vst v2;
	v2 =	vld [tilespmem:s29+$0xE400]  }
0x14d: {  	[tilespmem:s29+$0x1AC00] =	vst v3;
	v3 =	vld [tilespmem:s29+$0xE410]  }
0x14e: {  	s0 =	simm.s32 $0x400;
	s30 =	simm.s32 $0x80;
	[tilespmem:s29+$0x1AC10] =	vst v4;
	v4 =	vld [tilespmem:s29+$0xE420]  }
.LBB2_9:
0x14f: {  	p0 =	sne.s32 s0, $0x6200;
	v5 =	vld [tilespmem:s30+$0xE430];
	[tilespmem:s29+$0x1AC20] =	vst v0  }
0x150: {  	v0 =	vld [tilespmem:s30+$0x8400];
	[tilespmem:s29+$0x1AC30] =	vst v1  }
0x151: {  	v1 =	vld [tilespmem:s30+$0x8410];
	[tilespmem:s29+$0x1C800] =	vst v2  }
0x152: {  	v2 =	vld [tilespmem:s30+$0x8420];
	[tilespmem:s29+$0x1C810] =	vst v3  }
0x153: {  	v3 =	vld [tilespmem:s30+$0x8430];
	[tilespmem:s29+$0x1C820] =	vst v4;
	s29 =	smov.u32 s30  }
0x154: {  	v4 =	vld [tilespmem:s29+$0xA400];
	[tilespmem:s29+$0x1C830] =	vst v5  }
0x155: {  	[tilespmem:s29+$0x17400] =	vst v0;
	v0 =	vld [tilespmem:s29+$0xA410]  }
0x156: {  	[tilespmem:s29+$0x17410] =	vst v1;
	v1 =	vld [tilespmem:s29+$0xA420]  }
0x157: {  	[tilespmem:s29+$0x17420] =	vst v2;
	v2 =	vld [tilespmem:s29+$0xA430]  }
0x158: {  	[tilespmem:s29+$0x17430] =	vst v3;
	v3 =	vld [tilespmem:s29+$0xC400]  }
0x159: {  	[tilespmem:s29+$0x19000] =	vst v4;
	v4 =	vld [tilespmem:s29+$0xC410]  }
.Ltmp3:
0x15a: {  	[tilespmem:s29+$0x19010] =	vst v0;
	v0 =	vld [tilespmem:s29+$0xC420];
	(pc) =	sbr.rel @p0 .LBB2_9-.Ltmp3, $4  }
0x15b: {  	[tilespmem:s29+$0x19020] =	vst v1;
	v1 =	vld [tilespmem:s29+$0xC430]  }
0x15c: {  	[tilespmem:s29+$0x19030] =	vst v2;
	v2 =	vld [tilespmem:s29+$0xE400]  }
0x15d: {  	[tilespmem:s29+$0x1AC00] =	vst v3;
	v3 =	vld [tilespmem:s29+$0xE410]  }
0x15e: {  	s30 =	sshra.s32 s0, $0x2;
	s0 =	sadd.s32 $0x200, s0;
	[tilespmem:s29+$0x1AC10] =	vst v4;
	v4 =	vld [tilespmem:s29+$0xE420]  }
0x15f: {  	v5 =	vld [tilespmem:s30+$0xE430];
	[tilespmem:s29+$0x1AC20] =	vst v0  }
0x160: {  	v0 =	vld [tilespmem:s30+$0x8400];
	[tilespmem:s29+$0x1AC30] =	vst v1  }
0x161: {  	v1 =	vld [tilespmem:s30+$0x8410];
	[tilespmem:s29+$0x1C800] =	vst v2  }
0x162: {  	v2 =	vld [tilespmem:s30+$0x8420];
	[tilespmem:s29+$0x1C810] =	vst v3  }
0x163: {  	v3 =	vld [tilespmem:s30+$0x8430];
	[tilespmem:s29+$0x1C820] =	vst v4  }
0x164: {  	v4 =	vld [tilespmem:s30+$0xA400];
	[tilespmem:s30+$0x1C830] =	vst v5  }
0x165: {  	v54 =	vld [tilespmem:s30+$0xA410];
	[tilespmem:s30+$0x17400] =	vst v0  }
0x166: {  	v55 =	vld [tilespmem:s30+$0xA420];
	[tilespmem:s30+$0x17410] =	vst v1  }
0x167: {  	v56 =	vld [tilespmem:s30+$0xA430];
	[tilespmem:s30+$0x17420] =	vst v2  }
0x168: {  	v57 =	vld [tilespmem:s30+$0xC400];
	[tilespmem:s30+$0x17430] =	vst v3  }
0x169: {  	v58 =	vld [tilespmem:s30+$0xC410];
	[tilespmem:s30+$0x19000] =	vst v4  }
0x16a: {  	v59 =	vld [tilespmem:s30+$0xC420];
	[tilespmem:s30+$0x19010] =	vst v54  }
0x16b: {  	v60 =	vld [tilespmem:s30+$0xC430];
	[tilespmem:s30+$0x19020] =	vst v55  }
0x16c: {  	v61 =	vld [tilespmem:s30+$0xE400];
	[tilespmem:s30+$0x19030] =	vst v56  }
0x16d: {  	v62 =	vld [tilespmem:s30+$0xE410];
	[tilespmem:s30+$0x1AC00] =	vst v57  }
0x16e: {  	v63 =	vld [tilespmem:s30+$0xE420];
	[tilespmem:s30+$0x1AC10] =	vst v58  }
0x16f: {  	[tilespmem:s30+$0x1AC20] =	vst v59  }
0x170: {  	[tilespmem:s30+$0x1AC30] =	vst v60  }
0x171: {  	s0 =	smul.u32 $0x380, s26;
	[tilespmem:s30+$0x1C800] =	vst v61  }
0x172: {  	[tilespmem:s30+$0x1C810] =	vst v62  }
0x173: {  	s25 =	sadd.s32 $0x1, s25;
	s0 =	sadd.s32 s5, s0;
	[tilespmem:s30+$0x1C820] =	vst v63  }
0x174: {  	[hbm4b:s0+s3] =	stream.linear.scatter [tilespmem:s20], [sflag:$0x4], $0x1900, $0x38;
	[tilespmem:$0x1E400] =	vst v63  }
0x175: {  	p0 =	sne.s32 s25, $0x3F;
	s30 =	sadd.s32 $0x380, s0  }
0x176: {  	[hbm4b:s30+s3] =	stream.linear.scatter [tilespmem:s21], [sflag:$0x4], $0x1900, $0x38;
	[tilespmem:$0x1E400] =	vst v63  }
.Ltmp4:
0x177: {  	_ = 	snop;
	(pc) =	sbr.rel @p0 .LBB2_6-.Ltmp4, $4  }
0x178: {  	s31 =	sadd.s32 $0x700, s0  }
0x179: {  	[hbm4b:s31+s3] =	stream.linear.scatter [tilespmem:s22], [sflag:$0x4], $0x1900, $0x38;
	[tilespmem:$0x1E400] =	vst v63  }
0x17a: {  	s0 =	sadd.s32 $0xA80, s0  }
0x17b: {  	[hbm4b:s0+s3] =	stream.linear.scatter [tilespmem:s23], [sflag:$0x4], $0x1900, $0x38;
	[tilespmem:$0x1E400] =	vst v63  }
0x17c: {  	_ =	swait.ge [sflag:s24], $0x6400  }
0x17d: {  	[sflag:s24] =	ssyncset.done $0x0  }
0x17e: {  	s0 =	simm.s32 $0x0;
	s25 =	rddreg [dreg:$0x8];
	[sflag:s24] =	ssyncadd.s32 $0xFFFF9C00  }
0x17f: {  	[tilespmem:s28], [sflag:$0x5] =	stream.linear.gather [hbm4b:s25+s0], $0x200, $0x38;
	[tilespmem:$0x1E400] =	vst v63  }
0x180: {  	_ =	swait.ge [sflag:s18], $0x200  }
0x181: {  	[sflag:s18] =	ssyncset.done $0x0  }
0x182: {  	s26 =	simm.s32 $0x8400;
	[sflag:s18] =	ssyncadd.s32 $0xFFFFFE00  }
0x183: {  	[tilespmem:s26], [sflag:$0x2] =	stream.indirect.gather [hbm4b:s4+s19], $0x80, s28, s19, $0xb8;
	[tilespmem:$0x1E400] =	vst v63  }
0x184: {  	s29 =	simm.s32 $0x280;
	s30 =	simm.s32 $0xA400  }
0x185: {  	[tilespmem:s30], [sflag:$0x2] =	stream.indirect.gather [hbm4b:s4+s19], $0x80, s29, s19, $0xb8;
	[tilespmem:$0x1E400] =	vst v63  }
0x186: {  	s31 =	simm.s32 $0x300  }
0x187: {  	[tilespmem:s2], [sflag:$0x2] =	stream.indirect.gather [hbm4b:s4+s19], $0x80, s31, s19, $0xb8;
	[tilespmem:$0x1E400] =	vst v63  }
0x188: {  	_ = 	snop  }
0x189: {  	[tilespmem:s10], [sflag:$0x2] =	stream.indirect.gather [hbm4b:s4+s19], $0x80, s8, s19, $0xb8;
	[tilespmem:$0x1E400] =	vst v63  }
0x18a: {  	_ =	swait.ge [sflag:s13], $0x2000  }
0x18b: {  	[sflag:s13] =	ssyncset.done $0x0  }
0x18c: {  	[sflag:s13] =	ssyncadd.s32 $0xFFFFE000  }
0x18d: {  	_ =	swait.ge [sflag:s13], $0x2000  }
0x18e: {  	[sflag:s13] =	ssyncset.done $0x0  }
0x18f: {  	[sflag:s13] =	ssyncadd.s32 $0xFFFFE000  }
0x190: {  	_ =	swait.ge [sflag:s13], $0x2000  }
0x191: {  	[sflag:s13] =	ssyncset.done $0x0  }
0x192: {  	[sflag:s13] =	ssyncadd.s32 $0xFFFFE000  }
0x193: {  	_ =	swait.ge [sflag:s13], $0x2000  }
0x194: {  	[sflag:s13] =	ssyncset.done $0x0  }
0x195: {  	s25 =	simm.s32 $0x0;
	[sflag:s13] =	ssyncadd.s32 $0xFFFFE000  }
0x196: {  	v0 =	vld [tilespmem:s25+$0x6430]  }
0x197: {  	v1 =	vld [tilespmem:s25+$0x400]  }
0x198: {  	v2 =	vld [tilespmem:s25+$0x410]  }
0x199: {  	v3 =	vld [tilespmem:s25+$0x420]  }
0x19a: {  	v4 =	vld [tilespmem:s25+$0x430]  }
0x19b: {  	v5 =	vld [tilespmem:s25+$0x2400];
	[tilespmem:s25+$0x15830] =	vst v0  }
0x19c: {  	[tilespmem:s25+$0x10400] =	vst v1;
	v0 =	vld [tilespmem:s25+$0x2410]  }
0x19d: {  	[tilespmem:s25+$0x10410] =	vst v2;
	v1 =	vld [tilespmem:s25+$0x2420]  }
0x19e: {  	[tilespmem:s25+$0x10420] =	vst v3;
	v2 =	vld [tilespmem:s25+$0x2430]  }
0x19f: {  	[tilespmem:s25+$0x10430] =	vst v4;
	v3 =	vld [tilespmem:s25+$0x4400]  }
0x1a0: {  	[tilespmem:s25+$0x12000] =	vst v5;
	v4 =	vld [tilespmem:s25+$0x4410]  }
0x1a1: {  	[tilespmem:s25+$0x12010] =	vst v0;
	v0 =	vld [tilespmem:s25+$0x4420]  }
0x1a2: {  	[tilespmem:s25+$0x12020] =	vst v1;
	v1 =	vld [tilespmem:s25+$0x4430]  }
0x1a3: {  	[tilespmem:s25+$0x12030] =	vst v2;
	v2 =	vld [tilespmem:s25+$0x6400]  }
0x1a4: {  	[tilespmem:s25+$0x13C00] =	vst v3;
	v3 =	vld [tilespmem:s25+$0x6410]  }
0x1a5: {  	s0 =	simm.s32 $0x400;
	s26 =	simm.s32 $0x80;
	[tilespmem:s25+$0x13C10] =	vst v4;
	v4 =	vld [tilespmem:s25+$0x6420]  }
.LBB2_12:
0x1a6: {  	p0 =	sne.s32 s0, $0x6200;
	v5 =	vld [tilespmem:s26+$0x6430];
	[tilespmem:s25+$0x13C20] =	vst v0  }
0x1a7: {  	v0 =	vld [tilespmem:s26+$0x400];
	[tilespmem:s25+$0x13C30] =	vst v1  }
0x1a8: {  	v1 =	vld [tilespmem:s26+$0x410];
	[tilespmem:s25+$0x15800] =	vst v2  }
0x1a9: {  	v2 =	vld [tilespmem:s26+$0x420];
	[tilespmem:s25+$0x15810] =	vst v3  }
0x1aa: {  	v3 =	vld [tilespmem:s26+$0x430];
	[tilespmem:s25+$0x15820] =	vst v4;
	s25 =	smov.u32 s26  }
0x1ab: {  	v4 =	vld [tilespmem:s25+$0x2400];
	[tilespmem:s25+$0x15830] =	vst v5  }
0x1ac: {  	[tilespmem:s25+$0x10400] =	vst v0;
	v0 =	vld [tilespmem:s25+$0x2410]  }
0x1ad: {  	[tilespmem:s25+$0x10410] =	vst v1;
	v1 =	vld [tilespmem:s25+$0x2420]  }
0x1ae: {  	[tilespmem:s25+$0x10420] =	vst v2;
	v2 =	vld [tilespmem:s25+$0x2430]  }
0x1af: {  	[tilespmem:s25+$0x10430] =	vst v3;
	v3 =	vld [tilespmem:s25+$0x4400]  }
0x1b0: {  	[tilespmem:s25+$0x12000] =	vst v4;
	v4 =	vld [tilespmem:s25+$0x4410]  }
.Ltmp5:
0x1b1: {  	[tilespmem:s25+$0x12010] =	vst v0;
	v0 =	vld [tilespmem:s25+$0x4420];
	(pc) =	sbr.rel @p0 .LBB2_12-.Ltmp5, $4  }
0x1b2: {  	[tilespmem:s25+$0x12020] =	vst v1;
	v1 =	vld [tilespmem:s25+$0x4430]  }
0x1b3: {  	[tilespmem:s25+$0x12030] =	vst v2;
	v2 =	vld [tilespmem:s25+$0x6400]  }
0x1b4: {  	[tilespmem:s25+$0x13C00] =	vst v3;
	v3 =	vld [tilespmem:s25+$0x6410]  }
0x1b5: {  	s26 =	sshra.s32 s0, $0x2;
	s0 =	sadd.s32 $0x200, s0;
	[tilespmem:s25+$0x13C10] =	vst v4;
	v4 =	vld [tilespmem:s25+$0x6420]  }
0x1b6: {  	v5 =	vld [tilespmem:s26+$0x6430];
	[tilespmem:s25+$0x13C20] =	vst v0  }
0x1b7: {  	v0 =	vld [tilespmem:s26+$0x400];
	[tilespmem:s25+$0x13C30] =	vst v1  }
0x1b8: {  	v1 =	vld [tilespmem:s26+$0x410];
	[tilespmem:s25+$0x15800] =	vst v2  }
0x1b9: {  	v2 =	vld [tilespmem:s26+$0x420];
	[tilespmem:s25+$0x15810] =	vst v3  }
0x1ba: {  	v3 =	vld [tilespmem:s26+$0x430];
	[tilespmem:s25+$0x15820] =	vst v4  }
0x1bb: {  	v4 =	vld [tilespmem:s26+$0x2400];
	[tilespmem:s26+$0x15830] =	vst v5  }
0x1bc: {  	[tilespmem:s26+$0x10400] =	vst v0;
	v0 =	vld [tilespmem:s26+$0x2410]  }
0x1bd: {  	[tilespmem:s26+$0x10410] =	vst v1;
	v1 =	vld [tilespmem:s26+$0x2420]  }
0x1be: {  	[tilespmem:s26+$0x10420] =	vst v2;
	v2 =	vld [tilespmem:s26+$0x2430]  }
0x1bf: {  	[tilespmem:s26+$0x10430] =	vst v3;
	v3 =	vld [tilespmem:s26+$0x4400]  }
0x1c0: {  	[tilespmem:s26+$0x12000] =	vst v4;
	v4 =	vld [tilespmem:s26+$0x4410]  }
0x1c1: {  	[tilespmem:s26+$0x12010] =	vst v0;
	v0 =	vld [tilespmem:s26+$0x4420]  }
0x1c2: {  	[tilespmem:s26+$0x12020] =	vst v1;
	v1 =	vld [tilespmem:s26+$0x4430]  }
0x1c3: {  	[tilespmem:s26+$0x12030] =	vst v2;
	v2 =	vld [tilespmem:s26+$0x6400]  }
0x1c4: {  	[tilespmem:s26+$0x13C00] =	vst v3;
	v3 =	vld [tilespmem:s26+$0x6410]  }
0x1c5: {  	[tilespmem:s26+$0x13C10] =	vst v4;
	v4 =	vld [tilespmem:s26+$0x6420]  }
0x1c6: {  	[tilespmem:s26+$0x13C20] =	vst v0  }
0x1c7: {  	[tilespmem:s26+$0x13C30] =	vst v1  }
0x1c8: {  	[tilespmem:s26+$0x15800] =	vst v2  }
0x1c9: {  	[tilespmem:s26+$0x15810] =	vst v3  }
0x1ca: {  	s0 =	simm.s32 $0x0;
	s31 =	rddreg [dreg:$0x9];
	[tilespmem:s26+$0x15820] =	vst v4  }
0x1cb: {  	[hbm4b:s31+s0] =	stream.linear.scatter [tilespmem:s16], [sflag:$0x3], $0x1900, $0x38;
	[tilespmem:$0x1E400] =	vst v63  }
0x1cc: {  	s29 =	sadd.s32 $0x380, s31  }
0x1cd: {  	[hbm4b:s29+s0] =	stream.linear.scatter [tilespmem:s7], [sflag:$0x3], $0x1900, $0x38;
	[tilespmem:$0x1E400] =	vst v63  }
0x1ce: {  	s30 =	sadd.s32 $0x700, s31  }
0x1cf: {  	[hbm4b:s30+s0] =	stream.linear.scatter [tilespmem:s11], [sflag:$0x3], $0x1900, $0x38;
	[tilespmem:$0x1E400] =	vst v63  }
0x1d0: {  	s31 =	sadd.s32 $0xA80, s31  }
0x1d1: {  	[hbm4b:s31+s0] =	stream.linear.scatter [tilespmem:s9], [sflag:$0x3], $0x1900, $0x38;
	[tilespmem:$0x1E400] =	vst v63  }
0x1d2: {  	_ =	swait.ge [sflag:s15], $0x2000  }
0x1d3: {  	[sflag:s15] =	ssyncset.done $0x0  }
0x1d4: {  	[sflag:s15] =	ssyncadd.s32 $0xFFFFE000  }
0x1d5: {  	_ =	swait.ge [sflag:s15], $0x2000  }
0x1d6: {  	[sflag:s15] =	ssyncset.done $0x0  }
0x1d7: {  	[sflag:s15] =	ssyncadd.s32 $0xFFFFE000  }
0x1d8: {  	_ =	swait.ge [sflag:s15], $0x2000  }
0x1d9: {  	[sflag:s15] =	ssyncset.done $0x0  }
0x1da: {  	[sflag:s15] =	ssyncadd.s32 $0xFFFFE000  }
0x1db: {  	_ =	swait.ge [sflag:s15], $0x2000  }
0x1dc: {  	[sflag:s15] =	ssyncset.done $0x0  }
0x1dd: {  	s25 =	simm.s32 $0x0;
	[sflag:s15] =	ssyncadd.s32 $0xFFFFE000  }
0x1de: {  	v0 =	vld [tilespmem:s25+$0xE430]  }
0x1df: {  	v1 =	vld [tilespmem:s25+$0x8400]  }
0x1e0: {  	v2 =	vld [tilespmem:s25+$0x8410]  }
0x1e1: {  	v3 =	vld [tilespmem:s25+$0x8420]  }
0x1e2: {  	v4 =	vld [tilespmem:s25+$0x8430]  }
0x1e3: {  	v5 =	vld [tilespmem:s25+$0xA400];
	[tilespmem:s25+$0x1C830] =	vst v0  }
0x1e4: {  	[tilespmem:s25+$0x17400] =	vst v1;
	v0 =	vld [tilespmem:s25+$0xA410]  }
0x1e5: {  	[tilespmem:s25+$0x17410] =	vst v2;
	v1 =	vld [tilespmem:s25+$0xA420]  }
0x1e6: {  	[tilespmem:s25+$0x17420] =	vst v3;
	v2 =	vld [tilespmem:s25+$0xA430]  }
0x1e7: {  	[tilespmem:s25+$0x17430] =	vst v4;
	v3 =	vld [tilespmem:s25+$0xC400]  }
0x1e8: {  	[tilespmem:s25+$0x19000] =	vst v5;
	v4 =	vld [tilespmem:s25+$0xC410]  }
0x1e9: {  	[tilespmem:s25+$0x19010] =	vst v0;
	v0 =	vld [tilespmem:s25+$0xC420]  }
0x1ea: {  	[tilespmem:s25+$0x19020] =	vst v1;
	v1 =	vld [tilespmem:s25+$0xC430]  }
0x1eb: {  	[tilespmem:s25+$0x19030] =	vst v2;
	v2 =	vld [tilespmem:s25+$0xE400]  }
0x1ec: {  	[tilespmem:s25+$0x1AC00] =	vst v3;
	v3 =	vld [tilespmem:s25+$0xE410]  }
0x1ed: {  	s26 =	simm.s32 $0x80;
	s0 =	simm.s32 $0x400;
	[tilespmem:s25+$0x1AC10] =	vst v4;
	v4 =	vld [tilespmem:s25+$0xE420]  }
.LBB2_14:
0x1ee: {  	p0 =	sne.s32 s0, $0x6200;
	v5 =	vld [tilespmem:s26+$0xE430];
	[tilespmem:s25+$0x1AC20] =	vst v0  }
0x1ef: {  	v0 =	vld [tilespmem:s26+$0x8400];
	[tilespmem:s25+$0x1AC30] =	vst v1  }
0x1f0: {  	v1 =	vld [tilespmem:s26+$0x8410];
	[tilespmem:s25+$0x1C800] =	vst v2  }
0x1f1: {  	v2 =	vld [tilespmem:s26+$0x8420];
	[tilespmem:s25+$0x1C810] =	vst v3  }
0x1f2: {  	v3 =	vld [tilespmem:s26+$0x8430];
	[tilespmem:s25+$0x1C820] =	vst v4;
	s25 =	smov.u32 s26  }
0x1f3: {  	v4 =	vld [tilespmem:s25+$0xA400];
	[tilespmem:s25+$0x1C830] =	vst v5  }
0x1f4: {  	[tilespmem:s25+$0x17400] =	vst v0;
	v0 =	vld [tilespmem:s25+$0xA410]  }
0x1f5: {  	[tilespmem:s25+$0x17410] =	vst v1;
	v1 =	vld [tilespmem:s25+$0xA420]  }
0x1f6: {  	[tilespmem:s25+$0x17420] =	vst v2;
	v2 =	vld [tilespmem:s25+$0xA430]  }
0x1f7: {  	[tilespmem:s25+$0x17430] =	vst v3;
	v3 =	vld [tilespmem:s25+$0xC400]  }
0x1f8: {  	[tilespmem:s25+$0x19000] =	vst v4;
	v4 =	vld [tilespmem:s25+$0xC410]  }
.Ltmp6:
0x1f9: {  	[tilespmem:s25+$0x19010] =	vst v0;
	v0 =	vld [tilespmem:s25+$0xC420];
	(pc) =	sbr.rel @p0 .LBB2_14-.Ltmp6, $4  }
0x1fa: {  	[tilespmem:s25+$0x19020] =	vst v1;
	v1 =	vld [tilespmem:s25+$0xC430]  }
0x1fb: {  	[tilespmem:s25+$0x19030] =	vst v2;
	v2 =	vld [tilespmem:s25+$0xE400]  }
0x1fc: {  	[tilespmem:s25+$0x1AC00] =	vst v3;
	v3 =	vld [tilespmem:s25+$0xE410]  }
0x1fd: {  	s26 =	sshra.s32 s0, $0x2;
	s0 =	sadd.s32 $0x200, s0;
	[tilespmem:s25+$0x1AC10] =	vst v4;
	v4 =	vld [tilespmem:s25+$0xE420]  }
0x1fe: {  	v5 =	vld [tilespmem:s26+$0xE430];
	[tilespmem:s25+$0x1AC20] =	vst v0  }
0x1ff: {  	v0 =	vld [tilespmem:s26+$0x8400];
	[tilespmem:s25+$0x1AC30] =	vst v1  }
0x200: {  	v1 =	vld [tilespmem:s26+$0x8410];
	[tilespmem:s25+$0x1C800] =	vst v2  }
0x201: {  	v2 =	vld [tilespmem:s26+$0x8420];
	[tilespmem:s25+$0x1C810] =	vst v3  }
0x202: {  	v3 =	vld [tilespmem:s26+$0x8430];
	[tilespmem:s25+$0x1C820] =	vst v4  }
0x203: {  	v4 =	vld [tilespmem:s26+$0xA400];
	[tilespmem:s26+$0x1C830] =	vst v5  }
0x204: {  	v54 =	vld [tilespmem:s26+$0xA410];
	[tilespmem:s26+$0x17400] =	vst v0  }
0x205: {  	v55 =	vld [tilespmem:s26+$0xA420];
	[tilespmem:s26+$0x17410] =	vst v1  }
0x206: {  	v56 =	vld [tilespmem:s26+$0xA430];
	[tilespmem:s26+$0x17420] =	vst v2  }
0x207: {  	v57 =	vld [tilespmem:s26+$0xC400];
	[tilespmem:s26+$0x17430] =	vst v3  }
0x208: {  	v58 =	vld [tilespmem:s26+$0xC410];
	[tilespmem:s26+$0x19000] =	vst v4  }
0x209: {  	v59 =	vld [tilespmem:s26+$0xC420];
	[tilespmem:s26+$0x19010] =	vst v54  }
0x20a: {  	v60 =	vld [tilespmem:s26+$0xC430];
	[tilespmem:s26+$0x19020] =	vst v55  }
0x20b: {  	v61 =	vld [tilespmem:s26+$0xE400];
	[tilespmem:s26+$0x19030] =	vst v56  }
0x20c: {  	v62 =	vld [tilespmem:s26+$0xE410];
	[tilespmem:s26+$0x1AC00] =	vst v57  }
0x20d: {  	v63 =	vld [tilespmem:s26+$0xE420];
	[tilespmem:s26+$0x1AC10] =	vst v58  }
0x20e: {  	[tilespmem:s26+$0x1AC20] =	vst v59  }
0x20f: {  	[tilespmem:s26+$0x1AC30] =	vst v60  }
0x210: {  	[tilespmem:s26+$0x1C800] =	vst v61  }
0x211: {  	[tilespmem:s26+$0x1C810] =	vst v62  }
0x212: {  	s31 =	rddreg [dreg:$0xa];
	[tilespmem:s26+$0x1C820] =	vst v63  }
0x213: {  	[hbm4b:s31+s3] =	stream.linear.scatter [tilespmem:s20], [sflag:$0x4], $0x1900, $0x38;
	[tilespmem:$0x1E400] =	vst v63  }
0x214: {  	s0 =	sadd.s32 $0x380, s31  }
0x215: {  	[hbm4b:s0+s3] =	stream.linear.scatter [tilespmem:s21], [sflag:$0x4], $0x1900, $0x38;
	[tilespmem:$0x1E400] =	vst v63  }
0x216: {  	s26 =	sadd.s32 $0x700, s31  }
0x217: {  	[hbm4b:s26+s3] =	stream.linear.scatter [tilespmem:s22], [sflag:$0x4], $0x1900, $0x38;
	[tilespmem:$0x1E400] =	vst v63  }
0x218: {  	s29 =	sadd.s32 $0xA80, s31  }
0x219: {  	[hbm4b:s29+s3] =	stream.linear.scatter [tilespmem:s23], [sflag:$0x4], $0x1900, $0x38;
	[tilespmem:$0x1E400] =	vst v63  }
0x21a: {  	_ =	swait.ge [sflag:s14], $0x6400  }
0x21b: {  	[sflag:s14] =	ssyncset.done $0x0  }
0x21c: {  	[sflag:s14] =	ssyncadd.s32 $0xFFFF9C00  }
0x21d: {  	_ =	swait.ge [sflag:s24], $0x6400  }
0x21e: {  	s30 =	rddreg [dreg:$0xc]  }
0x21f: {  	s31 =	rddreg [dreg:$0xb];
	s25 =	sadd.s32 $0x1, s30  }
0x220: {  	p0 =	sne.s32 s25, s31  }
.Ltmp7:
0x221: {  	_ = 	snop;
	(pc) =	sbr.rel @p0 .LBB2_1-.Ltmp7, $3  }
0x222: {  	_ =	sdelay $0x1  }
0x223: {  	[sflag:s24] =	ssyncset.done $0x0  }
0x224: {  	[sflag:s24] =	ssyncadd.s32 $0xFFFF9C00  }
0x225: {  	_ =	sfence.sel $0x180000  }
0x226: {  	[bflag:$0x0] =	sbarrier.arrive $0xFFFF  }
0x227: {  	_ =	strace $0x90000047  }
0x228: {  	s0 =	stileid.u32;
	[bflag:$0x2] =	sbarrier.arrive $0xFFFF  }
0x229: {  	p0 =	sne.s32 s0, $0x0;
	s0 =	rddreg [dreg:$0x2]  }
0x22a: {  	s0 =	sadd.s32 @!p0 $0x100000, s0  }
0x22b: {  	[sflag:s0] =	ssyncadd.tile.s32 @!p0 $0x1;
	_ =	shalt  }
.Lfunc_end2:
_tile_overlayer_lowered:
.L_overlay_start_2:
0x22c: {  	(tag) =	ssettag $0x2  }
0x22d: {  	s0 =	rddreg [dreg:$0x0];
	s2 =	stileid.u32  }
0x22e: {  	s1 =	rddreg [dreg:$0x1];
	p0 =	sne.s32 s2, $0x0  }
0x22f: {  	s3 =	rddreg [dreg:$0x2];
	[bflag:$0x3] =	sbarrier.arrive $0xFFFF;
	s2 =	simm.s32 @!p0 $0x1C05  }
0x230: {  	[timem:s3], [sflag:s2] =	dma.local @!p0 [hbm:s0], s1  }
0x231: {  	s0 =	simm.s32 @!p0 $0x5  }
0x232: {  	_ =	swait.ge @!p0 [sflag:s0], s1  }
0x233: {  	s1 =	ssub.s32 @!p0 $0x0, s1;
	[sflag:s0] =	ssyncset.done @!p0 $0x0  }
0x234: {  	[sflag:s0] =	ssyncadd.s32 @!p0 s1  }
0x235: {  	[bflag:$0x3] =	sbarrier.arrive $0xFFFF  }
0x236: {  	_ =	shalt  }

</sc_bundles>
